<compile_context>
chip_gen: v7x
topology: tpu7x:2x2x1
jax: 0.10.2.dev20260603
libtpu: 0.0.44.dev20260713+nightly
codegen_flags: <defaults>
</compile_context>

<pallas_src>
import functools

import jax
import jax.numpy as jnp
from jax import lax
from jax.experimental import pallas as pl
from jax.experimental.pallas import tpu as pltpu
from jax.experimental.pallas import tpu_sc as plsc

N, C, H, W = 4, 96, 224, 224
NHW = N * H * W
CP = 128
R = 10240
NPASS = 10
ROWS_PAD = 204800
NSUB = 16
SHARE = NHW // (2 * NSUB) * 2
SEG = 896
NSEGV = SEG // 16
G = 32
STRIDE = SEG + G
TPS = R // NSUB
NB = 16


def _prep_body(flo_ref, ids_ref, w_ref, smin_ref, smax_ref):
    n = pl.program_id(0)
    y = flo_ref[0, 0]
    x = flo_ref[0, 1]
    x1 = jnp.floor(x)
    y1 = jnp.floor(y)
    fx = x - x1
    fy = y - y1
    ih = lax.broadcasted_iota(jnp.int32, (H, W), 0)
    iw = lax.broadcasted_iota(jnp.int32, (H, W), 1)
    ix1 = x1.astype(jnp.int32) + ih
    iy1 = y1.astype(jnp.int32) + iw
    ix2 = ix1 + 1
    iy2 = iy1 + 1
    base = n * (H * W) + ih * W + iw
    a1 = fx * fx
    a2 = (fx - 1.0) * (fx - 1.0)
    b1 = fy * fy
    b2 = (fy - 1.0) * (fy - 1.0)
    mx1 = (ix1 >= 0) & (ix1 < H)
    mx2 = (ix2 >= 0) & (ix2 < H)
    my1 = (iy1 >= 0) & (iy1 < W)
    my2 = (iy2 >= 0) & (iy2 < W)
    combos = (
        (mx1 & my1, ix1, iy1, jnp.exp(-(a1 + b1))),
        (mx1 & my2, ix1, iy2, jnp.exp(-(a1 + b2))),
        (mx2 & my1, ix2, iy1, jnp.exp(-(a2 + b1))),
        (mx2 & my2, ix2, iy2, jnp.exp(-(a2 + b2))),
    )
    tmin = None
    tmax = None
    for k, (m, ix, iy, wk) in enumerate(combos):
        tid = n * (H * W) + ix * W + iy
        tid = jnp.where(m, tid, base)
        ids_ref[k, 0] = tid
        w_ref[k, 0] = jnp.where(m, wk, 0.0)
        tmin = tid if tmin is None else jnp.minimum(tmin, tid)
        tmax = tid if tmax is None else jnp.maximum(tmax, tid)
    sm = jnp.min(jnp.min(tmin.reshape(56, 4, W), axis=1), axis=1)
    sx = jnp.max(jnp.max(tmax.reshape(56, 4, W), axis=1), axis=1)
    smin_ref[0, 0] = jnp.concatenate([sm, jnp.full((8,), 2 ** 30, jnp.int32)])
    smax_ref[0, 0] = jnp.concatenate([sx, jnp.full((8,), -1, jnp.int32)])


def _prep(flo):
    return pl.pallas_call(
        _prep_body,
        grid=(N,),
        in_specs=[pl.BlockSpec((1, 2, H, W), lambda n: (n, 0, 0, 0))],
        out_specs=[
            pl.BlockSpec((4, 1, H, W), lambda n: (0, n, 0, 0)),
            pl.BlockSpec((4, 1, H, W), lambda n: (0, n, 0, 0)),
            pl.BlockSpec((1, 8, 64), lambda n: (n, 0, 0)),
            pl.BlockSpec((1, 8, 64), lambda n: (n, 0, 0)),
        ],
        out_shape=[
            jax.ShapeDtypeStruct((4, N, H, W), jnp.int32),
            jax.ShapeDtypeStruct((4, N, H, W), jnp.float32),
            jax.ShapeDtypeStruct((N, 8, 64), jnp.int32),
            jax.ShapeDtypeStruct((N, 8, 64), jnp.int32),
        ],
    )(flo)


_HC = 7
_HB = H // _HC
_RB = _HB * W


def _tin_body(img_ref, out_ref):
    x = img_ref[0].reshape(C, _RB)
    xp = jnp.concatenate([x, jnp.zeros((CP - C, _RB), jnp.float32)], axis=0)
    out_ref[...] = xp.T


def _to_rows(img):
    return pl.pallas_call(
        _tin_body,
        grid=(N, _HC),
        in_specs=[pl.BlockSpec((1, C, _HB, W), lambda n, h: (n, 0, h, 0))],
        out_specs=pl.BlockSpec((_RB, CP), lambda n, h: (n * _HC + h, 0)),
        out_shape=jax.ShapeDtypeStruct((NHW, CP), jnp.float32),
    )(img)


def _post_body(rows_ref, ws_ref, img_ref, one_ref):
    xt = rows_ref[...].T
    img_ref[0] = xt[:C].reshape(C, _HB, W)
    wv = ws_ref[...]
    one_ref[0] = jnp.broadcast_to(wv[None, :], (C, _RB)).reshape(C, _HB, W)


def _post(rows, wsum):
    return pl.pallas_call(
        _post_body,
        grid=(N, _HC),
        in_specs=[
            pl.BlockSpec((_RB, CP), lambda n, h: (n * _HC + h, 0)),
            pl.BlockSpec((_RB,), lambda n, h: (n * _HC + h,)),
        ],
        out_specs=[
            pl.BlockSpec((1, C, _HB, W), lambda n, h: (n, 0, h, 0)),
            pl.BlockSpec((1, C, _HB, W), lambda n, h: (n, 0, h, 0)),
        ],
        out_shape=[
            jax.ShapeDtypeStruct((N, C, H, W), jnp.float32),
            jax.ShapeDtypeStruct((N, C, H, W), jnp.float32),
        ],
    )(rows, wsum)


def _sc_body(imgt, ids4, w4, smin, smax, out_rows, out_ws,
             stg_i, stg_w, src_b, idx_b, wv_b, rows_v, scaled, idx_c,
             zb, zw, vb, wb, sm_v, sx_v, band, wband,
             sem_t, sem_g, sem_s, sem_z, sem_w):
    cid = lax.axis_index("c")
    sid = lax.axis_index("s")
    opq = (cid + sid) >> 10
    iota = lax.iota(jnp.int32, 16)
    pad_src = (iota * 401 + (sid * 2 + cid) * 977) % NHW
    pad_idx = (iota * 73 + sid * 131) % R
    zeros16 = jnp.zeros((16,), jnp.float32)

    def _z1(t, _):
        i, j = t // 8, t % 8
        zb[i, pl.ds(j * 16, 16)] = zeros16
        return 0
    lax.fori_loop(0, NB * 8, _z1, 0)

    def _z2(j, _):
        zw[pl.ds(j * 16, 16)] = zeros16
        return 0
    lax.fori_loop(0, TPS // 16, _z2, 0)

    pltpu.async_copy(smin, sm_v, sem_g).wait()
    pltpu.async_copy(smax, sx_v, sem_g).wait()

    def _zero_shared():
        def _zf(j, _):
            pltpu.async_copy(
                zb, band.at[pl.ds(sid * TPS + j * NB, NB)], sem_z)
            return 0

        def _zd(j, _):
            pltpu.make_async_copy(
                zb, band.at[pl.ds(sid * TPS + j * NB, NB)], sem_z).wait()
            return 0

        lax.fori_loop(0, TPS // NB + opq, _zf, 0)
        pltpu.async_copy(zw, wband.at[pl.ds(sid * TPS, TPS)], sem_z)
        lax.fori_loop(0, TPS // NB + opq, _zd, 0)
        pltpu.make_async_copy(
            zw, wband.at[pl.ds(sid * TPS, TPS)], sem_z).wait()

    with jax.named_scope("zero0"):
        _zero_shared()
    plsc.subcore_barrier()

    def _pass(p, _):
        lo = (2 * p + cid) * R
        hi = lo + R

        def _segment(seg, _):
            gs = seg * NSUB + sid
            seg_off = gs * SEG
            smidx = gs + (gs // 56) * 8
            gsv = jnp.full((16,), smidx, jnp.int32)
            sm = plsc.load_gather(sm_v, [gsv])[0]
            sx = plsc.load_gather(sx_v, [gsv])[0]

            @pl.when((sx >= lo) & (sm < hi))
            def _do_segment():
                def _stf(k, _):
                    pltpu.async_copy(ids4.at[k, pl.ds(seg_off, SEG)],
                                     stg_i.at[k], sem_t)
                    pltpu.async_copy(w4.at[k, pl.ds(seg_off, SEG)],
                                     stg_w.at[k], sem_t)
                    return 0

                def _std(k, _):
                    pltpu.make_async_copy(ids4.at[k, pl.ds(seg_off, SEG)],
                                          stg_i.at[k], sem_t).wait()
                    pltpu.make_async_copy(w4.at[k, pl.ds(seg_off, SEG)],
                                          stg_w.at[k], sem_t).wait()
                    return 0

                with jax.named_scope("stage_in"):
                    lax.fori_loop(0, 4 + opq, _stf, 0)
                    lax.fori_loop(0, 4 + opq, _std, 0)

                def _scan(v, count):
                    tids = [stg_i[k, pl.ds(v * 16, 16)] for k in range(4)]
                    inb = [(t >= lo) & (t < hi) for t in tids]
                    m = inb[0] | inb[1] | inb[2] | inb[3]
                    cnt = plsc.all_reduce_population_count(m)[0]
                    svec = iota + (seg_off + v * 16)
                    plsc.store_compressed(src_b.at[pl.ds(count, 16)], svec,
                                          mask=m)
                    for k in range(4):
                        lidx = jnp.clip(tids[k] - lo, 0, R - 1)
                        wk = stg_w[k, pl.ds(v * 16, 16)]
                        weff = jnp.where(inb[k], wk, 0.0)
                        plsc.store_compressed(
                            idx_b.at[pl.ds(k * STRIDE + count, 16)], lidx,
                            mask=m)
                        plsc.store_compressed(
                            wv_b.at[pl.ds(k * STRIDE + count, 16)], weff,
                            mask=m)
                    return count + cnt

                with jax.named_scope("scan"):
                    count = lax.fori_loop(0, NSEGV, _scan, 0)

                target = (count + G - 1) // G * G

                def _pad(i, c):
                    src_b[pl.ds(c, 16)] = pad_src
                    for k in range(4):
                        idx_b[pl.ds(k * STRIDE + c, 16)] = pad_idx
                        wv_b[pl.ds(k * STRIDE + c, 16)] = zeros16
                    return c + 16

                lax.fori_loop(0, (target - count + 15) // 16, _pad, count)

                def _drain_sc():
                    def _d(k, _):
                        pltpu.make_async_copy(
                            scaled.at[k], band.at[idx_c.at[k]],
                            sem_s).wait()
                        pltpu.make_async_copy(
                            wv_b.at[pl.ds(k * STRIDE, G)],
                            wband.at[idx_c.at[k]], sem_s).wait()
                        return 0

                    lax.fori_loop(0, 4 + opq, _d, 0)

                nch = target // G

                @pl.when(nch > 0)
                def _():
                    pltpu.async_copy(
                        imgt.at[src_b.at[pl.ds(0, G)]], rows_v, sem_g)

                def _chunk(ch, _):
                    c0 = ch * G

                    @pl.when(ch > 0)
                    def _():
                        _drain_sc()

                    for k in range(4):
                        for j in range(G // 16):
                            idx_c[k, pl.ds(j * 16, 16)] = (
                                idx_b[pl.ds(k * STRIDE + c0 + j * 16, 16)])
                    pltpu.make_async_copy(
                        imgt.at[src_b.at[pl.ds(c0, G)]], rows_v, sem_g).wait()

                    def _row(r, _):
                        rv = [rows_v[r, pl.ds(i * 16, 16)]
                              for i in range(8)]
                        for k in range(4):
                            ridx = jnp.full(
                                (16,), k * STRIDE + c0 + r, jnp.int32)
                            wsc = plsc.load_gather(wv_b, [ridx])
                            for i in range(8):
                                scaled[k, r, pl.ds(i * 16, 16)] = (
                                    rv[i] * wsc)
                        return 0

                    lax.fori_loop(0, G, _row, 0)

                    @pl.when(ch + 1 < nch)
                    def _():
                        pltpu.async_copy(
                            imgt.at[src_b.at[pl.ds(c0 + G, G)]], rows_v,
                            sem_g)

                    def _f(k, _):
                        pltpu.async_copy(
                            scaled.at[k], band.at[idx_c.at[k]], sem_s,
                            add=True)
                        pltpu.async_copy(
                            wv_b.at[pl.ds(k * STRIDE + c0, G)],
                            wband.at[idx_c.at[k]], sem_s, add=True)
                        return 0

                    lax.fori_loop(0, 4 + opq, _f, 0)
                    return 0

                with jax.named_scope("chunks"):
                    lax.fori_loop(0, nch, _chunk, 0)

                @pl.when(target > 0)
                def _():
                    _drain_sc()

            return 0

        lax.fori_loop(0, SHARE // SEG, _segment, 0)
        plsc.subcore_barrier()
        g0 = (2 * p + cid) * R + sid * TPS

        def _wo(j, _):
            b = j % 2

            @pl.when(j >= 2)
            def _():
                pltpu.make_async_copy(
                    vb.at[b], out_rows.at[pl.ds(g0 + j * NB, NB)],
                    sem_w).wait()

            pltpu.async_copy(band.at[pl.ds(sid * TPS + j * NB, NB)],
                             vb.at[b], sem_g).wait()
            pltpu.async_copy(vb.at[b], out_rows.at[pl.ds(g0 + j * NB, NB)],
                             sem_w)
            return 0

        with jax.named_scope("writeout"):
            lax.fori_loop(0, TPS // NB + opq, _wo, 0)

        def _wd(j, _):
            pltpu.make_async_copy(
                vb.at[j], out_rows.at[pl.ds(g0 + j * NB, NB)], sem_w).wait()
            return 0

        lax.fori_loop(0, 2 + opq, _wd, 0)
        pltpu.async_copy(wband.at[pl.ds(sid * TPS, TPS)], wb, sem_g).wait()
        pltpu.async_copy(wb, out_ws.at[pl.ds(g0, TPS)], sem_g).wait()
        with jax.named_scope("rezero"):
            _zero_shared()
        plsc.subcore_barrier()
        return 0

    lax.fori_loop(0, NPASS, _pass, 0)


def _sc_scatter(imgt, ids4, w4, smin, smax):
    kfn = pl.kernel(
        _sc_body,
        out_type=[
            jax.ShapeDtypeStruct((ROWS_PAD, CP), jnp.float32),
            jax.ShapeDtypeStruct((ROWS_PAD,), jnp.float32),
        ],
        mesh=plsc.VectorSubcoreMesh(core_axis_name="c", subcore_axis_name="s"),
        compiler_params=pltpu.CompilerParams(needs_layout_passes=False),
        scratch_types=[
            pltpu.VMEM((4, SEG), jnp.int32),
            pltpu.VMEM((4, SEG), jnp.float32),
            pltpu.VMEM((SEG + G,), jnp.int32),
            pltpu.VMEM((4 * (SEG + G),), jnp.int32),
            pltpu.VMEM((4 * (SEG + G),), jnp.float32),
            pltpu.VMEM((G, CP), jnp.float32),
            pltpu.VMEM((4, G, CP), jnp.float32),
            pltpu.VMEM((4, G), jnp.int32),
            pltpu.VMEM((NB, CP), jnp.float32),
            pltpu.VMEM((TPS,), jnp.float32),
            pltpu.VMEM((2, NB, CP), jnp.float32),
            pltpu.VMEM((TPS,), jnp.float32),
            pltpu.VMEM((256,), jnp.int32),
            pltpu.VMEM((256,), jnp.int32),
            pltpu.VMEM_SHARED((R, CP), jnp.float32),
            pltpu.VMEM_SHARED((R,), jnp.float32),
            pltpu.SemaphoreType.DMA,
            pltpu.SemaphoreType.DMA,
            pltpu.SemaphoreType.DMA,
            pltpu.SemaphoreType.DMA,
            pltpu.SemaphoreType.DMA,
        ],
    )
    return kfn(imgt, ids4, w4, smin, smax)


def kernel(img, flo):
    ids4, w4, smin, smax = _prep(flo)
    ids4 = ids4.reshape(4, NHW)
    w4 = w4.reshape(4, NHW)
    smin = smin[:, 0, :].reshape(256)
    smax = smax[:, 0, :].reshape(256)
    imgt = _to_rows(img)
    out_rows, wsum = _sc_scatter(imgt, ids4, w4, smin, smax)
    return _post(out_rows[:NHW], wsum[:NHW])

# --- scband reference (transcript-rebuilt; emitter-appended) ---
"""Pipeline reference for scband-flow-reversal-55336358643335 (READ-ONLY COPY).

The authoritative reference and input builder live on the scoring server;
editing this copy changes nothing except your own understanding.
"""

import jax, jax.numpy as jnp
import numpy as np


def setup_inputs(seed: int = 0) -> dict:
    key = jax.random.key(seed)
    k1, k2 = jax.random.split(key)
    img = jax.random.normal(k1, (4, 96, 224, 224), dtype=jnp.float32)
    # flow displacements: mostly small, some out-of-range to exercise the mask
    flo = jax.random.normal(k2, (4, 2, 224, 224), dtype=jnp.float32) * 2.0
    return {"img": img, "flo": flo}


def _get_gaussian_weights(x, y, x1, x2, y1, y2):
    w11 = jnp.exp(-((x - x1) ** 2 + (y - y1) ** 2))
    w12 = jnp.exp(-((x - x1) ** 2 + (y - y2) ** 2))
    w21 = jnp.exp(-((x - x2) ** 2 + (y - y1) ** 2))
    w22 = jnp.exp(-((x - x2) ** 2 + (y - y2) ** 2))
    return w11, w12, w21, w22


def _sample_one(img, shiftx, shifty, weight):
    N, C, H, W = img.shape
    basex = jnp.arange(H, dtype=jnp.int32).reshape(1, 1, H, 1)
    basey = jnp.arange(W, dtype=jnp.int32).reshape(1, 1, 1, W)
    # torch .long() on floor(x) values == floor as int
    idxx = shiftx.astype(jnp.int32) + basex
    idxy = shifty.astype(jnp.int32) + basey
    mask = (idxx >= 0) & (idxx < H) & (idxy >= 0) & (idxy < W)
    idxn = jnp.arange(N, dtype=jnp.int32).reshape(N, 1, 1, 1)
    idxc = jnp.arange(C, dtype=jnp.int32).reshape(1, C, 1, 1)
    ids = ((idxn * C + idxc) * H + idxx) * W + idxy
    ids = jnp.where(mask, ids, 0)
    w_masked = jnp.where(mask, weight, 0.0)
    flat_ids = ids.reshape(-1)
    img_warp = jnp.zeros((N * C * H * W,), dtype=img.dtype).at[flat_ids].add((img * w_masked).reshape(-1))
    one_warp = jnp.zeros((N * C * H * W,), dtype=img.dtype).at[flat_ids].add(w_masked.reshape(-1))
    return img_warp.reshape(N, C, H, W), one_warp.reshape(N, C, H, W)


def reference(img, flo):
    N, C, H, W = img.shape
    y = flo[:, 0:1, :, :]
    x = flo[:, 1:2, :, :]
    x = jnp.broadcast_to(x, (N, C, H, W))
    y = jnp.broadcast_to(y, (N, C, H, W))
    x1 = jnp.floor(x)
    x2 = x1 + 1
    y1 = jnp.floor(y)
    y2 = y1 + 1
    w11, w12, w21, w22 = _get_gaussian_weights(x, y, x1, x2, y1, y2)
    img11, o11 = _sample_one(img, x1, y1, w11)
    img12, o12 = _sample_one(img, x1, y2, w12)
    img21, o21 = _sample_one(img, x2, y1, w21)
    img22, o22 = _sample_one(img, x2, y2, w22)
    imgw = img11 + img12 + img21 + img22
    o = o11 + o12 + o21 + o22
    return (imgw, o)

if __name__ == "__main__":
    import jax
    _d = setup_inputs()
    print(jax.jit(kernel)(*tuple(_d.values())))

</pallas_src>

<mosaic_0001>
#map = affine_map<(d0, d1) -> (0, 0)>
#map1 = affine_map<(d0, d1) -> (0)>
module attributes {stable_mosaic.version = 14 : i64} {
  func.func @_sc_body(%arg0: i32, %arg1: i32, %arg2: memref<200704x128xf32, #tpu.memory_space<hbm>>, %arg3: memref<4x200704xi32, #tpu.memory_space<hbm>>, %arg4: memref<4x200704xf32, #tpu.memory_space<hbm>>, %arg5: memref<256xi32, #tpu.memory_space<hbm>>, %arg6: memref<256xi32, #tpu.memory_space<hbm>>, %arg7: memref<204800x128xf32, #tpu.memory_space<hbm>>, %arg8: memref<204800xf32, #tpu.memory_space<hbm>>, %arg9: memref<4x896xi32, #tpu.memory_space<vmem>>, %arg10: memref<4x896xf32, #tpu.memory_space<vmem>>, %arg11: memref<928xi32, #tpu.memory_space<vmem>>, %arg12: memref<3712xi32, #tpu.memory_space<vmem>>, %arg13: memref<3712xf32, #tpu.memory_space<vmem>>, %arg14: memref<32x128xf32, #tpu.memory_space<vmem>>, %arg15: memref<4x32x128xf32, #tpu.memory_space<vmem>>, %arg16: memref<4x32xi32, #tpu.memory_space<vmem>>, %arg17: memref<16x128xf32, #tpu.memory_space<vmem>>, %arg18: memref<640xf32, #tpu.memory_space<vmem>>, %arg19: memref<2x16x128xf32, #tpu.memory_space<vmem>>, %arg20: memref<640xf32, #tpu.memory_space<vmem>>, %arg21: memref<256xi32, #tpu.memory_space<vmem>>, %arg22: memref<256xi32, #tpu.memory_space<vmem>>, %arg23: memref<10240x128xf32, #tpu.memory_space<vmem_shared>>, %arg24: memref<10240xf32, #tpu.memory_space<vmem_shared>>, %arg25: memref<!tpu.dma_semaphore, #tpu.memory_space<semaphore_mem>>, %arg26: memref<!tpu.dma_semaphore, #tpu.memory_space<semaphore_mem>>, %arg27: memref<!tpu.dma_semaphore, #tpu.memory_space<semaphore_mem>>, %arg28: memref<!tpu.dma_semaphore, #tpu.memory_space<semaphore_mem>>, %arg29: memref<!tpu.dma_semaphore, #tpu.memory_space<semaphore_mem>>) attributes {dimension_semantics = [#tpu.dimension_semantics<core_parallel>, #tpu.dimension_semantics<subcore_parallel>], iteration_bounds = array<i64: 2, 16>, scalar_prefetch = 0 : i64, scratch_operands = 21 : i64, tpu.core_type = #tpu.core_type<sc_vector_subcore>, window_params = [{transform_indices = #map}, {transform_indices = #map}, {transform_indices = #map}, {transform_indices = #map1}, {transform_indices = #map1}, {transform_indices = #map}, {transform_indices = #map1}]} {
    %add3A = arith.addi %arg0, %arg1 : i32
    %shift_right_arithmetic3A = arith.constant 10 : i32
    %shift_right_arithmetic3A_0 = arith.shrsi %add3A, %shift_right_arithmetic3A : i32
    %iota3A = tpu.iota {dimensions = array<i32: 0>} : vector<16xi32>
    %mul3A = arith.constant 401 : i32
    %mul3A_1 = vector.broadcast %mul3A : i32 to vector<16xi32>
    %mul3A_2 = arith.muli %iota3A, %mul3A_1 : vector<16xi32>
    %mul3A_3 = arith.constant 2 : i32
    %mul3A_4 = arith.muli %arg1, %mul3A_3 : i32
    %add3A_5 = arith.addi %mul3A_4, %arg0 : i32
    %mul3A_6 = arith.constant 977 : i32
    %mul3A_7 = arith.muli %add3A_5, %mul3A_6 : i32
    %add3A_8 = vector.broadcast %mul3A_7 : i32 to vector<16xi32>
    %add3A_9 = arith.addi %mul3A_2, %add3A_8 : vector<16xi32>
    %jit3A = arith.constant 200704 : i32
    %eq3A = arith.constant 0 : i32
    %eq3A_10 = arith.cmpi eq, %jit3A, %eq3A : i32
    %jit3A_11 = arith.constant 1 : i32
    %select_n3A = arith.select %eq3A_10, %jit3A_11, %jit3A : i32
    %rem3A = vector.broadcast %select_n3A : i32 to vector<16xi32>
    %rem3A_12 = arith.remsi %add3A_9, %rem3A : vector<16xi32>
    %ne3A = arith.constant 0 : i32
    %ne3A_13 = vector.broadcast %ne3A : i32 to vector<16xi32>
    %ne3A_14 = arith.cmpi ne, %rem3A_12, %ne3A_13 : vector<16xi32>
    %lt3A = arith.constant 0 : i32
    %lt3A_15 = vector.broadcast %lt3A : i32 to vector<16xi32>
    %lt3A_16 = arith.cmpi slt, %rem3A_12, %lt3A_15 : vector<16xi32>
    %lt3A_17 = arith.constant 0 : i32
    %lt3A_18 = arith.cmpi slt, %select_n3A, %lt3A_17 : i32
    %ne3A_19 = vector.broadcast %lt3A_18 : i1 to vector<16xi1>
    %ne3A_20 = vector.broadcast %ne3A_19 : vector<16xi1> to vector<16xi1>
    %ne3A_21 = arith.xori %lt3A_16, %ne3A_20 : vector<16xi1>
    %and3A = arith.andi %ne3A_21, %ne3A_14 : vector<16xi1>
    %add3A_22 = vector.broadcast %select_n3A : i32 to vector<16xi32>
    %add3A_23 = arith.addi %rem3A_12, %add3A_22 : vector<16xi32>
    %select_n3A_24 = arith.select %and3A, %add3A_23, %rem3A_12 : vector<16xi1>, vector<16xi32>
    %mul3A_25 = arith.constant 73 : i32
    %mul3A_26 = vector.broadcast %mul3A_25 : i32 to vector<16xi32>
    %mul3A_27 = arith.muli %iota3A, %mul3A_26 : vector<16xi32>
    %mul3A_28 = arith.constant 131 : i32
    %mul3A_29 = arith.muli %arg1, %mul3A_28 : i32
    %add3A_30 = vector.broadcast %mul3A_29 : i32 to vector<16xi32>
    %add3A_31 = arith.addi %mul3A_27, %add3A_30 : vector<16xi32>
    %jit3A_32 = arith.constant 10240 : i32
    %eq3A_33 = arith.constant 0 : i32
    %eq3A_34 = arith.cmpi eq, %jit3A_32, %eq3A_33 : i32
    %jit3A_35 = arith.constant 1 : i32
    %select_n3A_36 = arith.select %eq3A_34, %jit3A_35, %jit3A_32 : i32
    %rem3A_37 = vector.broadcast %select_n3A_36 : i32 to vector<16xi32>
    %rem3A_38 = arith.remsi %add3A_31, %rem3A_37 : vector<16xi32>
    %ne3A_39 = arith.constant 0 : i32
    %ne3A_40 = vector.broadcast %ne3A_39 : i32 to vector<16xi32>
    %ne3A_41 = arith.cmpi ne, %rem3A_38, %ne3A_40 : vector<16xi32>
    %lt3A_42 = arith.constant 0 : i32
    %lt3A_43 = vector.broadcast %lt3A_42 : i32 to vector<16xi32>
    %lt3A_44 = arith.cmpi slt, %rem3A_38, %lt3A_43 : vector<16xi32>
    %lt3A_45 = arith.constant 0 : i32
    %lt3A_46 = arith.cmpi slt, %select_n3A_36, %lt3A_45 : i32
    %ne3A_47 = vector.broadcast %lt3A_46 : i1 to vector<16xi1>
    %ne3A_48 = vector.broadcast %ne3A_47 : vector<16xi1> to vector<16xi1>
    %ne3A_49 = arith.xori %lt3A_44, %ne3A_48 : vector<16xi1>
    %and3A_50 = arith.andi %ne3A_49, %ne3A_41 : vector<16xi1>
    %add3A_51 = vector.broadcast %select_n3A_36 : i32 to vector<16xi32>
    %add3A_52 = arith.addi %rem3A_38, %add3A_51 : vector<16xi32>
    %select_n3A_53 = arith.select %and3A_50, %add3A_52, %rem3A_38 : vector<16xi1>, vector<16xi32>
    %broadcast_in_dim3A = arith.constant 0.000000e+00 : f32
    %broadcast_in_dim3A_54 = vector.broadcast %broadcast_in_dim3A : f32 to vector<16xf32>
    %scan3A = arith.constant 0 : i32
    %scan3A_55 = arith.constant 0 : i32
    %scan3A_56 = arith.constant 128 : i32
    %scan3A_57 = arith.addi %scan3A_55, %scan3A_56 : i32
    %scan3A_58 = arith.constant 1 : i32
    %scan3A_59 = scf.for %scan3A_108 = %scan3A_55 to %scan3A_57 step %scan3A_58 iter_args(%scan3A_109 = %scan3A) -> (i32)  : i32 {
      %jit3A_110 = arith.constant 8 : i32
      %div3A = arith.divsi %scan3A_108, %jit3A_110 : i32
      %sign3A = arith.constant 0 : i32
      %sign3A_111 = arith.cmpi sgt, %scan3A_108, %sign3A : i32
      %sign3A_112 = arith.extui %sign3A_111 : i1 to i32
      %sign3A_113 = arith.constant 0 : i32
      %sign3A_114 = arith.cmpi slt, %scan3A_108, %sign3A_113 : i32
      %sign3A_115 = arith.extui %sign3A_114 : i1 to i32
      %sign3A_116 = arith.subi %sign3A_112, %sign3A_115 : i32
      %sign3A_117 = arith.constant 0 : i32
      %sign3A_118 = arith.cmpi sgt, %jit3A_110, %sign3A_117 : i32
      %sign3A_119 = arith.extui %sign3A_118 : i1 to i32
      %sign3A_120 = arith.constant 0 : i32
      %sign3A_121 = arith.cmpi slt, %jit3A_110, %sign3A_120 : i32
      %sign3A_122 = arith.extui %sign3A_121 : i1 to i32
      %sign3A_123 = arith.subi %sign3A_119, %sign3A_122 : i32
      %ne3A_124 = arith.cmpi ne, %sign3A_116, %sign3A_123 : i32
      %rem3A_125 = arith.remsi %scan3A_108, %jit3A_110 : i32
      %ne3A_126 = arith.constant 0 : i32
      %ne3A_127 = arith.cmpi ne, %rem3A_125, %ne3A_126 : i32
      %and3A_128 = arith.andi %ne3A_124, %ne3A_127 : i1
      %sub3A = arith.constant 1 : i32
      %sub3A_129 = arith.subi %div3A, %sub3A : i32
      %select_n3A_130 = arith.select %and3A_128, %sub3A_129, %div3A : i32
      %jit3A_131 = arith.constant 8 : i32
      %eq3A_132 = arith.constant 0 : i32
      %eq3A_133 = arith.cmpi eq, %jit3A_131, %eq3A_132 : i32
      %jit3A_134 = arith.constant 1 : i32
      %select_n3A_135 = arith.select %eq3A_133, %jit3A_134, %jit3A_131 : i32
      %rem3A_136 = arith.remsi %scan3A_108, %select_n3A_135 : i32
      %ne3A_137 = arith.constant 0 : i32
      %ne3A_138 = arith.cmpi ne, %rem3A_136, %ne3A_137 : i32
      %lt3A_139 = arith.constant 0 : i32
      %lt3A_140 = arith.cmpi slt, %rem3A_136, %lt3A_139 : i32
      %lt3A_141 = arith.constant 0 : i32
      %lt3A_142 = arith.cmpi slt, %select_n3A_135, %lt3A_141 : i32
      %ne3A_143 = arith.xori %lt3A_140, %lt3A_142 : i1
      %and3A_144 = arith.andi %ne3A_143, %ne3A_138 : i1
      %add3A_145 = arith.addi %rem3A_136, %select_n3A_135 : i32
      %select_n3A_146 = arith.select %and3A_144, %add3A_145, %rem3A_136 : i32
      %mul3A_147 = arith.constant 16 : i32
      %mul3A_148 = arith.muli %select_n3A_146, %mul3A_147 : i32
      %swap3A = arith.index_cast %select_n3A_130 : i32 to index
      %swap3A_149 = arith.index_cast %mul3A_148 : i32 to index
      %swap3A_150 = tpu.vector_load %arg17[%swap3A, %swap3A_149] {strides = array<i32>} : memref<16x128xf32, #tpu.memory_space<vmem>>, vector<16xf32>,
      tpu.vector_store %arg17[%swap3A, %swap3A_149], %broadcast_in_dim3A_54 {strides = array<i32>} : memref<16x128xf32, #tpu.memory_space<vmem>>, vector<16xf32>,
      %scan3A_151 = arith.constant 0 : i32
      scf.yield %scan3A_151 : i32
    }
    %scan3A_60 = arith.constant 128 : i32
    %scan3A_61 = arith.constant 0 : i32
    %scan3A_62 = arith.constant 0 : i32
    %scan3A_63 = arith.constant 40 : i32
    %scan3A_64 = arith.addi %scan3A_62, %scan3A_63 : i32
    %scan3A_65 = arith.constant 1 : i32
    %scan3A_66 = scf.for %scan3A_108 = %scan3A_62 to %scan3A_64 step %scan3A_65 iter_args(%scan3A_109 = %scan3A_61) -> (i32)  : i32 {
      %mul3A_110 = arith.constant 16 : i32
      %mul3A_111 = arith.muli %scan3A_108, %mul3A_110 : i32
      %swap3A = arith.index_cast %mul3A_111 : i32 to index
      %swap3A_112 = tpu.vector_load %arg18[%swap3A] {strides = array<i32>} : memref<640xf32, #tpu.memory_space<vmem>>, vector<16xf32>,
      tpu.vector_store %arg18[%swap3A], %broadcast_in_dim3A_54 {strides = array<i32>} : memref<640xf32, #tpu.memory_space<vmem>>, vector<16xf32>,
      %scan3A_113 = arith.constant 0 : i32
      scf.yield %scan3A_113 : i32
    }
    %scan3A_67 = arith.constant 40 : i32
    tpu.enqueue_dma source(%arg5 : memref<256xi32, #tpu.memory_space<hbm>>) target(%arg21 : memref<256xi32, #tpu.memory_space<vmem>>) target_semaphore(%arg26 : memref<!tpu.dma_semaphore, #tpu.memory_space<semaphore_mem>>)
    tpu.wait_dma2 semaphore(%arg26 : memref<!tpu.dma_semaphore, #tpu.memory_space<semaphore_mem>>) src(%arg5 : memref<256xi32, #tpu.memory_space<hbm>>) dst(%arg21 : memref<256xi32, #tpu.memory_space<vmem>>)
    tpu.enqueue_dma source(%arg6 : memref<256xi32, #tpu.memory_space<hbm>>) target(%arg22 : memref<256xi32, #tpu.memory_space<vmem>>) target_semaphore(%arg26 : memref<!tpu.dma_semaphore, #tpu.memory_space<semaphore_mem>>)
    tpu.wait_dma2 semaphore(%arg26 : memref<!tpu.dma_semaphore, #tpu.memory_space<semaphore_mem>>) src(%arg6 : memref<256xi32, #tpu.memory_space<hbm>>) dst(%arg22 : memref<256xi32, #tpu.memory_space<vmem>>)
    "tpu.trace_start"() <{level = 10 : i32, message = "zero0"}> : () -> ()
    %add3A_68 = arith.constant 40 : i32
    %add3A_69 = arith.addi %add3A_68, %shift_right_arithmetic3A_0 : i32
    %while3A = arith.constant 0 : i32
    %while3A_70 = arith.constant 0 : i32
    %while3A_71 = arith.subi %add3A_69, %while3A : i32
    %while3A_72 = arith.addi %while3A, %while3A_71 : i32
    %while3A_73 = arith.constant 1 : i32
    %while3A_74 = arith.divsi %while3A_71, %while3A_73 : i32
    %while3A_75 = arith.muli %while3A_74, %while3A_73 : i32
    %while3A_76 = arith.addi %while3A, %while3A_75 : i32
    %while3A_77 = arith.constant 1 : i32
    %while3A_78 = scf.for %while3A_108 = %while3A to %while3A_76 step %while3A_77 iter_args(%while3A_109 = %while3A_70) -> (i32)  : i32 {
      %mul3A_110 = arith.constant 640 : i32
      %mul3A_111 = arith.muli %arg1, %mul3A_110 : i32
      %mul3A_112 = arith.constant 16 : i32
      %mul3A_113 = arith.muli %while3A_108, %mul3A_112 : i32
      %add3A_114 = arith.addi %mul3A_111, %mul3A_113 : i32
      %dma_start3A_115 = arith.constant 0 : i32
      %dma_start3A_116 = tpu.memref_slice %arg23[%add3A_114, %dma_start3A_115] : memref<10240x128xf32, #tpu.memory_space<vmem_shared>> -> memref<16x128xf32, #tpu.memory_space<vmem_shared>>
      %dma_start3A_117 = arith.constant 0 : i32
      %dma_start3A_118 = tpu.memref_slice %arg23[%add3A_114, %dma_start3A_117] : memref<10240x128xf32, #tpu.memory_space<vmem_shared>> -> memref<16x128xf32, #tpu.memory_space<vmem_shared>>
      tpu.enqueue_dma source(%arg17 : memref<16x128xf32, #tpu.memory_space<vmem>>) target(%dma_start3A_118 : memref<16x128xf32, #tpu.memory_space<vmem_shared>>) target_semaphore(%arg28 : memref<!tpu.dma_semaphore, #tpu.memory_space<semaphore_mem>>)
      %while3A_119 = arith.constant 0 : i32
      scf.yield %while3A_119 : i32
    }
    %while3A_79 = arith.constant 1 : i32
    %while3A_80 = scf.for %while3A_108 = %while3A_76 to %while3A_72 step %while3A_79 iter_args(%while3A_109 = %while3A_78) -> (i32)  : i32 {
      %mul3A_110 = arith.constant 640 : i32
      %mul3A_111 = arith.muli %arg1, %mul3A_110 : i32
      %mul3A_112 = arith.constant 16 : i32
      %mul3A_113 = arith.muli %while3A_108, %mul3A_112 : i32
      %add3A_114 = arith.addi %mul3A_111, %mul3A_113 : i32
      %dma_start3A_115 = arith.constant 0 : i32
      %dma_start3A_116 = tpu.memref_slice %arg23[%add3A_114, %dma_start3A_115] : memref<10240x128xf32, #tpu.memory_space<vmem_shared>> -> memref<16x128xf32, #tpu.memory_space<vmem_shared>>
      %dma_start3A_117 = arith.constant 0 : i32
      %dma_start3A_118 = tpu.memref_slice %arg23[%add3A_114, %dma_start3A_117] : memref<10240x128xf32, #tpu.memory_space<vmem_shared>> -> memref<16x128xf32, #tpu.memory_space<vmem_shared>>
      tpu.enqueue_dma source(%arg17 : memref<16x128xf32, #tpu.memory_space<vmem>>) target(%dma_start3A_118 : memref<16x128xf32, #tpu.memory_space<vmem_shared>>) target_semaphore(%arg28 : memref<!tpu.dma_semaphore, #tpu.memory_space<semaphore_mem>>)
      %while3A_119 = arith.constant 0 : i32
      scf.yield %while3A_119 : i32
    }
    %mul3A_81 = arith.constant 640 : i32
    %mul3A_82 = arith.muli %arg1, %mul3A_81 : i32
    %dma_start3A = tpu.memref_slice %arg24[%mul3A_82] : memref<10240xf32, #tpu.memory_space<vmem_shared>> -> memref<640xf32, #tpu.memory_space<vmem_shared>>
    %dma_start3A_83 = tpu.memref_slice %arg24[%mul3A_82] : memref<10240xf32, #tpu.memory_space<vmem_shared>> -> memref<640xf32, #tpu.memory_space<vmem_shared>>
    tpu.enqueue_dma source(%arg18 : memref<640xf32, #tpu.memory_space<vmem>>) target(%dma_start3A_83 : memref<640xf32, #tpu.memory_space<vmem_shared>>) target_semaphore(%arg28 : memref<!tpu.dma_semaphore, #tpu.memory_space<semaphore_mem>>)
    %add3A_84 = arith.constant 40 : i32
    %add3A_85 = arith.addi %add3A_84, %shift_right_arithmetic3A_0 : i32
    %while3A_86 = arith.constant 0 : i32
    %while3A_87 = arith.constant 0 : i32
    %while3A_88 = arith.subi %add3A_85, %while3A_86 : i32
    %while3A_89 = arith.addi %while3A_86, %while3A_88 : i32
    %while3A_90 = arith.constant 1 : i32
    %while3A_91 = arith.divsi %while3A_88, %while3A_90 : i32
    %while3A_92 = arith.muli %while3A_91, %while3A_90 : i32
    %while3A_93 = arith.addi %while3A_86, %while3A_92 : i32
    %while3A_94 = arith.constant 1 : i32
    %while3A_95 = scf.for %while3A_108 = %while3A_86 to %while3A_93 step %while3A_94 iter_args(%while3A_109 = %while3A_87) -> (i32)  : i32 {
      %mul3A_110 = arith.constant 640 : i32
      %mul3A_111 = arith.muli %arg1, %mul3A_110 : i32
      %mul3A_112 = arith.constant 16 : i32
      %mul3A_113 = arith.muli %while3A_108, %mul3A_112 : i32
      %add3A_114 = arith.addi %mul3A_111, %mul3A_113 : i32
      %dma_wait3A_115 = arith.constant 0 : i32
      %dma_wait3A_116 = tpu.memref_slice %arg23[%add3A_114, %dma_wait3A_115] : memref<10240x128xf32, #tpu.memory_space<vmem_shared>> -> memref<16x128xf32, #tpu.memory_space<vmem_shared>>
      %dma_wait3A_117 = arith.constant 0 : i32
      %dma_wait3A_118 = tpu.memref_slice %arg23[%add3A_114, %dma_wait3A_117] : memref<10240x128xf32, #tpu.memory_space<vmem_shared>> -> memref<16x128xf32, #tpu.memory_space<vmem_shared>>
      tpu.wait_dma2 semaphore(%arg28 : memref<!tpu.dma_semaphore, #tpu.memory_space<semaphore_mem>>) src(%arg17 : memref<16x128xf32, #tpu.memory_space<vmem>>) dst(%dma_wait3A_118 : memref<16x128xf32, #tpu.memory_space<vmem_shared>>)
      %while3A_119 = arith.constant 0 : i32
      scf.yield %while3A_119 : i32
    }
    %while3A_96 = arith.constant 1 : i32
    %while3A_97 = scf.for %while3A_108 = %while3A_93 to %while3A_89 step %while3A_96 iter_args(%while3A_109 = %while3A_95) -> (i32)  : i32 {
      %mul3A_110 = arith.constant 640 : i32
      %mul3A_111 = arith.muli %arg1, %mul3A_110 : i32
      %mul3A_112 = arith.constant 16 : i32
      %mul3A_113 = arith.muli %while3A_108, %mul3A_112 : i32
      %add3A_114 = arith.addi %mul3A_111, %mul3A_113 : i32
      %dma_wait3A_115 = arith.constant 0 : i32
      %dma_wait3A_116 = tpu.memref_slice %arg23[%add3A_114, %dma_wait3A_115] : memref<10240x128xf32, #tpu.memory_space<vmem_shared>> -> memref<16x128xf32, #tpu.memory_space<vmem_shared>>
      %dma_wait3A_117 = arith.constant 0 : i32
      %dma_wait3A_118 = tpu.memref_slice %arg23[%add3A_114, %dma_wait3A_117] : memref<10240x128xf32, #tpu.memory_space<vmem_shared>> -> memref<16x128xf32, #tpu.memory_space<vmem_shared>>
      tpu.wait_dma2 semaphore(%arg28 : memref<!tpu.dma_semaphore, #tpu.memory_space<semaphore_mem>>) src(%arg17 : memref<16x128xf32, #tpu.memory_space<vmem>>) dst(%dma_wait3A_118 : memref<16x128xf32, #tpu.memory_space<vmem_shared>>)
      %while3A_119 = arith.constant 0 : i32
      scf.yield %while3A_119 : i32
    }
    %mul3A_98 = arith.constant 640 : i32
    %mul3A_99 = arith.muli %arg1, %mul3A_98 : i32
    %dma_wait3A = tpu.memref_slice %arg24[%mul3A_99] : memref<10240xf32, #tpu.memory_space<vmem_shared>> -> memref<640xf32, #tpu.memory_space<vmem_shared>>
    %dma_wait3A_100 = tpu.memref_slice %arg24[%mul3A_99] : memref<10240xf32, #tpu.memory_space<vmem_shared>> -> memref<640xf32, #tpu.memory_space<vmem_shared>>
    tpu.wait_dma2 semaphore(%arg28 : memref<!tpu.dma_semaphore, #tpu.memory_space<semaphore_mem>>) src(%arg18 : memref<640xf32, #tpu.memory_space<vmem>>) dst(%dma_wait3A_100 : memref<640xf32, #tpu.memory_space<vmem_shared>>)
    "tpu.trace_stop"() : () -> ()
    %barrier3A = arith.constant 0 : index
    tpu.barrier barrier_id(%barrier3A)
    %scan3A_101 = arith.constant 0 : i32
    %scan3A_102 = arith.constant 0 : i32
    %scan3A_103 = arith.constant 10 : i32
    %scan3A_104 = arith.addi %scan3A_102, %scan3A_103 : i32
    %scan3A_105 = arith.constant 1 : i32
    %scan3A_106 = scf.for %scan3A_108 = %scan3A_102 to %scan3A_104 step %scan3A_105 iter_args(%scan3A_109 = %scan3A_101) -> (i32)  : i32 {
      %mul3A_110 = arith.constant 2 : i32
      %mul3A_111 = arith.muli %mul3A_110, %scan3A_108 : i32
      %add3A_112 = arith.addi %mul3A_111, %arg0 : i32
      %mul3A_113 = arith.constant 10240 : i32
      %mul3A_114 = arith.muli %add3A_112, %mul3A_113 : i32
      %add3A_115 = arith.constant 10240 : i32
      %add3A_116 = arith.addi %mul3A_114, %add3A_115 : i32
      %scan3A_117 = arith.constant 0 : i32
      %scan3A_118 = arith.constant 0 : i32
      %scan3A_119 = arith.constant 14 : i32
      %scan3A_120 = arith.addi %scan3A_118, %scan3A_119 : i32
      %scan3A_121 = arith.constant 1 : i32
      %scan3A_122 = scf.for %scan3A_209 = %scan3A_118 to %scan3A_120 step %scan3A_121 iter_args(%scan3A_210 = %scan3A_117) -> (i32)  : i32 {
        %mul3A_211 = arith.constant 16 : i32
        %mul3A_212 = arith.muli %scan3A_209, %mul3A_211 : i32
        %add3A_213 = arith.addi %mul3A_212, %arg1 : i32
        %mul3A_214 = arith.constant 896 : i32
        %mul3A_215 = arith.muli %add3A_213, %mul3A_214 : i32
        %jit3A_216 = arith.constant 56 : i32
        %div3A = arith.divsi %add3A_213, %jit3A_216 : i32
        %sign3A = arith.constant 0 : i32
        %sign3A_217 = arith.cmpi sgt, %add3A_213, %sign3A : i32
        %sign3A_218 = arith.extui %sign3A_217 : i1 to i32
        %sign3A_219 = arith.constant 0 : i32
        %sign3A_220 = arith.cmpi slt, %add3A_213, %sign3A_219 : i32
        %sign3A_221 = arith.extui %sign3A_220 : i1 to i32
        %sign3A_222 = arith.subi %sign3A_218, %sign3A_221 : i32
        %sign3A_223 = arith.constant 0 : i32
        %sign3A_224 = arith.cmpi sgt, %jit3A_216, %sign3A_223 : i32
        %sign3A_225 = arith.extui %sign3A_224 : i1 to i32
        %sign3A_226 = arith.constant 0 : i32
        %sign3A_227 = arith.cmpi slt, %jit3A_216, %sign3A_226 : i32
        %sign3A_228 = arith.extui %sign3A_227 : i1 to i32
        %sign3A_229 = arith.subi %sign3A_225, %sign3A_228 : i32
        %ne3A_230 = arith.cmpi ne, %sign3A_222, %sign3A_229 : i32
        %rem3A_231 = arith.remsi %add3A_213, %jit3A_216 : i32
        %ne3A_232 = arith.constant 0 : i32
        %ne3A_233 = arith.cmpi ne, %rem3A_231, %ne3A_232 : i32
        %and3A_234 = arith.andi %ne3A_230, %ne3A_233 : i1
        %sub3A = arith.constant 1 : i32
        %sub3A_235 = arith.subi %div3A, %sub3A : i32
        %select_n3A_236 = arith.select %and3A_234, %sub3A_235, %div3A : i32
        %mul3A_237 = arith.constant 8 : i32
        %mul3A_238 = arith.muli %select_n3A_236, %mul3A_237 : i32
        %add3A_239 = arith.addi %add3A_213, %mul3A_238 : i32
        %broadcast_in_dim3A_240 = vector.broadcast %add3A_239 : i32 to vector<16xi32>
        %gather3A = tpu.vector_load_idx %arg21[%broadcast_in_dim3A_240] : memref<256xi32, #tpu.memory_space<vmem>>[vector<16xi32>], vector<16xi32>,
        %slice3A = vector.extract_strided_slice %gather3A {offsets = [0], sizes = [1], strides = [1]} : vector<16xi32> to vector<1xi32>
        %squeeze3A = vector.extract %slice3A[0] : i32 from vector<1xi32>
        %gather3A_241 = tpu.vector_load_idx %arg22[%broadcast_in_dim3A_240] : memref<256xi32, #tpu.memory_space<vmem>>[vector<16xi32>], vector<16xi32>,
        %slice3A_242 = vector.extract_strided_slice %gather3A_241 {offsets = [0], sizes = [1], strides = [1]} : vector<16xi32> to vector<1xi32>
        %squeeze3A_243 = vector.extract %slice3A_242[0] : i32 from vector<1xi32>
        %ge3A = arith.cmpi sge, %squeeze3A_243, %mul3A_114 : i32
        %lt3A_244 = arith.cmpi slt, %squeeze3A, %add3A_116 : i32
        %and3A_245 = arith.andi %ge3A, %lt3A_244 : i1
        %convert_element_type3A = arith.extui %and3A_245 : i1 to i32
        %cond3A = arith.constant 0 : i32
        %cond3A_246 = arith.cmpi ne, %convert_element_type3A, %cond3A : i32
        scf.if %cond3A_246 {
          "tpu.trace_start"() <{level = 10 : i32, message = "stage_in"}> : () -> ()
          %add3A_248 = arith.constant 4 : i32
          %add3A_249 = arith.addi %add3A_248, %shift_right_arithmetic3A_0 : i32
          %while3A_250 = arith.constant 0 : i32
          %while3A_251 = arith.constant 0 : i32
          %while3A_252 = arith.subi %add3A_249, %while3A_250 : i32
          %while3A_253 = arith.addi %while3A_250, %while3A_252 : i32
          %while3A_254 = arith.constant 1 : i32
          %while3A_255 = arith.divsi %while3A_252, %while3A_254 : i32
          %while3A_256 = arith.muli %while3A_255, %while3A_254 : i32
          %while3A_257 = arith.addi %while3A_250, %while3A_256 : i32
          %while3A_258 = arith.constant 1 : i32
          %while3A_259 = scf.for %while3A_396 = %while3A_250 to %while3A_257 step %while3A_258 iter_args(%while3A_397 = %while3A_251) -> (i32)  : i32 {
            %dma_start3A_398 = arith.constant 0 : i32
            %dma_start3A_399 = tpu.memref_slice %arg9[%while3A_396, %dma_start3A_398] : memref<4x896xi32, #tpu.memory_space<vmem>> -> memref<1x896xi32, #tpu.memory_space<vmem>>
            %dma_start3A_400 = tpu.memref_squeeze %dma_start3A_399 : memref<1x896xi32, #tpu.memory_space<vmem>> -> memref<896xi32, #tpu.memory_space<vmem>>
            %dma_start3A_401 = tpu.memref_slice %arg3[%while3A_396, %mul3A_215] : memref<4x200704xi32, #tpu.memory_space<hbm>> -> memref<1x896xi32, #tpu.memory_space<hbm>>
            %dma_start3A_402 = tpu.memref_squeeze %dma_start3A_401 : memref<1x896xi32, #tpu.memory_space<hbm>> -> memref<896xi32, #tpu.memory_space<hbm>>
            %dma_start3A_403 = arith.constant 0 : i32
            %dma_start3A_404 = tpu.memref_slice %arg9[%while3A_396, %dma_start3A_403] : memref<4x896xi32, #tpu.memory_space<vmem>> -> memref<1x896xi32, #tpu.memory_space<vmem>>
            %dma_start3A_405 = tpu.memref_squeeze %dma_start3A_404 : memref<1x896xi32, #tpu.memory_space<vmem>> -> memref<896xi32, #tpu.memory_space<vmem>>
            %dma_start3A_406 = tpu.memref_slice %arg3[%while3A_396, %mul3A_215] : memref<4x200704xi32, #tpu.memory_space<hbm>> -> memref<1x896xi32, #tpu.memory_space<hbm>>
            %dma_start3A_407 = tpu.memref_squeeze %dma_start3A_406 : memref<1x896xi32, #tpu.memory_space<hbm>> -> memref<896xi32, #tpu.memory_space<hbm>>
            tpu.enqueue_dma source(%dma_start3A_407 : memref<896xi32, #tpu.memory_space<hbm>>) target(%dma_start3A_405 : memref<896xi32, #tpu.memory_space<vmem>>) target_semaphore(%arg25 : memref<!tpu.dma_semaphore, #tpu.memory_space<semaphore_mem>>)
            %dma_start3A_408 = arith.constant 0 : i32
            %dma_start3A_409 = tpu.memref_slice %arg10[%while3A_396, %dma_start3A_408] : memref<4x896xf32, #tpu.memory_space<vmem>> -> memref<1x896xf32, #tpu.memory_space<vmem>>
            %dma_start3A_410 = tpu.memref_squeeze %dma_start3A_409 : memref<1x896xf32, #tpu.memory_space<vmem>> -> memref<896xf32, #tpu.memory_space<vmem>>
            %dma_start3A_411 = tpu.memref_slice %arg4[%while3A_396, %mul3A_215] : memref<4x200704xf32, #tpu.memory_space<hbm>> -> memref<1x896xf32, #tpu.memory_space<hbm>>
            %dma_start3A_412 = tpu.memref_squeeze %dma_start3A_411 : memref<1x896xf32, #tpu.memory_space<hbm>> -> memref<896xf32, #tpu.memory_space<hbm>>
            %dma_start3A_413 = arith.constant 0 : i32
            %dma_start3A_414 = tpu.memref_slice %arg10[%while3A_396, %dma_start3A_413] : memref<4x896xf32, #tpu.memory_space<vmem>> -> memref<1x896xf32, #tpu.memory_space<vmem>>
            %dma_start3A_415 = tpu.memref_squeeze %dma_start3A_414 : memref<1x896xf32, #tpu.memory_space<vmem>> -> memref<896xf32, #tpu.memory_space<vmem>>
            %dma_start3A_416 = tpu.memref_slice %arg4[%while3A_396, %mul3A_215] : memref<4x200704xf32, #tpu.memory_space<hbm>> -> memref<1x896xf32, #tpu.memory_space<hbm>>
            %dma_start3A_417 = tpu.memref_squeeze %dma_start3A_416 : memref<1x896xf32, #tpu.memory_space<hbm>> -> memref<896xf32, #tpu.memory_space<hbm>>
            tpu.enqueue_dma source(%dma_start3A_417 : memref<896xf32, #tpu.memory_space<hbm>>) target(%dma_start3A_415 : memref<896xf32, #tpu.memory_space<vmem>>) target_semaphore(%arg25 : memref<!tpu.dma_semaphore, #tpu.memory_space<semaphore_mem>>)
            %while3A_418 = arith.constant 0 : i32
            scf.yield %while3A_418 : i32
          }
          %while3A_260 = arith.constant 1 : i32
          %while3A_261 = scf.for %while3A_396 = %while3A_257 to %while3A_253 step %while3A_260 iter_args(%while3A_397 = %while3A_259) -> (i32)  : i32 {
            %dma_start3A_398 = arith.constant 0 : i32
            %dma_start3A_399 = tpu.memref_slice %arg9[%while3A_396, %dma_start3A_398] : memref<4x896xi32, #tpu.memory_space<vmem>> -> memref<1x896xi32, #tpu.memory_space<vmem>>
            %dma_start3A_400 = tpu.memref_squeeze %dma_start3A_399 : memref<1x896xi32, #tpu.memory_space<vmem>> -> memref<896xi32, #tpu.memory_space<vmem>>
            %dma_start3A_401 = tpu.memref_slice %arg3[%while3A_396, %mul3A_215] : memref<4x200704xi32, #tpu.memory_space<hbm>> -> memref<1x896xi32, #tpu.memory_space<hbm>>
            %dma_start3A_402 = tpu.memref_squeeze %dma_start3A_401 : memref<1x896xi32, #tpu.memory_space<hbm>> -> memref<896xi32, #tpu.memory_space<hbm>>
            %dma_start3A_403 = arith.constant 0 : i32
            %dma_start3A_404 = tpu.memref_slice %arg9[%while3A_396, %dma_start3A_403] : memref<4x896xi32, #tpu.memory_space<vmem>> -> memref<1x896xi32, #tpu.memory_space<vmem>>
            %dma_start3A_405 = tpu.memref_squeeze %dma_start3A_404 : memref<1x896xi32, #tpu.memory_space<vmem>> -> memref<896xi32, #tpu.memory_space<vmem>>
            %dma_start3A_406 = tpu.memref_slice %arg3[%while3A_396, %mul3A_215] : memref<4x200704xi32, #tpu.memory_space<hbm>> -> memref<1x896xi32, #tpu.memory_space<hbm>>
            %dma_start3A_407 = tpu.memref_squeeze %dma_start3A_406 : memref<1x896xi32, #tpu.memory_space<hbm>> -> memref<896xi32, #tpu.memory_space<hbm>>
            tpu.enqueue_dma source(%dma_start3A_407 : memref<896xi32, #tpu.memory_space<hbm>>) target(%dma_start3A_405 : memref<896xi32, #tpu.memory_space<vmem>>) target_semaphore(%arg25 : memref<!tpu.dma_semaphore, #tpu.memory_space<semaphore_mem>>)
            %dma_start3A_408 = arith.constant 0 : i32
            %dma_start3A_409 = tpu.memref_slice %arg10[%while3A_396, %dma_start3A_408] : memref<4x896xf32, #tpu.memory_space<vmem>> -> memref<1x896xf32, #tpu.memory_space<vmem>>
            %dma_start3A_410 = tpu.memref_squeeze %dma_start3A_409 : memref<1x896xf32, #tpu.memory_space<vmem>> -> memref<896xf32, #tpu.memory_space<vmem>>
            %dma_start3A_411 = tpu.memref_slice %arg4[%while3A_396, %mul3A_215] : memref<4x200704xf32, #tpu.memory_space<hbm>> -> memref<1x896xf32, #tpu.memory_space<hbm>>
            %dma_start3A_412 = tpu.memref_squeeze %dma_start3A_411 : memref<1x896xf32, #tpu.memory_space<hbm>> -> memref<896xf32, #tpu.memory_space<hbm>>
            %dma_start3A_413 = arith.constant 0 : i32
            %dma_start3A_414 = tpu.memref_slice %arg10[%while3A_396, %dma_start3A_413] : memref<4x896xf32, #tpu.memory_space<vmem>> -> memref<1x896xf32, #tpu.memory_space<vmem>>
            %dma_start3A_415 = tpu.memref_squeeze %dma_start3A_414 : memref<1x896xf32, #tpu.memory_space<vmem>> -> memref<896xf32, #tpu.memory_space<vmem>>
            %dma_start3A_416 = tpu.memref_slice %arg4[%while3A_396, %mul3A_215] : memref<4x200704xf32, #tpu.memory_space<hbm>> -> memref<1x896xf32, #tpu.memory_space<hbm>>
            %dma_start3A_417 = tpu.memref_squeeze %dma_start3A_416 : memref<1x896xf32, #tpu.memory_space<hbm>> -> memref<896xf32, #tpu.memory_space<hbm>>
            tpu.enqueue_dma source(%dma_start3A_417 : memref<896xf32, #tpu.memory_space<hbm>>) target(%dma_start3A_415 : memref<896xf32, #tpu.memory_space<vmem>>) target_semaphore(%arg25 : memref<!tpu.dma_semaphore, #tpu.memory_space<semaphore_mem>>)
            %while3A_418 = arith.constant 0 : i32
            scf.yield %while3A_418 : i32
          }
          %add3A_262 = arith.constant 4 : i32
          %add3A_263 = arith.addi %add3A_262, %shift_right_arithmetic3A_0 : i32
          %while3A_264 = arith.constant 0 : i32
          %while3A_265 = arith.constant 0 : i32
          %while3A_266 = arith.subi %add3A_263, %while3A_264 : i32
          %while3A_267 = arith.addi %while3A_264, %while3A_266 : i32
          %while3A_268 = arith.constant 1 : i32
          %while3A_269 = arith.divsi %while3A_266, %while3A_268 : i32
          %while3A_270 = arith.muli %while3A_269, %while3A_268 : i32
          %while3A_271 = arith.addi %while3A_264, %while3A_270 : i32
          %while3A_272 = arith.constant 1 : i32
          %while3A_273 = scf.for %while3A_396 = %while3A_264 to %while3A_271 step %while3A_272 iter_args(%while3A_397 = %while3A_265) -> (i32)  : i32 {
            %dma_wait3A_398 = arith.constant 0 : i32
            %dma_wait3A_399 = tpu.memref_slice %arg9[%while3A_396, %dma_wait3A_398] : memref<4x896xi32, #tpu.memory_space<vmem>> -> memref<1x896xi32, #tpu.memory_space<vmem>>
            %dma_wait3A_400 = tpu.memref_squeeze %dma_wait3A_399 : memref<1x896xi32, #tpu.memory_space<vmem>> -> memref<896xi32, #tpu.memory_space<vmem>>
            %dma_wait3A_401 = tpu.memref_slice %arg3[%while3A_396, %mul3A_215] : memref<4x200704xi32, #tpu.memory_space<hbm>> -> memref<1x896xi32, #tpu.memory_space<hbm>>
            %dma_wait3A_402 = tpu.memref_squeeze %dma_wait3A_401 : memref<1x896xi32, #tpu.memory_space<hbm>> -> memref<896xi32, #tpu.memory_space<hbm>>
            %dma_wait3A_403 = arith.constant 0 : i32
            %dma_wait3A_404 = tpu.memref_slice %arg9[%while3A_396, %dma_wait3A_403] : memref<4x896xi32, #tpu.memory_space<vmem>> -> memref<1x896xi32, #tpu.memory_space<vmem>>
            %dma_wait3A_405 = tpu.memref_squeeze %dma_wait3A_404 : memref<1x896xi32, #tpu.memory_space<vmem>> -> memref<896xi32, #tpu.memory_space<vmem>>
            %dma_wait3A_406 = tpu.memref_slice %arg3[%while3A_396, %mul3A_215] : memref<4x200704xi32, #tpu.memory_space<hbm>> -> memref<1x896xi32, #tpu.memory_space<hbm>>
            %dma_wait3A_407 = tpu.memref_squeeze %dma_wait3A_406 : memref<1x896xi32, #tpu.memory_space<hbm>> -> memref<896xi32, #tpu.memory_space<hbm>>
            tpu.wait_dma2 semaphore(%arg25 : memref<!tpu.dma_semaphore, #tpu.memory_space<semaphore_mem>>) src(%dma_wait3A_407 : memref<896xi32, #tpu.memory_space<hbm>>) dst(%dma_wait3A_405 : memref<896xi32, #tpu.memory_space<vmem>>)
            %dma_wait3A_408 = arith.constant 0 : i32
            %dma_wait3A_409 = tpu.memref_slice %arg10[%while3A_396, %dma_wait3A_408] : memref<4x896xf32, #tpu.memory_space<vmem>> -> memref<1x896xf32, #tpu.memory_space<vmem>>
            %dma_wait3A_410 = tpu.memref_squeeze %dma_wait3A_409 : memref<1x896xf32, #tpu.memory_space<vmem>> -> memref<896xf32, #tpu.memory_space<vmem>>
            %dma_wait3A_411 = tpu.memref_slice %arg4[%while3A_396, %mul3A_215] : memref<4x200704xf32, #tpu.memory_space<hbm>> -> memref<1x896xf32, #tpu.memory_space<hbm>>
            %dma_wait3A_412 = tpu.memref_squeeze %dma_wait3A_411 : memref<1x896xf32, #tpu.memory_space<hbm>> -> memref<896xf32, #tpu.memory_space<hbm>>
            %dma_wait3A_413 = arith.constant 0 : i32
            %dma_wait3A_414 = tpu.memref_slice %arg10[%while3A_396, %dma_wait3A_413] : memref<4x896xf32, #tpu.memory_space<vmem>> -> memref<1x896xf32, #tpu.memory_space<vmem>>
            %dma_wait3A_415 = tpu.memref_squeeze %dma_wait3A_414 : memref<1x896xf32, #tpu.memory_space<vmem>> -> memref<896xf32, #tpu.memory_space<vmem>>
            %dma_wait3A_416 = tpu.memref_slice %arg4[%while3A_396, %mul3A_215] : memref<4x200704xf32, #tpu.memory_space<hbm>> -> memref<1x896xf32, #tpu.memory_space<hbm>>
            %dma_wait3A_417 = tpu.memref_squeeze %dma_wait3A_416 : memref<1x896xf32, #tpu.memory_space<hbm>> -> memref<896xf32, #tpu.memory_space<hbm>>
            tpu.wait_dma2 semaphore(%arg25 : memref<!tpu.dma_semaphore, #tpu.memory_space<semaphore_mem>>) src(%dma_wait3A_417 : memref<896xf32, #tpu.memory_space<hbm>>) dst(%dma_wait3A_415 : memref<896xf32, #tpu.memory_space<vmem>>)
            %while3A_418 = arith.constant 0 : i32
            scf.yield %while3A_418 : i32
          }
          %while3A_274 = arith.constant 1 : i32
          %while3A_275 = scf.for %while3A_396 = %while3A_271 to %while3A_267 step %while3A_274 iter_args(%while3A_397 = %while3A_273) -> (i32)  : i32 {
            %dma_wait3A_398 = arith.constant 0 : i32
            %dma_wait3A_399 = tpu.memref_slice %arg9[%while3A_396, %dma_wait3A_398] : memref<4x896xi32, #tpu.memory_space<vmem>> -> memref<1x896xi32, #tpu.memory_space<vmem>>
            %dma_wait3A_400 = tpu.memref_squeeze %dma_wait3A_399 : memref<1x896xi32, #tpu.memory_space<vmem>> -> memref<896xi32, #tpu.memory_space<vmem>>
            %dma_wait3A_401 = tpu.memref_slice %arg3[%while3A_396, %mul3A_215] : memref<4x200704xi32, #tpu.memory_space<hbm>> -> memref<1x896xi32, #tpu.memory_space<hbm>>
            %dma_wait3A_402 = tpu.memref_squeeze %dma_wait3A_401 : memref<1x896xi32, #tpu.memory_space<hbm>> -> memref<896xi32, #tpu.memory_space<hbm>>
            %dma_wait3A_403 = arith.constant 0 : i32
            %dma_wait3A_404 = tpu.memref_slice %arg9[%while3A_396, %dma_wait3A_403] : memref<4x896xi32, #tpu.memory_space<vmem>> -> memref<1x896xi32, #tpu.memory_space<vmem>>
            %dma_wait3A_405 = tpu.memref_squeeze %dma_wait3A_404 : memref<1x896xi32, #tpu.memory_space<vmem>> -> memref<896xi32, #tpu.memory_space<vmem>>
            %dma_wait3A_406 = tpu.memref_slice %arg3[%while3A_396, %mul3A_215] : memref<4x200704xi32, #tpu.memory_space<hbm>> -> memref<1x896xi32, #tpu.memory_space<hbm>>
            %dma_wait3A_407 = tpu.memref_squeeze %dma_wait3A_406 : memref<1x896xi32, #tpu.memory_space<hbm>> -> memref<896xi32, #tpu.memory_space<hbm>>
            tpu.wait_dma2 semaphore(%arg25 : memref<!tpu.dma_semaphore, #tpu.memory_space<semaphore_mem>>) src(%dma_wait3A_407 : memref<896xi32, #tpu.memory_space<hbm>>) dst(%dma_wait3A_405 : memref<896xi32, #tpu.memory_space<vmem>>)
            %dma_wait3A_408 = arith.constant 0 : i32
            %dma_wait3A_409 = tpu.memref_slice %arg10[%while3A_396, %dma_wait3A_408] : memref<4x896xf32, #tpu.memory_space<vmem>> -> memref<1x896xf32, #tpu.memory_space<vmem>>
            %dma_wait3A_410 = tpu.memref_squeeze %dma_wait3A_409 : memref<1x896xf32, #tpu.memory_space<vmem>> -> memref<896xf32, #tpu.memory_space<vmem>>
            %dma_wait3A_411 = tpu.memref_slice %arg4[%while3A_396, %mul3A_215] : memref<4x200704xf32, #tpu.memory_space<hbm>> -> memref<1x896xf32, #tpu.memory_space<hbm>>
            %dma_wait3A_412 = tpu.memref_squeeze %dma_wait3A_411 : memref<1x896xf32, #tpu.memory_space<hbm>> -> memref<896xf32, #tpu.memory_space<hbm>>
            %dma_wait3A_413 = arith.constant 0 : i32
            %dma_wait3A_414 = tpu.memref_slice %arg10[%while3A_396, %dma_wait3A_413] : memref<4x896xf32, #tpu.memory_space<vmem>> -> memref<1x896xf32, #tpu.memory_space<vmem>>
            %dma_wait3A_415 = tpu.memref_squeeze %dma_wait3A_414 : memref<1x896xf32, #tpu.memory_space<vmem>> -> memref<896xf32, #tpu.memory_space<vmem>>
            %dma_wait3A_416 = tpu.memref_slice %arg4[%while3A_396, %mul3A_215] : memref<4x200704xf32, #tpu.memory_space<hbm>> -> memref<1x896xf32, #tpu.memory_space<hbm>>
            %dma_wait3A_417 = tpu.memref_squeeze %dma_wait3A_416 : memref<1x896xf32, #tpu.memory_space<hbm>> -> memref<896xf32, #tpu.memory_space<hbm>>
            tpu.wait_dma2 semaphore(%arg25 : memref<!tpu.dma_semaphore, #tpu.memory_space<semaphore_mem>>) src(%dma_wait3A_417 : memref<896xf32, #tpu.memory_space<hbm>>) dst(%dma_wait3A_415 : memref<896xf32, #tpu.memory_space<vmem>>)
            %while3A_418 = arith.constant 0 : i32
            scf.yield %while3A_418 : i32
          }
          "tpu.trace_stop"() : () -> ()
          "tpu.trace_start"() <{level = 10 : i32, message = "scan"}> : () -> ()
          %scan3A_276 = arith.constant 0 : i32
          %scan3A_277 = arith.constant 0 : i32
          %scan3A_278 = arith.constant 56 : i32
          %scan3A_279 = arith.addi %scan3A_277, %scan3A_278 : i32
          %scan3A_280 = arith.constant 1 : i32
          %scan3A_281 = scf.for %scan3A_396 = %scan3A_277 to %scan3A_279 step %scan3A_280 iter_args(%scan3A_397 = %scan3A_276) -> (i32)  : i32 {
            %mul3A_398 = arith.constant 16 : i32
            %mul3A_399 = arith.muli %scan3A_396, %mul3A_398 : i32
            %get3A = arith.constant 0 : i32
            %get3A_400 = arith.index_cast %get3A : i32 to index
            %get3A_401 = arith.index_cast %mul3A_399 : i32 to index
            %get3A_402 = tpu.vector_load %arg9[%get3A_400, %get3A_401] {strides = array<i32>} : memref<4x896xi32, #tpu.memory_space<vmem>>, vector<16xi32>,
            %mul3A_403 = arith.constant 16 : i32
            %mul3A_404 = arith.muli %scan3A_396, %mul3A_403 : i32
            %get3A_405 = arith.constant 1 : i32
            %get3A_406 = arith.index_cast %get3A_405 : i32 to index
            %get3A_407 = arith.index_cast %mul3A_404 : i32 to index
            %get3A_408 = tpu.vector_load %arg9[%get3A_406, %get3A_407] {strides = array<i32>} : memref<4x896xi32, #tpu.memory_space<vmem>>, vector<16xi32>,
            %mul3A_409 = arith.constant 16 : i32
            %mul3A_410 = arith.muli %scan3A_396, %mul3A_409 : i32
            %get3A_411 = arith.constant 2 : i32
            %get3A_412 = arith.index_cast %get3A_411 : i32 to index
            %get3A_413 = arith.index_cast %mul3A_410 : i32 to index
            %get3A_414 = tpu.vector_load %arg9[%get3A_412, %get3A_413] {strides = array<i32>} : memref<4x896xi32, #tpu.memory_space<vmem>>, vector<16xi32>,
            %mul3A_415 = arith.constant 16 : i32
            %mul3A_416 = arith.muli %scan3A_396, %mul3A_415 : i32
            %get3A_417 = arith.constant 3 : i32
            %get3A_418 = arith.index_cast %get3A_417 : i32 to index
            %get3A_419 = arith.index_cast %mul3A_416 : i32 to index
            %get3A_420 = tpu.vector_load %arg9[%get3A_418, %get3A_419] {strides = array<i32>} : memref<4x896xi32, #tpu.memory_space<vmem>>, vector<16xi32>,
            %ge3A_421 = vector.broadcast %mul3A_114 : i32 to vector<16xi32>
            %ge3A_422 = arith.cmpi sge, %get3A_402, %ge3A_421 : vector<16xi32>
            %lt3A_423 = vector.broadcast %add3A_116 : i32 to vector<16xi32>
            %lt3A_424 = arith.cmpi slt, %get3A_402, %lt3A_423 : vector<16xi32>
            %and3A_425 = arith.andi %ge3A_422, %lt3A_424 : vector<16xi1>
            %ge3A_426 = vector.broadcast %mul3A_114 : i32 to vector<16xi32>
            %ge3A_427 = arith.cmpi sge, %get3A_408, %ge3A_426 : vector<16xi32>
            %lt3A_428 = vector.broadcast %add3A_116 : i32 to vector<16xi32>
            %lt3A_429 = arith.cmpi slt, %get3A_408, %lt3A_428 : vector<16xi32>
            %and3A_430 = arith.andi %ge3A_427, %lt3A_429 : vector<16xi1>
            %ge3A_431 = vector.broadcast %mul3A_114 : i32 to vector<16xi32>
            %ge3A_432 = arith.cmpi sge, %get3A_414, %ge3A_431 : vector<16xi32>
            %lt3A_433 = vector.broadcast %add3A_116 : i32 to vector<16xi32>
            %lt3A_434 = arith.cmpi slt, %get3A_414, %lt3A_433 : vector<16xi32>
            %and3A_435 = arith.andi %ge3A_432, %lt3A_434 : vector<16xi1>
            %ge3A_436 = vector.broadcast %mul3A_114 : i32 to vector<16xi32>
            %ge3A_437 = arith.cmpi sge, %get3A_420, %ge3A_436 : vector<16xi32>
            %lt3A_438 = vector.broadcast %add3A_116 : i32 to vector<16xi32>
            %lt3A_439 = arith.cmpi slt, %get3A_420, %lt3A_438 : vector<16xi32>
            %and3A_440 = arith.andi %ge3A_437, %lt3A_439 : vector<16xi1>
            %or3A = arith.ori %and3A_425, %and3A_430 : vector<16xi1>
            %or3A_441 = arith.ori %or3A, %and3A_435 : vector<16xi1>
            %or3A_442 = arith.ori %or3A_441, %and3A_440 : vector<16xi1>
            %all_reduce_population_count3A = tpu.all_reduce %or3A_442 {dim = 0 : i64, kind = #tpu.reduction_kind<sum>} : vector<16xi1> -> vector<16xi32>
            %slice3A_443 = vector.extract_strided_slice %all_reduce_population_count3A {offsets = [0], sizes = [1], strides = [1]} : vector<16xi32> to vector<1xi32>
            %squeeze3A_444 = vector.extract %slice3A_443[0] : i32 from vector<1xi32>
            %mul3A_445 = arith.constant 16 : i32
            %mul3A_446 = arith.muli %scan3A_396, %mul3A_445 : i32
            %add3A_447 = arith.addi %mul3A_215, %mul3A_446 : i32
            %add3A_448 = vector.broadcast %add3A_447 : i32 to vector<16xi32>
            %add3A_449 = arith.addi %iota3A, %add3A_448 : vector<16xi32>
            %swap3A = arith.index_cast %scan3A_397 : i32 to index
            %swap3A_450 = tpu.vector_load %arg11[%swap3A] masked %or3A_442 {strides = array<i32>} : memref<928xi32, #tpu.memory_space<vmem>>, vector<16xi32>, vector<16xi1>
            tpu.vector_store %arg11[%swap3A], %add3A_449 masked %or3A_442 {strides = array<i32>} : memref<928xi32, #tpu.memory_space<vmem>>, vector<16xi32>, vector<16xi1>
            %sub3A_451 = vector.broadcast %mul3A_114 : i32 to vector<16xi32>
            %sub3A_452 = arith.subi %get3A_402, %sub3A_451 : vector<16xi32>
            %jit3A_453 = arith.constant 0 : i32
            %jit3A_454 = arith.constant 10239 : i32
            %max3A = vector.broadcast %jit3A_453 : i32 to vector<16xi32>
            %max3A_455 = arith.maxsi %max3A, %sub3A_452 : vector<16xi32>
            %min3A = vector.broadcast %jit3A_454 : i32 to vector<16xi32>
            %min3A_456 = arith.minsi %min3A, %max3A_455 : vector<16xi32>
            %mul3A_457 = arith.constant 16 : i32
            %mul3A_458 = arith.muli %scan3A_396, %mul3A_457 : i32
            %get3A_459 = arith.constant 0 : i32
            %get3A_460 = arith.index_cast %get3A_459 : i32 to index
            %get3A_461 = arith.index_cast %mul3A_458 : i32 to index
            %get3A_462 = tpu.vector_load %arg10[%get3A_460, %get3A_461] {strides = array<i32>} : memref<4x896xf32, #tpu.memory_space<vmem>>, vector<16xf32>,
            %jit3A_463 = arith.constant 0.000000e+00 : f32
            %broadcast_in_dim3A_464 = vector.broadcast %jit3A_463 : f32 to vector<16xf32>
            %select_n3A_465 = arith.select %and3A_425, %get3A_462, %broadcast_in_dim3A_464 : vector<16xi1>, vector<16xf32>
            %add3A_466 = arith.constant 0 : i32
            %add3A_467 = arith.addi %add3A_466, %scan3A_397 : i32
            %swap3A_468 = arith.index_cast %add3A_467 : i32 to index
            %swap3A_469 = tpu.vector_load %arg12[%swap3A_468] masked %or3A_442 {strides = array<i32>} : memref<3712xi32, #tpu.memory_space<vmem>>, vector<16xi32>, vector<16xi1>
            tpu.vector_store %arg12[%swap3A_468], %min3A_456 masked %or3A_442 {strides = array<i32>} : memref<3712xi32, #tpu.memory_space<vmem>>, vector<16xi32>, vector<16xi1>
            %add3A_470 = arith.constant 0 : i32
            %add3A_471 = arith.addi %add3A_470, %scan3A_397 : i32
            %swap3A_472 = arith.index_cast %add3A_471 : i32 to index
            %swap3A_473 = tpu.vector_load %arg13[%swap3A_472] masked %or3A_442 {strides = array<i32>} : memref<3712xf32, #tpu.memory_space<vmem>>, vector<16xf32>, vector<16xi1>
            tpu.vector_store %arg13[%swap3A_472], %select_n3A_465 masked %or3A_442 {strides = array<i32>} : memref<3712xf32, #tpu.memory_space<vmem>>, vector<16xf32>, vector<16xi1>
            %sub3A_474 = vector.broadcast %mul3A_114 : i32 to vector<16xi32>
            %sub3A_475 = arith.subi %get3A_408, %sub3A_474 : vector<16xi32>
            %jit3A_476 = arith.constant 0 : i32
            %jit3A_477 = arith.constant 10239 : i32
            %max3A_478 = vector.broadcast %jit3A_476 : i32 to vector<16xi32>
            %max3A_479 = arith.maxsi %max3A_478, %sub3A_475 : vector<16xi32>
            %min3A_480 = vector.broadcast %jit3A_477 : i32 to vector<16xi32>
            %min3A_481 = arith.minsi %min3A_480, %max3A_479 : vector<16xi32>
            %mul3A_482 = arith.constant 16 : i32
            %mul3A_483 = arith.muli %scan3A_396, %mul3A_482 : i32
            %get3A_484 = arith.constant 1 : i32
            %get3A_485 = arith.index_cast %get3A_484 : i32 to index
            %get3A_486 = arith.index_cast %mul3A_483 : i32 to index
            %get3A_487 = tpu.vector_load %arg10[%get3A_485, %get3A_486] {strides = array<i32>} : memref<4x896xf32, #tpu.memory_space<vmem>>, vector<16xf32>,
            %jit3A_488 = arith.constant 0.000000e+00 : f32
            %broadcast_in_dim3A_489 = vector.broadcast %jit3A_488 : f32 to vector<16xf32>
            %select_n3A_490 = arith.select %and3A_430, %get3A_487, %broadcast_in_dim3A_489 : vector<16xi1>, vector<16xf32>
            %add3A_491 = arith.constant 928 : i32
            %add3A_492 = arith.addi %add3A_491, %scan3A_397 : i32
            %swap3A_493 = arith.index_cast %add3A_492 : i32 to index
            %swap3A_494 = tpu.vector_load %arg12[%swap3A_493] masked %or3A_442 {strides = array<i32>} : memref<3712xi32, #tpu.memory_space<vmem>>, vector<16xi32>, vector<16xi1>
            tpu.vector_store %arg12[%swap3A_493], %min3A_481 masked %or3A_442 {strides = array<i32>} : memref<3712xi32, #tpu.memory_space<vmem>>, vector<16xi32>, vector<16xi1>
            %add3A_495 = arith.constant 928 : i32
            %add3A_496 = arith.addi %add3A_495, %scan3A_397 : i32
            %swap3A_497 = arith.index_cast %add3A_496 : i32 to index
            %swap3A_498 = tpu.vector_load %arg13[%swap3A_497] masked %or3A_442 {strides = array<i32>} : memref<3712xf32, #tpu.memory_space<vmem>>, vector<16xf32>, vector<16xi1>
            tpu.vector_store %arg13[%swap3A_497], %select_n3A_490 masked %or3A_442 {strides = array<i32>} : memref<3712xf32, #tpu.memory_space<vmem>>, vector<16xf32>, vector<16xi1>
            %sub3A_499 = vector.broadcast %mul3A_114 : i32 to vector<16xi32>
            %sub3A_500 = arith.subi %get3A_414, %sub3A_499 : vector<16xi32>
            %jit3A_501 = arith.constant 0 : i32
            %jit3A_502 = arith.constant 10239 : i32
            %max3A_503 = vector.broadcast %jit3A_501 : i32 to vector<16xi32>
            %max3A_504 = arith.maxsi %max3A_503, %sub3A_500 : vector<16xi32>
            %min3A_505 = vector.broadcast %jit3A_502 : i32 to vector<16xi32>
            %min3A_506 = arith.minsi %min3A_505, %max3A_504 : vector<16xi32>
            %mul3A_507 = arith.constant 16 : i32
            %mul3A_508 = arith.muli %scan3A_396, %mul3A_507 : i32
            %get3A_509 = arith.constant 2 : i32
            %get3A_510 = arith.index_cast %get3A_509 : i32 to index
            %get3A_511 = arith.index_cast %mul3A_508 : i32 to index
            %get3A_512 = tpu.vector_load %arg10[%get3A_510, %get3A_511] {strides = array<i32>} : memref<4x896xf32, #tpu.memory_space<vmem>>, vector<16xf32>,
            %jit3A_513 = arith.constant 0.000000e+00 : f32
            %broadcast_in_dim3A_514 = vector.broadcast %jit3A_513 : f32 to vector<16xf32>
            %select_n3A_515 = arith.select %and3A_435, %get3A_512, %broadcast_in_dim3A_514 : vector<16xi1>, vector<16xf32>
            %add3A_516 = arith.constant 1856 : i32
            %add3A_517 = arith.addi %add3A_516, %scan3A_397 : i32
            %swap3A_518 = arith.index_cast %add3A_517 : i32 to index
            %swap3A_519 = tpu.vector_load %arg12[%swap3A_518] masked %or3A_442 {strides = array<i32>} : memref<3712xi32, #tpu.memory_space<vmem>>, vector<16xi32>, vector<16xi1>
            tpu.vector_store %arg12[%swap3A_518], %min3A_506 masked %or3A_442 {strides = array<i32>} : memref<3712xi32, #tpu.memory_space<vmem>>, vector<16xi32>, vector<16xi1>
            %add3A_520 = arith.constant 1856 : i32
            %add3A_521 = arith.addi %add3A_520, %scan3A_397 : i32
            %swap3A_522 = arith.index_cast %add3A_521 : i32 to index
            %swap3A_523 = tpu.vector_load %arg13[%swap3A_522] masked %or3A_442 {strides = array<i32>} : memref<3712xf32, #tpu.memory_space<vmem>>, vector<16xf32>, vector<16xi1>
            tpu.vector_store %arg13[%swap3A_522], %select_n3A_515 masked %or3A_442 {strides = array<i32>} : memref<3712xf32, #tpu.memory_space<vmem>>, vector<16xf32>, vector<16xi1>
            %sub3A_524 = vector.broadcast %mul3A_114 : i32 to vector<16xi32>
            %sub3A_525 = arith.subi %get3A_420, %sub3A_524 : vector<16xi32>
            %jit3A_526 = arith.constant 0 : i32
            %jit3A_527 = arith.constant 10239 : i32
            %max3A_528 = vector.broadcast %jit3A_526 : i32 to vector<16xi32>
            %max3A_529 = arith.maxsi %max3A_528, %sub3A_525 : vector<16xi32>
            %min3A_530 = vector.broadcast %jit3A_527 : i32 to vector<16xi32>
            %min3A_531 = arith.minsi %min3A_530, %max3A_529 : vector<16xi32>
            %mul3A_532 = arith.constant 16 : i32
            %mul3A_533 = arith.muli %scan3A_396, %mul3A_532 : i32
            %get3A_534 = arith.constant 3 : i32
            %get3A_535 = arith.index_cast %get3A_534 : i32 to index
            %get3A_536 = arith.index_cast %mul3A_533 : i32 to index
            %get3A_537 = tpu.vector_load %arg10[%get3A_535, %get3A_536] {strides = array<i32>} : memref<4x896xf32, #tpu.memory_space<vmem>>, vector<16xf32>,
            %jit3A_538 = arith.constant 0.000000e+00 : f32
            %broadcast_in_dim3A_539 = vector.broadcast %jit3A_538 : f32 to vector<16xf32>
            %select_n3A_540 = arith.select %and3A_440, %get3A_537, %broadcast_in_dim3A_539 : vector<16xi1>, vector<16xf32>
            %add3A_541 = arith.constant 2784 : i32
            %add3A_542 = arith.addi %add3A_541, %scan3A_397 : i32
            %swap3A_543 = arith.index_cast %add3A_542 : i32 to index
            %swap3A_544 = tpu.vector_load %arg12[%swap3A_543] masked %or3A_442 {strides = array<i32>} : memref<3712xi32, #tpu.memory_space<vmem>>, vector<16xi32>, vector<16xi1>
            tpu.vector_store %arg12[%swap3A_543], %min3A_531 masked %or3A_442 {strides = array<i32>} : memref<3712xi32, #tpu.memory_space<vmem>>, vector<16xi32>, vector<16xi1>
            %add3A_545 = arith.constant 2784 : i32
            %add3A_546 = arith.addi %add3A_545, %scan3A_397 : i32
            %swap3A_547 = arith.index_cast %add3A_546 : i32 to index
            %swap3A_548 = tpu.vector_load %arg13[%swap3A_547] masked %or3A_442 {strides = array<i32>} : memref<3712xf32, #tpu.memory_space<vmem>>, vector<16xf32>, vector<16xi1>
            tpu.vector_store %arg13[%swap3A_547], %select_n3A_540 masked %or3A_442 {strides = array<i32>} : memref<3712xf32, #tpu.memory_space<vmem>>, vector<16xf32>, vector<16xi1>
            %add3A_549 = arith.addi %scan3A_397, %squeeze3A_444 : i32
            scf.yield %add3A_549 : i32
          }
          %scan3A_282 = arith.constant 56 : i32
          "tpu.trace_stop"() : () -> ()
          %add3A_283 = arith.constant 32 : i32
          %add3A_284 = arith.addi %scan3A_281, %add3A_283 : i32
          %sub3A_285 = arith.constant 1 : i32
          %sub3A_286 = arith.subi %add3A_284, %sub3A_285 : i32
          %jit3A_287 = arith.constant 32 : i32
          %div3A_288 = arith.divsi %sub3A_286, %jit3A_287 : i32
          %sign3A_289 = arith.constant 0 : i32
          %sign3A_290 = arith.cmpi sgt, %sub3A_286, %sign3A_289 : i32
          %sign3A_291 = arith.extui %sign3A_290 : i1 to i32
          %sign3A_292 = arith.constant 0 : i32
          %sign3A_293 = arith.cmpi slt, %sub3A_286, %sign3A_292 : i32
          %sign3A_294 = arith.extui %sign3A_293 : i1 to i32
          %sign3A_295 = arith.subi %sign3A_291, %sign3A_294 : i32
          %sign3A_296 = arith.constant 0 : i32
          %sign3A_297 = arith.cmpi sgt, %jit3A_287, %sign3A_296 : i32
          %sign3A_298 = arith.extui %sign3A_297 : i1 to i32
          %sign3A_299 = arith.constant 0 : i32
          %sign3A_300 = arith.cmpi slt, %jit3A_287, %sign3A_299 : i32
          %sign3A_301 = arith.extui %sign3A_300 : i1 to i32
          %sign3A_302 = arith.subi %sign3A_298, %sign3A_301 : i32
          %ne3A_303 = arith.cmpi ne, %sign3A_295, %sign3A_302 : i32
          %rem3A_304 = arith.remsi %sub3A_286, %jit3A_287 : i32
          %ne3A_305 = arith.constant 0 : i32
          %ne3A_306 = arith.cmpi ne, %rem3A_304, %ne3A_305 : i32
          %and3A_307 = arith.andi %ne3A_303, %ne3A_306 : i1
          %sub3A_308 = arith.constant 1 : i32
          %sub3A_309 = arith.subi %div3A_288, %sub3A_308 : i32
          %select_n3A_310 = arith.select %and3A_307, %sub3A_309, %div3A_288 : i32
          %mul3A_311 = arith.constant 32 : i32
          %mul3A_312 = arith.muli %select_n3A_310, %mul3A_311 : i32
          %sub3A_313 = arith.subi %mul3A_312, %scan3A_281 : i32
          %add3A_314 = arith.constant 15 : i32
          %add3A_315 = arith.addi %sub3A_313, %add3A_314 : i32
          %jit3A_316 = arith.constant 16 : i32
          %div3A_317 = arith.divsi %add3A_315, %jit3A_316 : i32
          %sign3A_318 = arith.constant 0 : i32
          %sign3A_319 = arith.cmpi sgt, %add3A_315, %sign3A_318 : i32
          %sign3A_320 = arith.extui %sign3A_319 : i1 to i32
          %sign3A_321 = arith.constant 0 : i32
          %sign3A_322 = arith.cmpi slt, %add3A_315, %sign3A_321 : i32
          %sign3A_323 = arith.extui %sign3A_322 : i1 to i32
          %sign3A_324 = arith.subi %sign3A_320, %sign3A_323 : i32
          %sign3A_325 = arith.constant 0 : i32
          %sign3A_326 = arith.cmpi sgt, %jit3A_316, %sign3A_325 : i32
          %sign3A_327 = arith.extui %sign3A_326 : i1 to i32
          %sign3A_328 = arith.constant 0 : i32
          %sign3A_329 = arith.cmpi slt, %jit3A_316, %sign3A_328 : i32
          %sign3A_330 = arith.extui %sign3A_329 : i1 to i32
          %sign3A_331 = arith.subi %sign3A_327, %sign3A_330 : i32
          %ne3A_332 = arith.cmpi ne, %sign3A_324, %sign3A_331 : i32
          %rem3A_333 = arith.remsi %add3A_315, %jit3A_316 : i32
          %ne3A_334 = arith.constant 0 : i32
          %ne3A_335 = arith.cmpi ne, %rem3A_333, %ne3A_334 : i32
          %and3A_336 = arith.andi %ne3A_332, %ne3A_335 : i1
          %sub3A_337 = arith.constant 1 : i32
          %sub3A_338 = arith.subi %div3A_317, %sub3A_337 : i32
          %select_n3A_339 = arith.select %and3A_336, %sub3A_338, %div3A_317 : i32
          %while3A_340 = arith.constant 0 : i32
          %while3A_341 = arith.subi %select_n3A_339, %while3A_340 : i32
          %while3A_342 = arith.addi %while3A_340, %while3A_341 : i32
          %while3A_343 = arith.constant 1 : i32
          %while3A_344 = arith.divsi %while3A_341, %while3A_343 : i32
          %while3A_345 = arith.muli %while3A_344, %while3A_343 : i32
          %while3A_346 = arith.addi %while3A_340, %while3A_345 : i32
          %while3A_347 = arith.constant 1 : i32
          %while3A_348 = scf.for %while3A_396 = %while3A_340 to %while3A_346 step %while3A_347 iter_args(%while3A_397 = %scan3A_281) -> (i32)  : i32 {
            %swap3A = arith.index_cast %while3A_397 : i32 to index
            %swap3A_398 = tpu.vector_load %arg11[%swap3A] {strides = array<i32>} : memref<928xi32, #tpu.memory_space<vmem>>, vector<16xi32>,
            tpu.vector_store %arg11[%swap3A], %select_n3A_24 {strides = array<i32>} : memref<928xi32, #tpu.memory_space<vmem>>, vector<16xi32>,
            %add3A_399 = arith.constant 0 : i32
            %add3A_400 = arith.addi %add3A_399, %while3A_397 : i32
            %swap3A_401 = arith.index_cast %add3A_400 : i32 to index
            %swap3A_402 = tpu.vector_load %arg12[%swap3A_401] {strides = array<i32>} : memref<3712xi32, #tpu.memory_space<vmem>>, vector<16xi32>,
            tpu.vector_store %arg12[%swap3A_401], %select_n3A_53 {strides = array<i32>} : memref<3712xi32, #tpu.memory_space<vmem>>, vector<16xi32>,
            %add3A_403 = arith.constant 0 : i32
            %add3A_404 = arith.addi %add3A_403, %while3A_397 : i32
            %swap3A_405 = arith.index_cast %add3A_404 : i32 to index
            %swap3A_406 = tpu.vector_load %arg13[%swap3A_405] {strides = array<i32>} : memref<3712xf32, #tpu.memory_space<vmem>>, vector<16xf32>,
            tpu.vector_store %arg13[%swap3A_405], %broadcast_in_dim3A_54 {strides = array<i32>} : memref<3712xf32, #tpu.memory_space<vmem>>, vector<16xf32>,
            %add3A_407 = arith.constant 928 : i32
            %add3A_408 = arith.addi %add3A_407, %while3A_397 : i32
            %swap3A_409 = arith.index_cast %add3A_408 : i32 to index
            %swap3A_410 = tpu.vector_load %arg12[%swap3A_409] {strides = array<i32>} : memref<3712xi32, #tpu.memory_space<vmem>>, vector<16xi32>,
            tpu.vector_store %arg12[%swap3A_409], %select_n3A_53 {strides = array<i32>} : memref<3712xi32, #tpu.memory_space<vmem>>, vector<16xi32>,
            %add3A_411 = arith.constant 928 : i32
            %add3A_412 = arith.addi %add3A_411, %while3A_397 : i32
            %swap3A_413 = arith.index_cast %add3A_412 : i32 to index
            %swap3A_414 = tpu.vector_load %arg13[%swap3A_413] {strides = array<i32>} : memref<3712xf32, #tpu.memory_space<vmem>>, vector<16xf32>,
            tpu.vector_store %arg13[%swap3A_413], %broadcast_in_dim3A_54 {strides = array<i32>} : memref<3712xf32, #tpu.memory_space<vmem>>, vector<16xf32>,
            %add3A_415 = arith.constant 1856 : i32
            %add3A_416 = arith.addi %add3A_415, %while3A_397 : i32
            %swap3A_417 = arith.index_cast %add3A_416 : i32 to index
            %swap3A_418 = tpu.vector_load %arg12[%swap3A_417] {strides = array<i32>} : memref<3712xi32, #tpu.memory_space<vmem>>, vector<16xi32>,
            tpu.vector_store %arg12[%swap3A_417], %select_n3A_53 {strides = array<i32>} : memref<3712xi32, #tpu.memory_space<vmem>>, vector<16xi32>,
            %add3A_419 = arith.constant 1856 : i32
            %add3A_420 = arith.addi %add3A_419, %while3A_397 : i32
            %swap3A_421 = arith.index_cast %add3A_420 : i32 to index
            %swap3A_422 = tpu.vector_load %arg13[%swap3A_421] {strides = array<i32>} : memref<3712xf32, #tpu.memory_space<vmem>>, vector<16xf32>,
            tpu.vector_store %arg13[%swap3A_421], %broadcast_in_dim3A_54 {strides = array<i32>} : memref<3712xf32, #tpu.memory_space<vmem>>, vector<16xf32>,
            %add3A_423 = arith.constant 2784 : i32
            %add3A_424 = arith.addi %add3A_423, %while3A_397 : i32
            %swap3A_425 = arith.index_cast %add3A_424 : i32 to index
            %swap3A_426 = tpu.vector_load %arg12[%swap3A_425] {strides = array<i32>} : memref<3712xi32, #tpu.memory_space<vmem>>, vector<16xi32>,
            tpu.vector_store %arg12[%swap3A_425], %select_n3A_53 {strides = array<i32>} : memref<3712xi32, #tpu.memory_space<vmem>>, vector<16xi32>,
            %add3A_427 = arith.constant 2784 : i32
            %add3A_428 = arith.addi %add3A_427, %while3A_397 : i32
            %swap3A_429 = arith.index_cast %add3A_428 : i32 to index
            %swap3A_430 = tpu.vector_load %arg13[%swap3A_429] {strides = array<i32>} : memref<3712xf32, #tpu.memory_space<vmem>>, vector<16xf32>,
            tpu.vector_store %arg13[%swap3A_429], %broadcast_in_dim3A_54 {strides = array<i32>} : memref<3712xf32, #tpu.memory_space<vmem>>, vector<16xf32>,
            %add3A_431 = arith.constant 16 : i32
            %add3A_432 = arith.addi %while3A_397, %add3A_431 : i32
            scf.yield %add3A_432 : i32
          }
          %while3A_349 = arith.constant 1 : i32
          %while3A_350 = scf.for %while3A_396 = %while3A_346 to %while3A_342 step %while3A_349 iter_args(%while3A_397 = %while3A_348) -> (i32)  : i32 {
            %swap3A = arith.index_cast %while3A_397 : i32 to index
            %swap3A_398 = tpu.vector_load %arg11[%swap3A] {strides = array<i32>} : memref<928xi32, #tpu.memory_space<vmem>>, vector<16xi32>,
            tpu.vector_store %arg11[%swap3A], %select_n3A_24 {strides = array<i32>} : memref<928xi32, #tpu.memory_space<vmem>>, vector<16xi32>,
            %add3A_399 = arith.constant 0 : i32
            %add3A_400 = arith.addi %add3A_399, %while3A_397 : i32
            %swap3A_401 = arith.index_cast %add3A_400 : i32 to index
            %swap3A_402 = tpu.vector_load %arg12[%swap3A_401] {strides = array<i32>} : memref<3712xi32, #tpu.memory_space<vmem>>, vector<16xi32>,
            tpu.vector_store %arg12[%swap3A_401], %select_n3A_53 {strides = array<i32>} : memref<3712xi32, #tpu.memory_space<vmem>>, vector<16xi32>,
            %add3A_403 = arith.constant 0 : i32
            %add3A_404 = arith.addi %add3A_403, %while3A_397 : i32
            %swap3A_405 = arith.index_cast %add3A_404 : i32 to index
            %swap3A_406 = tpu.vector_load %arg13[%swap3A_405] {strides = array<i32>} : memref<3712xf32, #tpu.memory_space<vmem>>, vector<16xf32>,
            tpu.vector_store %arg13[%swap3A_405], %broadcast_in_dim3A_54 {strides = array<i32>} : memref<3712xf32, #tpu.memory_space<vmem>>, vector<16xf32>,
            %add3A_407 = arith.constant 928 : i32
            %add3A_408 = arith.addi %add3A_407, %while3A_397 : i32
            %swap3A_409 = arith.index_cast %add3A_408 : i32 to index
            %swap3A_410 = tpu.vector_load %arg12[%swap3A_409] {strides = array<i32>} : memref<3712xi32, #tpu.memory_space<vmem>>, vector<16xi32>,
            tpu.vector_store %arg12[%swap3A_409], %select_n3A_53 {strides = array<i32>} : memref<3712xi32, #tpu.memory_space<vmem>>, vector<16xi32>,
            %add3A_411 = arith.constant 928 : i32
            %add3A_412 = arith.addi %add3A_411, %while3A_397 : i32
            %swap3A_413 = arith.index_cast %add3A_412 : i32 to index
            %swap3A_414 = tpu.vector_load %arg13[%swap3A_413] {strides = array<i32>} : memref<3712xf32, #tpu.memory_space<vmem>>, vector<16xf32>,
            tpu.vector_store %arg13[%swap3A_413], %broadcast_in_dim3A_54 {strides = array<i32>} : memref<3712xf32, #tpu.memory_space<vmem>>, vector<16xf32>,
            %add3A_415 = arith.constant 1856 : i32
            %add3A_416 = arith.addi %add3A_415, %while3A_397 : i32
            %swap3A_417 = arith.index_cast %add3A_416 : i32 to index
            %swap3A_418 = tpu.vector_load %arg12[%swap3A_417] {strides = array<i32>} : memref<3712xi32, #tpu.memory_space<vmem>>, vector<16xi32>,
            tpu.vector_store %arg12[%swap3A_417], %select_n3A_53 {strides = array<i32>} : memref<3712xi32, #tpu.memory_space<vmem>>, vector<16xi32>,
            %add3A_419 = arith.constant 1856 : i32
            %add3A_420 = arith.addi %add3A_419, %while3A_397 : i32
            %swap3A_421 = arith.index_cast %add3A_420 : i32 to index
            %swap3A_422 = tpu.vector_load %arg13[%swap3A_421] {strides = array<i32>} : memref<3712xf32, #tpu.memory_space<vmem>>, vector<16xf32>,
            tpu.vector_store %arg13[%swap3A_421], %broadcast_in_dim3A_54 {strides = array<i32>} : memref<3712xf32, #tpu.memory_space<vmem>>, vector<16xf32>,
            %add3A_423 = arith.constant 2784 : i32
            %add3A_424 = arith.addi %add3A_423, %while3A_397 : i32
            %swap3A_425 = arith.index_cast %add3A_424 : i32 to index
            %swap3A_426 = tpu.vector_load %arg12[%swap3A_425] {strides = array<i32>} : memref<3712xi32, #tpu.memory_space<vmem>>, vector<16xi32>,
            tpu.vector_store %arg12[%swap3A_425], %select_n3A_53 {strides = array<i32>} : memref<3712xi32, #tpu.memory_space<vmem>>, vector<16xi32>,
            %add3A_427 = arith.constant 2784 : i32
            %add3A_428 = arith.addi %add3A_427, %while3A_397 : i32
            %swap3A_429 = arith.index_cast %add3A_428 : i32 to index
            %swap3A_430 = tpu.vector_load %arg13[%swap3A_429] {strides = array<i32>} : memref<3712xf32, #tpu.memory_space<vmem>>, vector<16xf32>,
            tpu.vector_store %arg13[%swap3A_429], %broadcast_in_dim3A_54 {strides = array<i32>} : memref<3712xf32, #tpu.memory_space<vmem>>, vector<16xf32>,
            %add3A_431 = arith.constant 16 : i32
            %add3A_432 = arith.addi %while3A_397, %add3A_431 : i32
            scf.yield %add3A_432 : i32
          }
          %jit3A_351 = arith.constant 32 : i32
          %div3A_352 = arith.divsi %mul3A_312, %jit3A_351 : i32
          %sign3A_353 = arith.constant 0 : i32
          %sign3A_354 = arith.cmpi sgt, %mul3A_312, %sign3A_353 : i32
          %sign3A_355 = arith.extui %sign3A_354 : i1 to i32
          %sign3A_356 = arith.constant 0 : i32
          %sign3A_357 = arith.cmpi slt, %mul3A_312, %sign3A_356 : i32
          %sign3A_358 = arith.extui %sign3A_357 : i1 to i32
          %sign3A_359 = arith.subi %sign3A_355, %sign3A_358 : i32
          %sign3A_360 = arith.constant 0 : i32
          %sign3A_361 = arith.cmpi sgt, %jit3A_351, %sign3A_360 : i32
          %sign3A_362 = arith.extui %sign3A_361 : i1 to i32
          %sign3A_363 = arith.constant 0 : i32
          %sign3A_364 = arith.cmpi slt, %jit3A_351, %sign3A_363 : i32
          %sign3A_365 = arith.extui %sign3A_364 : i1 to i32
          %sign3A_366 = arith.subi %sign3A_362, %sign3A_365 : i32
          %ne3A_367 = arith.cmpi ne, %sign3A_359, %sign3A_366 : i32
          %rem3A_368 = arith.remsi %mul3A_312, %jit3A_351 : i32
          %ne3A_369 = arith.constant 0 : i32
          %ne3A_370 = arith.cmpi ne, %rem3A_368, %ne3A_369 : i32
          %and3A_371 = arith.andi %ne3A_367, %ne3A_370 : i1
          %sub3A_372 = arith.constant 1 : i32
          %sub3A_373 = arith.subi %div3A_352, %sub3A_372 : i32
          %select_n3A_374 = arith.select %and3A_371, %sub3A_373, %div3A_352 : i32
          %gt3A = arith.constant 0 : i32
          %gt3A_375 = arith.cmpi sgt, %select_n3A_374, %gt3A : i32
          %convert_element_type3A_376 = arith.extui %gt3A_375 : i1 to i32
          %cond3A_377 = arith.constant 0 : i32
          %cond3A_378 = arith.cmpi ne, %convert_element_type3A_376, %cond3A_377 : i32
          scf.if %cond3A_378 {
            %dma_start3A_396 = arith.constant 0 : i32
            %dma_start3A_397 = tpu.memref_slice %arg11[%dma_start3A_396] : memref<928xi32, #tpu.memory_space<vmem>> -> memref<32xi32, #tpu.memory_space<vmem>>
            %dma_start3A_398 = arith.constant 0 : i32
            %dma_start3A_399 = arith.constant 0 : i32
            %dma_start3A_400 = tpu.memref_slice %arg2[%dma_start3A_398, %dma_start3A_399] : memref<200704x128xf32, #tpu.memory_space<hbm>> -> memref<200704x128xf32, #tpu.memory_space<hbm>>
            tpu.enqueue_indirect_dma source(%dma_start3A_400 : memref<200704x128xf32, #tpu.memory_space<hbm>>) target(%arg14 : memref<32x128xf32, #tpu.memory_space<vmem>>) offsets(%dma_start3A_397 : memref<32xi32, #tpu.memory_space<vmem>>) semaphore(%arg26 : memref<!tpu.dma_semaphore, #tpu.memory_space<semaphore_mem>>)
          } else {
          }
          %while3A_379 = arith.constant 0 : i32
          %while3A_380 = arith.constant 0 : i32
          "tpu.trace_start"() <{level = 10 : i32, message = "chunks"}> : () -> ()
          %while3A_381 = arith.subi %select_n3A_374, %while3A_379 : i32
          %while3A_382 = arith.addi %while3A_379, %while3A_381 : i32
          %while3A_383 = arith.constant 1 : i32
          %while3A_384 = arith.divsi %while3A_381, %while3A_383 : i32
          %while3A_385 = arith.muli %while3A_384, %while3A_383 : i32
          %while3A_386 = arith.addi %while3A_379, %while3A_385 : i32
          %while3A_387 = arith.constant 1 : i32
          %while3A_388 = scf.for %while3A_396 = %while3A_379 to %while3A_386 step %while3A_387 iter_args(%while3A_397 = %while3A_380) -> (i32)  : i32 {
            %mul3A_398 = arith.constant 32 : i32
            %mul3A_399 = arith.muli %while3A_396, %mul3A_398 : i32
            %gt3A_400 = arith.constant 0 : i32
            %gt3A_401 = arith.cmpi sgt, %while3A_396, %gt3A_400 : i32
            %convert_element_type3A_402 = arith.extui %gt3A_401 : i1 to i32
            %cond3A_403 = arith.constant 0 : i32
            %cond3A_404 = arith.cmpi ne, %convert_element_type3A_402, %cond3A_403 : i32
            scf.if %cond3A_404 {
              %add3A_515 = arith.constant 4 : i32
              %add3A_516 = arith.addi %add3A_515, %shift_right_arithmetic3A_0 : i32
              %while3A_517 = arith.constant 0 : i32
              %while3A_518 = arith.constant 0 : i32
              %while3A_519 = arith.subi %add3A_516, %while3A_517 : i32
              %while3A_520 = arith.addi %while3A_517, %while3A_519 : i32
              %while3A_521 = arith.constant 1 : i32
              %while3A_522 = arith.divsi %while3A_519, %while3A_521 : i32
              %while3A_523 = arith.muli %while3A_522, %while3A_521 : i32
              %while3A_524 = arith.addi %while3A_517, %while3A_523 : i32
              %while3A_525 = arith.constant 1 : i32
              %while3A_526 = scf.for %while3A_529 = %while3A_517 to %while3A_524 step %while3A_525 iter_args(%while3A_530 = %while3A_518) -> (i32)  : i32 {
                %dma_wait3A_531 = arith.constant 0 : i32
                %dma_wait3A_532 = arith.constant 0 : i32
                %dma_wait3A_533 = tpu.memref_slice %arg15[%while3A_529, %dma_wait3A_531, %dma_wait3A_532] : memref<4x32x128xf32, #tpu.memory_space<vmem>> -> memref<1x32x128xf32, #tpu.memory_space<vmem>>
                %dma_wait3A_534 = tpu.memref_squeeze %dma_wait3A_533 : memref<1x32x128xf32, #tpu.memory_space<vmem>> -> memref<32x128xf32, #tpu.memory_space<vmem>>
                %dma_wait3A_535 = arith.constant 0 : i32
                %dma_wait3A_536 = tpu.memref_slice %arg16[%while3A_529, %dma_wait3A_535] : memref<4x32xi32, #tpu.memory_space<vmem>> -> memref<1x32xi32, #tpu.memory_space<vmem>>
                %dma_wait3A_537 = tpu.memref_squeeze %dma_wait3A_536 : memref<1x32xi32, #tpu.memory_space<vmem>> -> memref<32xi32, #tpu.memory_space<vmem>>
                %dma_wait3A_538 = arith.constant 0 : i32
                %dma_wait3A_539 = arith.constant 0 : i32
                %dma_wait3A_540 = tpu.memref_slice %arg23[%dma_wait3A_538, %dma_wait3A_539] : memref<10240x128xf32, #tpu.memory_space<vmem_shared>> -> memref<10240x128xf32, #tpu.memory_space<vmem_shared>>
                tpu.wait_indirect_dma semaphore(%arg27 : memref<!tpu.dma_semaphore, #tpu.memory_space<semaphore_mem>>) src(%dma_wait3A_534 : memref<32x128xf32, #tpu.memory_space<vmem>>) dst(%dma_wait3A_540 : memref<10240x128xf32, #tpu.memory_space<vmem_shared>>)
                %mul3A_541 = arith.constant 928 : i32
                %mul3A_542 = arith.muli %while3A_529, %mul3A_541 : i32
                %dma_wait3A_543 = tpu.memref_slice %arg13[%mul3A_542] : memref<3712xf32, #tpu.memory_space<vmem>> -> memref<32xf32, #tpu.memory_space<vmem>>
                %dma_wait3A_544 = arith.constant 0 : i32
                %dma_wait3A_545 = tpu.memref_slice %arg16[%while3A_529, %dma_wait3A_544] : memref<4x32xi32, #tpu.memory_space<vmem>> -> memref<1x32xi32, #tpu.memory_space<vmem>>
                %dma_wait3A_546 = tpu.memref_squeeze %dma_wait3A_545 : memref<1x32xi32, #tpu.memory_space<vmem>> -> memref<32xi32, #tpu.memory_space<vmem>>
                %dma_wait3A_547 = arith.constant 0 : i32
                %dma_wait3A_548 = tpu.memref_slice %arg24[%dma_wait3A_547] : memref<10240xf32, #tpu.memory_space<vmem_shared>> -> memref<10240xf32, #tpu.memory_space<vmem_shared>>
                tpu.wait_indirect_dma semaphore(%arg27 : memref<!tpu.dma_semaphore, #tpu.memory_space<semaphore_mem>>) src(%dma_wait3A_543 : memref<32xf32, #tpu.memory_space<vmem>>) dst(%dma_wait3A_548 : memref<10240xf32, #tpu.memory_space<vmem_shared>>)
                %while3A_549 = arith.constant 0 : i32
                scf.yield %while3A_549 : i32
              }
              %while3A_527 = arith.constant 1 : i32
              %while3A_528 = scf.for %while3A_529 = %while3A_524 to %while3A_520 step %while3A_527 iter_args(%while3A_530 = %while3A_526) -> (i32)  : i32 {
                %dma_wait3A_531 = arith.constant 0 : i32
                %dma_wait3A_532 = arith.constant 0 : i32
                %dma_wait3A_533 = tpu.memref_slice %arg15[%while3A_529, %dma_wait3A_531, %dma_wait3A_532] : memref<4x32x128xf32, #tpu.memory_space<vmem>> -> memref<1x32x128xf32, #tpu.memory_space<vmem>>
                %dma_wait3A_534 = tpu.memref_squeeze %dma_wait3A_533 : memref<1x32x128xf32, #tpu.memory_space<vmem>> -> memref<32x128xf32, #tpu.memory_space<vmem>>
                %dma_wait3A_535 = arith.constant 0 : i32
                %dma_wait3A_536 = tpu.memref_slice %arg16[%while3A_529, %dma_wait3A_535] : memref<4x32xi32, #tpu.memory_space<vmem>> -> memref<1x32xi32, #tpu.memory_space<vmem>>
                %dma_wait3A_537 = tpu.memref_squeeze %dma_wait3A_536 : memref<1x32xi32, #tpu.memory_space<vmem>> -> memref<32xi32, #tpu.memory_space<vmem>>
                %dma_wait3A_538 = arith.constant 0 : i32
                %dma_wait3A_539 = arith.constant 0 : i32
                %dma_wait3A_540 = tpu.memref_slice %arg23[%dma_wait3A_538, %dma_wait3A_539] : memref<10240x128xf32, #tpu.memory_space<vmem_shared>> -> memref<10240x128xf32, #tpu.memory_space<vmem_shared>>
                tpu.wait_indirect_dma semaphore(%arg27 : memref<!tpu.dma_semaphore, #tpu.memory_space<semaphore_mem>>) src(%dma_wait3A_534 : memref<32x128xf32, #tpu.memory_space<vmem>>) dst(%dma_wait3A_540 : memref<10240x128xf32, #tpu.memory_space<vmem_shared>>)
                %mul3A_541 = arith.constant 928 : i32
                %mul3A_542 = arith.muli %while3A_529, %mul3A_541 : i32
                %dma_wait3A_543 = tpu.memref_slice %arg13[%mul3A_542] : memref<3712xf32, #tpu.memory_space<vmem>> -> memref<32xf32, #tpu.memory_space<vmem>>
                %dma_wait3A_544 = arith.constant 0 : i32
                %dma_wait3A_545 = tpu.memref_slice %arg16[%while3A_529, %dma_wait3A_544] : memref<4x32xi32, #tpu.memory_space<vmem>> -> memref<1x32xi32, #tpu.memory_space<vmem>>
                %dma_wait3A_546 = tpu.memref_squeeze %dma_wait3A_545 : memref<1x32xi32, #tpu.memory_space<vmem>> -> memref<32xi32, #tpu.memory_space<vmem>>
                %dma_wait3A_547 = arith.constant 0 : i32
                %dma_wait3A_548 = tpu.memref_slice %arg24[%dma_wait3A_547] : memref<10240xf32, #tpu.memory_space<vmem_shared>> -> memref<10240xf32, #tpu.memory_space<vmem_shared>>
                tpu.wait_indirect_dma semaphore(%arg27 : memref<!tpu.dma_semaphore, #tpu.memory_space<semaphore_mem>>) src(%dma_wait3A_543 : memref<32xf32, #tpu.memory_space<vmem>>) dst(%dma_wait3A_548 : memref<10240xf32, #tpu.memory_space<vmem_shared>>)
                %while3A_549 = arith.constant 0 : i32
                scf.yield %while3A_549 : i32
              }
            } else {
            }
            %add3A_405 = arith.constant 0 : i32
            %add3A_406 = arith.addi %add3A_405, %mul3A_399 : i32
            %add3A_407 = arith.constant 0 : i32
            %add3A_408 = arith.addi %add3A_406, %add3A_407 : i32
            %get3A = arith.index_cast %add3A_408 : i32 to index
            %get3A_409 = tpu.vector_load %arg12[%get3A] {strides = array<i32>} : memref<3712xi32, #tpu.memory_space<vmem>>, vector<16xi32>,
            %swap3A = arith.constant 0 : i32
            %swap3A_410 = arith.index_cast %swap3A : i32 to index
            %swap3A_411 = arith.constant 0 : index
            %swap3A_412 = tpu.vector_load %arg16[%swap3A_410, %swap3A_411] {strides = array<i32>} : memref<4x32xi32, #tpu.memory_space<vmem>>, vector<16xi32>,
            tpu.vector_store %arg16[%swap3A_410, %swap3A_411], %get3A_409 {strides = array<i32>} : memref<4x32xi32, #tpu.memory_space<vmem>>, vector<16xi32>,
            %add3A_413 = arith.constant 0 : i32
            %add3A_414 = arith.addi %add3A_413, %mul3A_399 : i32
            %add3A_415 = arith.constant 16 : i32
            %add3A_416 = arith.addi %add3A_414, %add3A_415 : i32
            %get3A_417 = arith.index_cast %add3A_416 : i32 to index
            %get3A_418 = tpu.vector_load %arg12[%get3A_417] {strides = array<i32>} : memref<3712xi32, #tpu.memory_space<vmem>>, vector<16xi32>,
            %swap3A_419 = arith.constant 0 : i32
            %swap3A_420 = arith.index_cast %swap3A_419 : i32 to index
            %swap3A_421 = arith.constant 16 : index
            %swap3A_422 = tpu.vector_load %arg16[%swap3A_420, %swap3A_421] {strides = array<i32>} : memref<4x32xi32, #tpu.memory_space<vmem>>, vector<16xi32>,
            tpu.vector_store %arg16[%swap3A_420, %swap3A_421], %get3A_418 {strides = array<i32>} : memref<4x32xi32, #tpu.memory_space<vmem>>, vector<16xi32>,
            %add3A_423 = arith.constant 928 : i32
            %add3A_424 = arith.addi %add3A_423, %mul3A_399 : i32
            %add3A_425 = arith.constant 0 : i32
            %add3A_426 = arith.addi %add3A_424, %add3A_425 : i32
            %get3A_427 = arith.index_cast %add3A_426 : i32 to index
            %get3A_428 = tpu.vector_load %arg12[%get3A_427] {strides = array<i32>} : memref<3712xi32, #tpu.memory_space<vmem>>, vector<16xi32>,
            %swap3A_429 = arith.constant 1 : i32
            %swap3A_430 = arith.index_cast %swap3A_429 : i32 to index
            %swap3A_431 = arith.constant 0 : index
            %swap3A_432 = tpu.vector_load %arg16[%swap3A_430, %swap3A_431] {strides = array<i32>} : memref<4x32xi32, #tpu.memory_space<vmem>>, vector<16xi32>,
            tpu.vector_store %arg16[%swap3A_430, %swap3A_431], %get3A_428 {strides = array<i32>} : memref<4x32xi32, #tpu.memory_space<vmem>>, vector<16xi32>,
            %add3A_433 = arith.constant 928 : i32
            %add3A_434 = arith.addi %add3A_433, %mul3A_399 : i32
            %add3A_435 = arith.constant 16 : i32
            %add3A_436 = arith.addi %add3A_434, %add3A_435 : i32
            %get3A_437 = arith.index_cast %add3A_436 : i32 to index
            %get3A_438 = tpu.vector_load %arg12[%get3A_437] {strides = array<i32>} : memref<3712xi32, #tpu.memory_space<vmem>>, vector<16xi32>,
            %swap3A_439 = arith.constant 1 : i32
            %swap3A_440 = arith.index_cast %swap3A_439 : i32 to index
            %swap3A_441 = arith.constant 16 : index
            %swap3A_442 = tpu.vector_load %arg16[%swap3A_440, %swap3A_441] {strides = array<i32>} : memref<4x32xi32, #tpu.memory_space<vmem>>, vector<16xi32>,
            tpu.vector_store %arg16[%swap3A_440, %swap3A_441], %get3A_438 {strides = array<i32>} : memref<4x32xi32, #tpu.memory_space<vmem>>, vector<16xi32>,
            %add3A_443 = arith.constant 1856 : i32
            %add3A_444 = arith.addi %add3A_443, %mul3A_399 : i32
            %add3A_445 = arith.constant 0 : i32
            %add3A_446 = arith.addi %add3A_444, %add3A_445 : i32
            %get3A_447 = arith.index_cast %add3A_446 : i32 to index
            %get3A_448 = tpu.vector_load %arg12[%get3A_447] {strides = array<i32>} : memref<3712xi32, #tpu.memory_space<vmem>>, vector<16xi32>,
            %swap3A_449 = arith.constant 2 : i32
            %swap3A_450 = arith.index_cast %swap3A_449 : i32 to index
            %swap3A_451 = arith.constant 0 : index
            %swap3A_452 = tpu.vector_load %arg16[%swap3A_450, %swap3A_451] {strides = array<i32>} : memref<4x32xi32, #tpu.memory_space<vmem>>, vector<16xi32>,
            tpu.vector_store %arg16[%swap3A_450, %swap3A_451], %get3A_448 {strides = array<i32>} : memref<4x32xi32, #tpu.memory_space<vmem>>, vector<16xi32>,
            %add3A_453 = arith.constant 1856 : i32
            %add3A_454 = arith.addi %add3A_453, %mul3A_399 : i32
            %add3A_455 = arith.constant 16 : i32
            %add3A_456 = arith.addi %add3A_454, %add3A_455 : i32
            %get3A_457 = arith.index_cast %add3A_456 : i32 to index
            %get3A_458 = tpu.vector_load %arg12[%get3A_457] {strides = array<i32>} : memref<3712xi32, #tpu.memory_space<vmem>>, vector<16xi32>,
            %swap3A_459 = arith.constant 2 : i32
            %swap3A_460 = arith.index_cast %swap3A_459 : i32 to index
            %swap3A_461 = arith.constant 16 : index
            %swap3A_462 = tpu.vector_load %arg16[%swap3A_460, %swap3A_461] {strides = array<i32>} : memref<4x32xi32, #tpu.memory_space<vmem>>, vector<16xi32>,
            tpu.vector_store %arg16[%swap3A_460, %swap3A_461], %get3A_458 {strides = array<i32>} : memref<4x32xi32, #tpu.memory_space<vmem>>, vector<16xi32>,
            %add3A_463 = arith.constant 2784 : i32
            %add3A_464 = arith.addi %add3A_463, %mul3A_399 : i32
            %add3A_465 = arith.constant 0 : i32
            %add3A_466 = arith.addi %add3A_464, %add3A_465 : i32
            %get3A_467 = arith.index_cast %add3A_466 : i32 to index
            %get3A_468 = tpu.vector_load %arg12[%get3A_467] {strides = array<i32>} : memref<3712xi32, #tpu.memory_space<vmem>>, vector<16xi32>,
            %swap3A_469 = arith.constant 3 : i32
            %swap3A_470 = arith.index_cast %swap3A_469 : i32 to index
            %swap3A_471 = arith.constant 0 : index
            %swap3A_472 = tpu.vector_load %arg16[%swap3A_470, %swap3A_471] {strides = array<i32>} : memref<4x32xi32, #tpu.memory_space<vmem>>, vector<16xi32>,
            tpu.vector_store %arg16[%swap3A_470, %swap3A_471], %get3A_468 {strides = array<i32>} : memref<4x32xi32, #tpu.memory_space<vmem>>, vector<16xi32>,
            %add3A_473 = arith.constant 2784 : i32
            %add3A_474 = arith.addi %add3A_473, %mul3A_399 : i32
            %add3A_475 = arith.constant 16 : i32
            %add3A_476 = arith.addi %add3A_474, %add3A_475 : i32
            %get3A_477 = arith.index_cast %add3A_476 : i32 to index
            %get3A_478 = tpu.vector_load %arg12[%get3A_477] {strides = array<i32>} : memref<3712xi32, #tpu.memory_space<vmem>>, vector<16xi32>,
            %swap3A_479 = arith.constant 3 : i32
            %swap3A_480 = arith.index_cast %swap3A_479 : i32 to index
            %swap3A_481 = arith.constant 16 : index
            %swap3A_482 = tpu.vector_load %arg16[%swap3A_480, %swap3A_481] {strides = array<i32>} : memref<4x32xi32, #tpu.memory_space<vmem>>, vector<16xi32>,
            tpu.vector_store %arg16[%swap3A_480, %swap3A_481], %get3A_478 {strides = array<i32>} : memref<4x32xi32, #tpu.memory_space<vmem>>, vector<16xi32>,
            %dma_wait3A_483 = tpu.memref_slice %arg11[%mul3A_399] : memref<928xi32, #tpu.memory_space<vmem>> -> memref<32xi32, #tpu.memory_space<vmem>>
            %dma_wait3A_484 = arith.constant 0 : i32
            %dma_wait3A_485 = arith.constant 0 : i32
            %dma_wait3A_486 = tpu.memref_slice %arg2[%dma_wait3A_484, %dma_wait3A_485] : memref<200704x128xf32, #tpu.memory_space<hbm>> -> memref<200704x128xf32, #tpu.memory_space<hbm>>
            tpu.wait_indirect_dma semaphore(%arg26 : memref<!tpu.dma_semaphore, #tpu.memory_space<semaphore_mem>>) src(%dma_wait3A_486 : memref<200704x128xf32, #tpu.memory_space<hbm>>) dst(%arg14 : memref<32x128xf32, #tpu.memory_space<vmem>>)
            %scan3A_487 = arith.constant 0 : i32
            %scan3A_488 = arith.constant 0 : i32
            %scan3A_489 = arith.constant 32 : i32
            %scan3A_490 = arith.addi %scan3A_488, %scan3A_489 : i32
            %scan3A_491 = arith.constant 1 : i32
            %scan3A_492 = scf.for %scan3A_515 = %scan3A_488 to %scan3A_490 step %scan3A_491 iter_args(%scan3A_516 = %scan3A_487) -> (i32)  : i32 {
              %get3A_517 = arith.index_cast %scan3A_515 : i32 to index
              %get3A_518 = arith.constant 0 : index
              %get3A_519 = tpu.vector_load %arg14[%get3A_517, %get3A_518] {strides = array<i32>} : memref<32x128xf32, #tpu.memory_space<vmem>>, vector<16xf32>,
              %get3A_520 = arith.index_cast %scan3A_515 : i32 to index
              %get3A_521 = arith.constant 16 : index
              %get3A_522 = tpu.vector_load %arg14[%get3A_520, %get3A_521] {strides = array<i32>} : memref<32x128xf32, #tpu.memory_space<vmem>>, vector<16xf32>,
              %get3A_523 = arith.index_cast %scan3A_515 : i32 to index
              %get3A_524 = arith.constant 32 : index
              %get3A_525 = tpu.vector_load %arg14[%get3A_523, %get3A_524] {strides = array<i32>} : memref<32x128xf32, #tpu.memory_space<vmem>>, vector<16xf32>,
              %get3A_526 = arith.index_cast %scan3A_515 : i32 to index
              %get3A_527 = arith.constant 48 : index
              %get3A_528 = tpu.vector_load %arg14[%get3A_526, %get3A_527] {strides = array<i32>} : memref<32x128xf32, #tpu.memory_space<vmem>>, vector<16xf32>,
              %get3A_529 = arith.index_cast %scan3A_515 : i32 to index
              %get3A_530 = arith.constant 64 : index
              %get3A_531 = tpu.vector_load %arg14[%get3A_529, %get3A_530] {strides = array<i32>} : memref<32x128xf32, #tpu.memory_space<vmem>>, vector<16xf32>,
              %get3A_532 = arith.index_cast %scan3A_515 : i32 to index
              %get3A_533 = arith.constant 80 : index
              %get3A_534 = tpu.vector_load %arg14[%get3A_532, %get3A_533] {strides = array<i32>} : memref<32x128xf32, #tpu.memory_space<vmem>>, vector<16xf32>,
              %get3A_535 = arith.index_cast %scan3A_515 : i32 to index
              %get3A_536 = arith.constant 96 : index
              %get3A_537 = tpu.vector_load %arg14[%get3A_535, %get3A_536] {strides = array<i32>} : memref<32x128xf32, #tpu.memory_space<vmem>>, vector<16xf32>,
              %get3A_538 = arith.index_cast %scan3A_515 : i32 to index
              %get3A_539 = arith.constant 112 : index
              %get3A_540 = tpu.vector_load %arg14[%get3A_538, %get3A_539] {strides = array<i32>} : memref<32x128xf32, #tpu.memory_space<vmem>>, vector<16xf32>,
              %add3A_541 = arith.constant 0 : i32
              %add3A_542 = arith.addi %add3A_541, %mul3A_399 : i32
              %add3A_543 = arith.addi %add3A_542, %scan3A_515 : i32
              %broadcast_in_dim3A_544 = vector.broadcast %add3A_543 : i32 to vector<16xi32>
              %gather3A_545 = tpu.vector_load_idx %arg13[%broadcast_in_dim3A_544] : memref<3712xf32, #tpu.memory_space<vmem>>[vector<16xi32>], vector<16xf32>,
              %mul3A_546 = arith.mulf %get3A_519, %gather3A_545 : vector<16xf32>
              %swap3A_547 = arith.constant 0 : i32
              %swap3A_548 = arith.index_cast %swap3A_547 : i32 to index
              %swap3A_549 = arith.index_cast %scan3A_515 : i32 to index
              %swap3A_550 = arith.constant 0 : index
              %swap3A_551 = tpu.vector_load %arg15[%swap3A_548, %swap3A_549, %swap3A_550] {strides = array<i32>} : memref<4x32x128xf32, #tpu.memory_space<vmem>>, vector<16xf32>,
              tpu.vector_store %arg15[%swap3A_548, %swap3A_549, %swap3A_550], %mul3A_546 {strides = array<i32>} : memref<4x32x128xf32, #tpu.memory_space<vmem>>, vector<16xf32>,
              %mul3A_552 = arith.mulf %get3A_522, %gather3A_545 : vector<16xf32>
              %swap3A_553 = arith.constant 0 : i32
              %swap3A_554 = arith.index_cast %swap3A_553 : i32 to index
              %swap3A_555 = arith.index_cast %scan3A_515 : i32 to index
              %swap3A_556 = arith.constant 16 : index
              %swap3A_557 = tpu.vector_load %arg15[%swap3A_554, %swap3A_555, %swap3A_556] {strides = array<i32>} : memref<4x32x128xf32, #tpu.memory_space<vmem>>, vector<16xf32>,
              tpu.vector_store %arg15[%swap3A_554, %swap3A_555, %swap3A_556], %mul3A_552 {strides = array<i32>} : memref<4x32x128xf32, #tpu.memory_space<vmem>>, vector<16xf32>,
              %mul3A_558 = arith.mulf %get3A_525, %gather3A_545 : vector<16xf32>
              %swap3A_559 = arith.constant 0 : i32
              %swap3A_560 = arith.index_cast %swap3A_559 : i32 to index
              %swap3A_561 = arith.index_cast %scan3A_515 : i32 to index
              %swap3A_562 = arith.constant 32 : index
              %swap3A_563 = tpu.vector_load %arg15[%swap3A_560, %swap3A_561, %swap3A_562] {strides = array<i32>} : memref<4x32x128xf32, #tpu.memory_space<vmem>>, vector<16xf32>,
              tpu.vector_store %arg15[%swap3A_560, %swap3A_561, %swap3A_562], %mul3A_558 {strides = array<i32>} : memref<4x32x128xf32, #tpu.memory_space<vmem>>, vector<16xf32>,
              %mul3A_564 = arith.mulf %get3A_528, %gather3A_545 : vector<16xf32>
              %swap3A_565 = arith.constant 0 : i32
              %swap3A_566 = arith.index_cast %swap3A_565 : i32 to index
              %swap3A_567 = arith.index_cast %scan3A_515 : i32 to index
              %swap3A_568 = arith.constant 48 : index
              %swap3A_569 = tpu.vector_load %arg15[%swap3A_566, %swap3A_567, %swap3A_568] {strides = array<i32>} : memref<4x32x128xf32, #tpu.memory_space<vmem>>, vector<16xf32>,
              tpu.vector_store %arg15[%swap3A_566, %swap3A_567, %swap3A_568], %mul3A_564 {strides = array<i32>} : memref<4x32x128xf32, #tpu.memory_space<vmem>>, vector<16xf32>,
              %mul3A_570 = arith.mulf %get3A_531, %gather3A_545 : vector<16xf32>
              %swap3A_571 = arith.constant 0 : i32
              %swap3A_572 = arith.index_cast %swap3A_571 : i32 to index
              %swap3A_573 = arith.index_cast %scan3A_515 : i32 to index
              %swap3A_574 = arith.constant 64 : index
              %swap3A_575 = tpu.vector_load %arg15[%swap3A_572, %swap3A_573, %swap3A_574] {strides = array<i32>} : memref<4x32x128xf32, #tpu.memory_space<vmem>>, vector<16xf32>,
              tpu.vector_store %arg15[%swap3A_572, %swap3A_573, %swap3A_574], %mul3A_570 {strides = array<i32>} : memref<4x32x128xf32, #tpu.memory_space<vmem>>, vector<16xf32>,
              %mul3A_576 = arith.mulf %get3A_534, %gather3A_545 : vector<16xf32>
              %swap3A_577 = arith.constant 0 : i32
              %swap3A_578 = arith.index_cast %swap3A_577 : i32 to index
              %swap3A_579 = arith.index_cast %scan3A_515 : i32 to index
              %swap3A_580 = arith.constant 80 : index
              %swap3A_581 = tpu.vector_load %arg15[%swap3A_578, %swap3A_579, %swap3A_580] {strides = array<i32>} : memref<4x32x128xf32, #tpu.memory_space<vmem>>, vector<16xf32>,
              tpu.vector_store %arg15[%swap3A_578, %swap3A_579, %swap3A_580], %mul3A_576 {strides = array<i32>} : memref<4x32x128xf32, #tpu.memory_space<vmem>>, vector<16xf32>,
              %mul3A_582 = arith.mulf %get3A_537, %gather3A_545 : vector<16xf32>
              %swap3A_583 = arith.constant 0 : i32
              %swap3A_584 = arith.index_cast %swap3A_583 : i32 to index
              %swap3A_585 = arith.index_cast %scan3A_515 : i32 to index
              %swap3A_586 = arith.constant 96 : index
              %swap3A_587 = tpu.vector_load %arg15[%swap3A_584, %swap3A_585, %swap3A_586] {strides = array<i32>} : memref<4x32x128xf32, #tpu.memory_space<vmem>>, vector<16xf32>,
              tpu.vector_store %arg15[%swap3A_584, %swap3A_585, %swap3A_586], %mul3A_582 {strides = array<i32>} : memref<4x32x128xf32, #tpu.memory_space<vmem>>, vector<16xf32>,
              %mul3A_588 = arith.mulf %get3A_540, %gather3A_545 : vector<16xf32>
              %swap3A_589 = arith.constant 0 : i32
              %swap3A_590 = arith.index_cast %swap3A_589 : i32 to index
              %swap3A_591 = arith.index_cast %scan3A_515 : i32 to index
              %swap3A_592 = arith.constant 112 : index
              %swap3A_593 = tpu.vector_load %arg15[%swap3A_590, %swap3A_591, %swap3A_592] {strides = array<i32>} : memref<4x32x128xf32, #tpu.memory_space<vmem>>, vector<16xf32>,
              tpu.vector_store %arg15[%swap3A_590, %swap3A_591, %swap3A_592], %mul3A_588 {strides = array<i32>} : memref<4x32x128xf32, #tpu.memory_space<vmem>>, vector<16xf32>,
              %add3A_594 = arith.constant 928 : i32
              %add3A_595 = arith.addi %add3A_594, %mul3A_399 : i32
              %add3A_596 = arith.addi %add3A_595, %scan3A_515 : i32
              %broadcast_in_dim3A_597 = vector.broadcast %add3A_596 : i32 to vector<16xi32>
              %gather3A_598 = tpu.vector_load_idx %arg13[%broadcast_in_dim3A_597] : memref<3712xf32, #tpu.memory_space<vmem>>[vector<16xi32>], vector<16xf32>,
              %mul3A_599 = arith.mulf %get3A_519, %gather3A_598 : vector<16xf32>
              %swap3A_600 = arith.constant 1 : i32
              %swap3A_601 = arith.index_cast %swap3A_600 : i32 to index
              %swap3A_602 = arith.index_cast %scan3A_515 : i32 to index
              %swap3A_603 = arith.constant 0 : index
              %swap3A_604 = tpu.vector_load %arg15[%swap3A_601, %swap3A_602, %swap3A_603] {strides = array<i32>} : memref<4x32x128xf32, #tpu.memory_space<vmem>>, vector<16xf32>,
              tpu.vector_store %arg15[%swap3A_601, %swap3A_602, %swap3A_603], %mul3A_599 {strides = array<i32>} : memref<4x32x128xf32, #tpu.memory_space<vmem>>, vector<16xf32>,
              %mul3A_605 = arith.mulf %get3A_522, %gather3A_598 : vector<16xf32>
              %swap3A_606 = arith.constant 1 : i32
              %swap3A_607 = arith.index_cast %swap3A_606 : i32 to index
              %swap3A_608 = arith.index_cast %scan3A_515 : i32 to index
              %swap3A_609 = arith.constant 16 : index
              %swap3A_610 = tpu.vector_load %arg15[%swap3A_607, %swap3A_608, %swap3A_609] {strides = array<i32>} : memref<4x32x128xf32, #tpu.memory_space<vmem>>, vector<16xf32>,
              tpu.vector_store %arg15[%swap3A_607, %swap3A_608, %swap3A_609], %mul3A_605 {strides = array<i32>} : memref<4x32x128xf32, #tpu.memory_space<vmem>>, vector<16xf32>,
              %mul3A_611 = arith.mulf %get3A_525, %gather3A_598 : vector<16xf32>
              %swap3A_612 = arith.constant 1 : i32
              %swap3A_613 = arith.index_cast %swap3A_612 : i32 to index
              %swap3A_614 = arith.index_cast %scan3A_515 : i32 to index
              %swap3A_615 = arith.constant 32 : index
              %swap3A_616 = tpu.vector_load %arg15[%swap3A_613, %swap3A_614, %swap3A_615] {strides = array<i32>} : memref<4x32x128xf32, #tpu.memory_space<vmem>>, vector<16xf32>,
              tpu.vector_store %arg15[%swap3A_613, %swap3A_614, %swap3A_615], %mul3A_611 {strides = array<i32>} : memref<4x32x128xf32, #tpu.memory_space<vmem>>, vector<16xf32>,
              %mul3A_617 = arith.mulf %get3A_528, %gather3A_598 : vector<16xf32>
              %swap3A_618 = arith.constant 1 : i32
              %swap3A_619 = arith.index_cast %swap3A_618 : i32 to index
              %swap3A_620 = arith.index_cast %scan3A_515 : i32 to index
              %swap3A_621 = arith.constant 48 : index
              %swap3A_622 = tpu.vector_load %arg15[%swap3A_619, %swap3A_620, %swap3A_621] {strides = array<i32>} : memref<4x32x128xf32, #tpu.memory_space<vmem>>, vector<16xf32>,
              tpu.vector_store %arg15[%swap3A_619, %swap3A_620, %swap3A_621], %mul3A_617 {strides = array<i32>} : memref<4x32x128xf32, #tpu.memory_space<vmem>>, vector<16xf32>,
              %mul3A_623 = arith.mulf %get3A_531, %gather3A_598 : vector<16xf32>
              %swap3A_624 = arith.constant 1 : i32
              %swap3A_625 = arith.index_cast %swap3A_624 : i32 to index
              %swap3A_626 = arith.index_cast %scan3A_515 : i32 to index
              %swap3A_627 = arith.constant 64 : index
              %swap3A_628 = tpu.vector_load %arg15[%swap3A_625, %swap3A_626, %swap3A_627] {strides = array<i32>} : memref<4x32x128xf32, #tpu.memory_space<vmem>>, vector<16xf32>,
              tpu.vector_store %arg15[%swap3A_625, %swap3A_626, %swap3A_627], %mul3A_623 {strides = array<i32>} : memref<4x32x128xf32, #tpu.memory_space<vmem>>, vector<16xf32>,
              %mul3A_629 = arith.mulf %get3A_534, %gather3A_598 : vector<16xf32>
              %swap3A_630 = arith.constant 1 : i32
              %swap3A_631 = arith.index_cast %swap3A_630 : i32 to index
              %swap3A_632 = arith.index_cast %scan3A_515 : i32 to index
              %swap3A_633 = arith.constant 80 : index
              %swap3A_634 = tpu.vector_load %arg15[%swap3A_631, %swap3A_632, %swap3A_633] {strides = array<i32>} : memref<4x32x128xf32, #tpu.memory_space<vmem>>, vector<16xf32>,
              tpu.vector_store %arg15[%swap3A_631, %swap3A_632, %swap3A_633], %mul3A_629 {strides = array<i32>} : memref<4x32x128xf32, #tpu.memory_space<vmem>>, vector<16xf32>,
              %mul3A_635 = arith.mulf %get3A_537, %gather3A_598 : vector<16xf32>
              %swap3A_636 = arith.constant 1 : i32
              %swap3A_637 = arith.index_cast %swap3A_636 : i32 to index
              %swap3A_638 = arith.index_cast %scan3A_515 : i32 to index
              %swap3A_639 = arith.constant 96 : index
              %swap3A_640 = tpu.vector_load %arg15[%swap3A_637, %swap3A_638, %swap3A_639] {strides = array<i32>} : memref<4x32x128xf32, #tpu.memory_space<vmem>>, vector<16xf32>,
              tpu.vector_store %arg15[%swap3A_637, %swap3A_638, %swap3A_639], %mul3A_635 {strides = array<i32>} : memref<4x32x128xf32, #tpu.memory_space<vmem>>, vector<16xf32>,
              %mul3A_641 = arith.mulf %get3A_540, %gather3A_598 : vector<16xf32>
              %swap3A_642 = arith.constant 1 : i32
              %swap3A_643 = arith.index_cast %swap3A_642 : i32 to index
              %swap3A_644 = arith.index_cast %scan3A_515 : i32 to index
              %swap3A_645 = arith.constant 112 : index
              %swap3A_646 = tpu.vector_load %arg15[%swap3A_643, %swap3A_644, %swap3A_645] {strides = array<i32>} : memref<4x32x128xf32, #tpu.memory_space<vmem>>, vector<16xf32>,
              tpu.vector_store %arg15[%swap3A_643, %swap3A_644, %swap3A_645], %mul3A_641 {strides = array<i32>} : memref<4x32x128xf32, #tpu.memory_space<vmem>>, vector<16xf32>,
              %add3A_647 = arith.constant 1856 : i32
              %add3A_648 = arith.addi %add3A_647, %mul3A_399 : i32
              %add3A_649 = arith.addi %add3A_648, %scan3A_515 : i32
              %broadcast_in_dim3A_650 = vector.broadcast %add3A_649 : i32 to vector<16xi32>
              %gather3A_651 = tpu.vector_load_idx %arg13[%broadcast_in_dim3A_650] : memref<3712xf32, #tpu.memory_space<vmem>>[vector<16xi32>], vector<16xf32>,
              %mul3A_652 = arith.mulf %get3A_519, %gather3A_651 : vector<16xf32>
              %swap3A_653 = arith.constant 2 : i32
              %swap3A_654 = arith.index_cast %swap3A_653 : i32 to index
              %swap3A_655 = arith.index_cast %scan3A_515 : i32 to index
              %swap3A_656 = arith.constant 0 : index
              %swap3A_657 = tpu.vector_load %arg15[%swap3A_654, %swap3A_655, %swap3A_656] {strides = array<i32>} : memref<4x32x128xf32, #tpu.memory_space<vmem>>, vector<16xf32>,
              tpu.vector_store %arg15[%swap3A_654, %swap3A_655, %swap3A_656], %mul3A_652 {strides = array<i32>} : memref<4x32x128xf32, #tpu.memory_space<vmem>>, vector<16xf32>,
              %mul3A_658 = arith.mulf %get3A_522, %gather3A_651 : vector<16xf32>
              %swap3A_659 = arith.constant 2 : i32
              %swap3A_660 = arith.index_cast %swap3A_659 : i32 to index
              %swap3A_661 = arith.index_cast %scan3A_515 : i32 to index
              %swap3A_662 = arith.constant 16 : index
              %swap3A_663 = tpu.vector_load %arg15[%swap3A_660, %swap3A_661, %swap3A_662] {strides = array<i32>} : memref<4x32x128xf32, #tpu.memory_space<vmem>>, vector<16xf32>,
              tpu.vector_store %arg15[%swap3A_660, %swap3A_661, %swap3A_662], %mul3A_658 {strides = array<i32>} : memref<4x32x128xf32, #tpu.memory_space<vmem>>, vector<16xf32>,
              %mul3A_664 = arith.mulf %get3A_525, %gather3A_651 : vector<16xf32>
              %swap3A_665 = arith.constant 2 : i32
              %swap3A_666 = arith.index_cast %swap3A_665 : i32 to index
              %swap3A_667 = arith.index_cast %scan3A_515 : i32 to index
              %swap3A_668 = arith.constant 32 : index
              %swap3A_669 = tpu.vector_load %arg15[%swap3A_666, %swap3A_667, %swap3A_668] {strides = array<i32>} : memref<4x32x128xf32, #tpu.memory_space<vmem>>, vector<16xf32>,
              tpu.vector_store %arg15[%swap3A_666, %swap3A_667, %swap3A_668], %mul3A_664 {strides = array<i32>} : memref<4x32x128xf32, #tpu.memory_space<vmem>>, vector<16xf32>,
              %mul3A_670 = arith.mulf %get3A_528, %gather3A_651 : vector<16xf32>
              %swap3A_671 = arith.constant 2 : i32
              %swap3A_672 = arith.index_cast %swap3A_671 : i32 to index
              %swap3A_673 = arith.index_cast %scan3A_515 : i32 to index
              %swap3A_674 = arith.constant 48 : index
              %swap3A_675 = tpu.vector_load %arg15[%swap3A_672, %swap3A_673, %swap3A_674] {strides = array<i32>} : memref<4x32x128xf32, #tpu.memory_space<vmem>>, vector<16xf32>,
              tpu.vector_store %arg15[%swap3A_672, %swap3A_673, %swap3A_674], %mul3A_670 {strides = array<i32>} : memref<4x32x128xf32, #tpu.memory_space<vmem>>, vector<16xf32>,
              %mul3A_676 = arith.mulf %get3A_531, %gather3A_651 : vector<16xf32>
              %swap3A_677 = arith.constant 2 : i32
              %swap3A_678 = arith.index_cast %swap3A_677 : i32 to index
              %swap3A_679 = arith.index_cast %scan3A_515 : i32 to index
              %swap3A_680 = arith.constant 64 : index
              %swap3A_681 = tpu.vector_load %arg15[%swap3A_678, %swap3A_679, %swap3A_680] {strides = array<i32>} : memref<4x32x128xf32, #tpu.memory_space<vmem>>, vector<16xf32>,
              tpu.vector_store %arg15[%swap3A_678, %swap3A_679, %swap3A_680], %mul3A_676 {strides = array<i32>} : memref<4x32x128xf32, #tpu.memory_space<vmem>>, vector<16xf32>,
              %mul3A_682 = arith.mulf %get3A_534, %gather3A_651 : vector<16xf32>
              %swap3A_683 = arith.constant 2 : i32
              %swap3A_684 = arith.index_cast %swap3A_683 : i32 to index
              %swap3A_685 = arith.index_cast %scan3A_515 : i32 to index
              %swap3A_686 = arith.constant 80 : index
              %swap3A_687 = tpu.vector_load %arg15[%swap3A_684, %swap3A_685, %swap3A_686] {strides = array<i32>} : memref<4x32x128xf32, #tpu.memory_space<vmem>>, vector<16xf32>,
              tpu.vector_store %arg15[%swap3A_684, %swap3A_685, %swap3A_686], %mul3A_682 {strides = array<i32>} : memref<4x32x128xf32, #tpu.memory_space<vmem>>, vector<16xf32>,
              %mul3A_688 = arith.mulf %get3A_537, %gather3A_651 : vector<16xf32>
              %swap3A_689 = arith.constant 2 : i32
              %swap3A_690 = arith.index_cast %swap3A_689 : i32 to index
              %swap3A_691 = arith.index_cast %scan3A_515 : i32 to index
              %swap3A_692 = arith.constant 96 : index
              %swap3A_693 = tpu.vector_load %arg15[%swap3A_690, %swap3A_691, %swap3A_692] {strides = array<i32>} : memref<4x32x128xf32, #tpu.memory_space<vmem>>, vector<16xf32>,
              tpu.vector_store %arg15[%swap3A_690, %swap3A_691, %swap3A_692], %mul3A_688 {strides = array<i32>} : memref<4x32x128xf32, #tpu.memory_space<vmem>>, vector<16xf32>,
              %mul3A_694 = arith.mulf %get3A_540, %gather3A_651 : vector<16xf32>
              %swap3A_695 = arith.constant 2 : i32
              %swap3A_696 = arith.index_cast %swap3A_695 : i32 to index
              %swap3A_697 = arith.index_cast %scan3A_515 : i32 to index
              %swap3A_698 = arith.constant 112 : index
              %swap3A_699 = tpu.vector_load %arg15[%swap3A_696, %swap3A_697, %swap3A_698] {strides = array<i32>} : memref<4x32x128xf32, #tpu.memory_space<vmem>>, vector<16xf32>,
              tpu.vector_store %arg15[%swap3A_696, %swap3A_697, %swap3A_698], %mul3A_694 {strides = array<i32>} : memref<4x32x128xf32, #tpu.memory_space<vmem>>, vector<16xf32>,
              %add3A_700 = arith.constant 2784 : i32
              %add3A_701 = arith.addi %add3A_700, %mul3A_399 : i32
              %add3A_702 = arith.addi %add3A_701, %scan3A_515 : i32
              %broadcast_in_dim3A_703 = vector.broadcast %add3A_702 : i32 to vector<16xi32>
              %gather3A_704 = tpu.vector_load_idx %arg13[%broadcast_in_dim3A_703] : memref<3712xf32, #tpu.memory_space<vmem>>[vector<16xi32>], vector<16xf32>,
              %mul3A_705 = arith.mulf %get3A_519, %gather3A_704 : vector<16xf32>
              %swap3A_706 = arith.constant 3 : i32
              %swap3A_707 = arith.index_cast %swap3A_706 : i32 to index
              %swap3A_708 = arith.index_cast %scan3A_515 : i32 to index
              %swap3A_709 = arith.constant 0 : index
              %swap3A_710 = tpu.vector_load %arg15[%swap3A_707, %swap3A_708, %swap3A_709] {strides = array<i32>} : memref<4x32x128xf32, #tpu.memory_space<vmem>>, vector<16xf32>,
              tpu.vector_store %arg15[%swap3A_707, %swap3A_708, %swap3A_709], %mul3A_705 {strides = array<i32>} : memref<4x32x128xf32, #tpu.memory_space<vmem>>, vector<16xf32>,
              %mul3A_711 = arith.mulf %get3A_522, %gather3A_704 : vector<16xf32>
              %swap3A_712 = arith.constant 3 : i32
              %swap3A_713 = arith.index_cast %swap3A_712 : i32 to index
              %swap3A_714 = arith.index_cast %scan3A_515 : i32 to index
              %swap3A_715 = arith.constant 16 : index
              %swap3A_716 = tpu.vector_load %arg15[%swap3A_713, %swap3A_714, %swap3A_715] {strides = array<i32>} : memref<4x32x128xf32, #tpu.memory_space<vmem>>, vector<16xf32>,
              tpu.vector_store %arg15[%swap3A_713, %swap3A_714, %swap3A_715], %mul3A_711 {strides = array<i32>} : memref<4x32x128xf32, #tpu.memory_space<vmem>>, vector<16xf32>,
              %mul3A_717 = arith.mulf %get3A_525, %gather3A_704 : vector<16xf32>
              %swap3A_718 = arith.constant 3 : i32
              %swap3A_719 = arith.index_cast %swap3A_718 : i32 to index
              %swap3A_720 = arith.index_cast %scan3A_515 : i32 to index
              %swap3A_721 = arith.constant 32 : index
              %swap3A_722 = tpu.vector_load %arg15[%swap3A_719, %swap3A_720, %swap3A_721] {strides = array<i32>} : memref<4x32x128xf32, #tpu.memory_space<vmem>>, vector<16xf32>,
              tpu.vector_store %arg15[%swap3A_719, %swap3A_720, %swap3A_721], %mul3A_717 {strides = array<i32>} : memref<4x32x128xf32, #tpu.memory_space<vmem>>, vector<16xf32>,
              %mul3A_723 = arith.mulf %get3A_528, %gather3A_704 : vector<16xf32>
              %swap3A_724 = arith.constant 3 : i32
              %swap3A_725 = arith.index_cast %swap3A_724 : i32 to index
              %swap3A_726 = arith.index_cast %scan3A_515 : i32 to index
              %swap3A_727 = arith.constant 48 : index
              %swap3A_728 = tpu.vector_load %arg15[%swap3A_725, %swap3A_726, %swap3A_727] {strides = array<i32>} : memref<4x32x128xf32, #tpu.memory_space<vmem>>, vector<16xf32>,
              tpu.vector_store %arg15[%swap3A_725, %swap3A_726, %swap3A_727], %mul3A_723 {strides = array<i32>} : memref<4x32x128xf32, #tpu.memory_space<vmem>>, vector<16xf32>,
              %mul3A_729 = arith.mulf %get3A_531, %gather3A_704 : vector<16xf32>
              %swap3A_730 = arith.constant 3 : i32
              %swap3A_731 = arith.index_cast %swap3A_730 : i32 to index
              %swap3A_732 = arith.index_cast %scan3A_515 : i32 to index
              %swap3A_733 = arith.constant 64 : index
              %swap3A_734 = tpu.vector_load %arg15[%swap3A_731, %swap3A_732, %swap3A_733] {strides = array<i32>} : memref<4x32x128xf32, #tpu.memory_space<vmem>>, vector<16xf32>,
              tpu.vector_store %arg15[%swap3A_731, %swap3A_732, %swap3A_733], %mul3A_729 {strides = array<i32>} : memref<4x32x128xf32, #tpu.memory_space<vmem>>, vector<16xf32>,
              %mul3A_735 = arith.mulf %get3A_534, %gather3A_704 : vector<16xf32>
              %swap3A_736 = arith.constant 3 : i32
              %swap3A_737 = arith.index_cast %swap3A_736 : i32 to index
              %swap3A_738 = arith.index_cast %scan3A_515 : i32 to index
              %swap3A_739 = arith.constant 80 : index
              %swap3A_740 = tpu.vector_load %arg15[%swap3A_737, %swap3A_738, %swap3A_739] {strides = array<i32>} : memref<4x32x128xf32, #tpu.memory_space<vmem>>, vector<16xf32>,
              tpu.vector_store %arg15[%swap3A_737, %swap3A_738, %swap3A_739], %mul3A_735 {strides = array<i32>} : memref<4x32x128xf32, #tpu.memory_space<vmem>>, vector<16xf32>,
              %mul3A_741 = arith.mulf %get3A_537, %gather3A_704 : vector<16xf32>
              %swap3A_742 = arith.constant 3 : i32
              %swap3A_743 = arith.index_cast %swap3A_742 : i32 to index
              %swap3A_744 = arith.index_cast %scan3A_515 : i32 to index
              %swap3A_745 = arith.constant 96 : index
              %swap3A_746 = tpu.vector_load %arg15[%swap3A_743, %swap3A_744, %swap3A_745] {strides = array<i32>} : memref<4x32x128xf32, #tpu.memory_space<vmem>>, vector<16xf32>,
              tpu.vector_store %arg15[%swap3A_743, %swap3A_744, %swap3A_745], %mul3A_741 {strides = array<i32>} : memref<4x32x128xf32, #tpu.memory_space<vmem>>, vector<16xf32>,
              %mul3A_747 = arith.mulf %get3A_540, %gather3A_704 : vector<16xf32>
              %swap3A_748 = arith.constant 3 : i32
              %swap3A_749 = arith.index_cast %swap3A_748 : i32 to index
              %swap3A_750 = arith.index_cast %scan3A_515 : i32 to index
              %swap3A_751 = arith.constant 112 : index
              %swap3A_752 = tpu.vector_load %arg15[%swap3A_749, %swap3A_750, %swap3A_751] {strides = array<i32>} : memref<4x32x128xf32, #tpu.memory_space<vmem>>, vector<16xf32>,
              tpu.vector_store %arg15[%swap3A_749, %swap3A_750, %swap3A_751], %mul3A_747 {strides = array<i32>} : memref<4x32x128xf32, #tpu.memory_space<vmem>>, vector<16xf32>,
              %scan3A_753 = arith.constant 0 : i32
              scf.yield %scan3A_753 : i32
            }
            %scan3A_493 = arith.constant 32 : i32
            %add3A_494 = arith.constant 1 : i32
            %add3A_495 = arith.addi %while3A_396, %add3A_494 : i32
            %lt3A_496 = arith.cmpi slt, %add3A_495, %select_n3A_374 : i32
            %convert_element_type3A_497 = arith.extui %lt3A_496 : i1 to i32
            %cond3A_498 = arith.constant 0 : i32
            %cond3A_499 = arith.cmpi ne, %convert_element_type3A_497, %cond3A_498 : i32
            scf.if %cond3A_499 {
              %add3A_515 = arith.constant 32 : i32
              %add3A_516 = arith.addi %mul3A_399, %add3A_515 : i32
              %dma_start3A_517 = tpu.memref_slice %arg11[%add3A_516] : memref<928xi32, #tpu.memory_space<vmem>> -> memref<32xi32, #tpu.memory_space<vmem>>
              %dma_start3A_518 = arith.constant 0 : i32
              %dma_start3A_519 = arith.constant 0 : i32
              %dma_start3A_520 = tpu.memref_slice %arg2[%dma_start3A_518, %dma_start3A_519] : memref<200704x128xf32, #tpu.memory_space<hbm>> -> memref<200704x128xf32, #tpu.memory_space<hbm>>
              tpu.enqueue_indirect_dma source(%dma_start3A_520 : memref<200704x128xf32, #tpu.memory_space<hbm>>) target(%arg14 : memref<32x128xf32, #tpu.memory_space<vmem>>) offsets(%dma_start3A_517 : memref<32xi32, #tpu.memory_space<vmem>>) semaphore(%arg26 : memref<!tpu.dma_semaphore, #tpu.memory_space<semaphore_mem>>)
            } else {
            }
            %add3A_500 = arith.constant 4 : i32
            %add3A_501 = arith.addi %add3A_500, %shift_right_arithmetic3A_0 : i32
            %while3A_502 = arith.constant 0 : i32
            %while3A_503 = arith.constant 0 : i32
            %while3A_504 = arith.subi %add3A_501, %while3A_502 : i32
            %while3A_505 = arith.addi %while3A_502, %while3A_504 : i32
            %while3A_506 = arith.constant 1 : i32
            %while3A_507 = arith.divsi %while3A_504, %while3A_506 : i32
            %while3A_508 = arith.muli %while3A_507, %while3A_506 : i32
            %while3A_509 = arith.addi %while3A_502, %while3A_508 : i32
            %while3A_510 = arith.constant 1 : i32
            %while3A_511 = scf.for %while3A_515 = %while3A_502 to %while3A_509 step %while3A_510 iter_args(%while3A_516 = %while3A_503) -> (i32)  : i32 {
              %dma_start3A_517 = arith.constant 0 : i32
              %dma_start3A_518 = arith.constant 0 : i32
              %dma_start3A_519 = tpu.memref_slice %arg15[%while3A_515, %dma_start3A_517, %dma_start3A_518] : memref<4x32x128xf32, #tpu.memory_space<vmem>> -> memref<1x32x128xf32, #tpu.memory_space<vmem>>
              %dma_start3A_520 = tpu.memref_squeeze %dma_start3A_519 : memref<1x32x128xf32, #tpu.memory_space<vmem>> -> memref<32x128xf32, #tpu.memory_space<vmem>>
              %dma_start3A_521 = arith.constant 0 : i32
              %dma_start3A_522 = tpu.memref_slice %arg16[%while3A_515, %dma_start3A_521] : memref<4x32xi32, #tpu.memory_space<vmem>> -> memref<1x32xi32, #tpu.memory_space<vmem>>
              %dma_start3A_523 = tpu.memref_squeeze %dma_start3A_522 : memref<1x32xi32, #tpu.memory_space<vmem>> -> memref<32xi32, #tpu.memory_space<vmem>>
              %dma_start3A_524 = arith.constant 0 : i32
              %dma_start3A_525 = arith.constant 0 : i32
              %dma_start3A_526 = tpu.memref_slice %arg23[%dma_start3A_524, %dma_start3A_525] : memref<10240x128xf32, #tpu.memory_space<vmem_shared>> -> memref<10240x128xf32, #tpu.memory_space<vmem_shared>>
              tpu.enqueue_indirect_dma source(%dma_start3A_520 : memref<32x128xf32, #tpu.memory_space<vmem>>) target(%dma_start3A_526 : memref<10240x128xf32, #tpu.memory_space<vmem_shared>>) offsets(%dma_start3A_523 : memref<32xi32, #tpu.memory_space<vmem>>) semaphore(%arg27 : memref<!tpu.dma_semaphore, #tpu.memory_space<semaphore_mem>>) {add = true}
              %mul3A_527 = arith.constant 928 : i32
              %mul3A_528 = arith.muli %while3A_515, %mul3A_527 : i32
              %add3A_529 = arith.addi %mul3A_528, %mul3A_399 : i32
              %dma_start3A_530 = tpu.memref_slice %arg13[%add3A_529] : memref<3712xf32, #tpu.memory_space<vmem>> -> memref<32xf32, #tpu.memory_space<vmem>>
              %dma_start3A_531 = arith.constant 0 : i32
              %dma_start3A_532 = tpu.memref_slice %arg16[%while3A_515, %dma_start3A_531] : memref<4x32xi32, #tpu.memory_space<vmem>> -> memref<1x32xi32, #tpu.memory_space<vmem>>
              %dma_start3A_533 = tpu.memref_squeeze %dma_start3A_532 : memref<1x32xi32, #tpu.memory_space<vmem>> -> memref<32xi32, #tpu.memory_space<vmem>>
              %dma_start3A_534 = arith.constant 0 : i32
              %dma_start3A_535 = tpu.memref_slice %arg24[%dma_start3A_534] : memref<10240xf32, #tpu.memory_space<vmem_shared>> -> memref<10240xf32, #tpu.memory_space<vmem_shared>>
              tpu.enqueue_indirect_dma source(%dma_start3A_530 : memref<32xf32, #tpu.memory_space<vmem>>) target(%dma_start3A_535 : memref<10240xf32, #tpu.memory_space<vmem_shared>>) offsets(%dma_start3A_533 : memref<32xi32, #tpu.memory_space<vmem>>) semaphore(%arg27 : memref<!tpu.dma_semaphore, #tpu.memory_space<semaphore_mem>>) {add = true}
              %while3A_536 = arith.constant 0 : i32
              scf.yield %while3A_536 : i32
            }
            %while3A_512 = arith.constant 1 : i32
            %while3A_513 = scf.for %while3A_515 = %while3A_509 to %while3A_505 step %while3A_512 iter_args(%while3A_516 = %while3A_511) -> (i32)  : i32 {
              %dma_start3A_517 = arith.constant 0 : i32
              %dma_start3A_518 = arith.constant 0 : i32
              %dma_start3A_519 = tpu.memref_slice %arg15[%while3A_515, %dma_start3A_517, %dma_start3A_518] : memref<4x32x128xf32, #tpu.memory_space<vmem>> -> memref<1x32x128xf32, #tpu.memory_space<vmem>>
              %dma_start3A_520 = tpu.memref_squeeze %dma_start3A_519 : memref<1x32x128xf32, #tpu.memory_space<vmem>> -> memref<32x128xf32, #tpu.memory_space<vmem>>
              %dma_start3A_521 = arith.constant 0 : i32
              %dma_start3A_522 = tpu.memref_slice %arg16[%while3A_515, %dma_start3A_521] : memref<4x32xi32, #tpu.memory_space<vmem>> -> memref<1x32xi32, #tpu.memory_space<vmem>>
              %dma_start3A_523 = tpu.memref_squeeze %dma_start3A_522 : memref<1x32xi32, #tpu.memory_space<vmem>> -> memref<32xi32, #tpu.memory_space<vmem>>
              %dma_start3A_524 = arith.constant 0 : i32
              %dma_start3A_525 = arith.constant 0 : i32
              %dma_start3A_526 = tpu.memref_slice %arg23[%dma_start3A_524, %dma_start3A_525] : memref<10240x128xf32, #tpu.memory_space<vmem_shared>> -> memref<10240x128xf32, #tpu.memory_space<vmem_shared>>
              tpu.enqueue_indirect_dma source(%dma_start3A_520 : memref<32x128xf32, #tpu.memory_space<vmem>>) target(%dma_start3A_526 : memref<10240x128xf32, #tpu.memory_space<vmem_shared>>) offsets(%dma_start3A_523 : memref<32xi32, #tpu.memory_space<vmem>>) semaphore(%arg27 : memref<!tpu.dma_semaphore, #tpu.memory_space<semaphore_mem>>) {add = true}
              %mul3A_527 = arith.constant 928 : i32
              %mul3A_528 = arith.muli %while3A_515, %mul3A_527 : i32
              %add3A_529 = arith.addi %mul3A_528, %mul3A_399 : i32
              %dma_start3A_530 = tpu.memref_slice %arg13[%add3A_529] : memref<3712xf32, #tpu.memory_space<vmem>> -> memref<32xf32, #tpu.memory_space<vmem>>
              %dma_start3A_531 = arith.constant 0 : i32
              %dma_start3A_532 = tpu.memref_slice %arg16[%while3A_515, %dma_start3A_531] : memref<4x32xi32, #tpu.memory_space<vmem>> -> memref<1x32xi32, #tpu.memory_space<vmem>>
              %dma_start3A_533 = tpu.memref_squeeze %dma_start3A_532 : memref<1x32xi32, #tpu.memory_space<vmem>> -> memref<32xi32, #tpu.memory_space<vmem>>
              %dma_start3A_534 = arith.constant 0 : i32
              %dma_start3A_535 = tpu.memref_slice %arg24[%dma_start3A_534] : memref<10240xf32, #tpu.memory_space<vmem_shared>> -> memref<10240xf32, #tpu.memory_space<vmem_shared>>
              tpu.enqueue_indirect_dma source(%dma_start3A_530 : memref<32xf32, #tpu.memory_space<vmem>>) target(%dma_start3A_535 : memref<10240xf32, #tpu.memory_space<vmem_shared>>) offsets(%dma_start3A_533 : memref<32xi32, #tpu.memory_space<vmem>>) semaphore(%arg27 : memref<!tpu.dma_semaphore, #tpu.memory_space<semaphore_mem>>) {add = true}
              %while3A_536 = arith.constant 0 : i32
              scf.yield %while3A_536 : i32
            }
            %while3A_514 = arith.constant 0 : i32
            scf.yield %while3A_514 : i32
          }
          %while3A_389 = arith.constant 1 : i32
          %while3A_390 = scf.for %while3A_396 = %while3A_386 to %while3A_382 step %while3A_389 iter_args(%while3A_397 = %while3A_388) -> (i32)  : i32 {
            %mul3A_398 = arith.constant 32 : i32
            %mul3A_399 = arith.muli %while3A_396, %mul3A_398 : i32
            %gt3A_400 = arith.constant 0 : i32
            %gt3A_401 = arith.cmpi sgt, %while3A_396, %gt3A_400 : i32
            %convert_element_type3A_402 = arith.extui %gt3A_401 : i1 to i32
            %cond3A_403 = arith.constant 0 : i32
            %cond3A_404 = arith.cmpi ne, %convert_element_type3A_402, %cond3A_403 : i32
            scf.if %cond3A_404 {
              %add3A_515 = arith.constant 4 : i32
              %add3A_516 = arith.addi %add3A_515, %shift_right_arithmetic3A_0 : i32
              %while3A_517 = arith.constant 0 : i32
              %while3A_518 = arith.constant 0 : i32
              %while3A_519 = arith.subi %add3A_516, %while3A_517 : i32
              %while3A_520 = arith.addi %while3A_517, %while3A_519 : i32
              %while3A_521 = arith.constant 1 : i32
              %while3A_522 = arith.divsi %while3A_519, %while3A_521 : i32
              %while3A_523 = arith.muli %while3A_522, %while3A_521 : i32
              %while3A_524 = arith.addi %while3A_517, %while3A_523 : i32
              %while3A_525 = arith.constant 1 : i32
              %while3A_526 = scf.for %while3A_529 = %while3A_517 to %while3A_524 step %while3A_525 iter_args(%while3A_530 = %while3A_518) -> (i32)  : i32 {
                %dma_wait3A_531 = arith.constant 0 : i32
                %dma_wait3A_532 = arith.constant 0 : i32
                %dma_wait3A_533 = tpu.memref_slice %arg15[%while3A_529, %dma_wait3A_531, %dma_wait3A_532] : memref<4x32x128xf32, #tpu.memory_space<vmem>> -> memref<1x32x128xf32, #tpu.memory_space<vmem>>
                %dma_wait3A_534 = tpu.memref_squeeze %dma_wait3A_533 : memref<1x32x128xf32, #tpu.memory_space<vmem>> -> memref<32x128xf32, #tpu.memory_space<vmem>>
                %dma_wait3A_535 = arith.constant 0 : i32
                %dma_wait3A_536 = tpu.memref_slice %arg16[%while3A_529, %dma_wait3A_535] : memref<4x32xi32, #tpu.memory_space<vmem>> -> memref<1x32xi32, #tpu.memory_space<vmem>>
                %dma_wait3A_537 = tpu.memref_squeeze %dma_wait3A_536 : memref<1x32xi32, #tpu.memory_space<vmem>> -> memref<32xi32, #tpu.memory_space<vmem>>
                %dma_wait3A_538 = arith.constant 0 : i32
                %dma_wait3A_539 = arith.constant 0 : i32
                %dma_wait3A_540 = tpu.memref_slice %arg23[%dma_wait3A_538, %dma_wait3A_539] : memref<10240x128xf32, #tpu.memory_space<vmem_shared>> -> memref<10240x128xf32, #tpu.memory_space<vmem_shared>>
                tpu.wait_indirect_dma semaphore(%arg27 : memref<!tpu.dma_semaphore, #tpu.memory_space<semaphore_mem>>) src(%dma_wait3A_534 : memref<32x128xf32, #tpu.memory_space<vmem>>) dst(%dma_wait3A_540 : memref<10240x128xf32, #tpu.memory_space<vmem_shared>>)
                %mul3A_541 = arith.constant 928 : i32
                %mul3A_542 = arith.muli %while3A_529, %mul3A_541 : i32
                %dma_wait3A_543 = tpu.memref_slice %arg13[%mul3A_542] : memref<3712xf32, #tpu.memory_space<vmem>> -> memref<32xf32, #tpu.memory_space<vmem>>
                %dma_wait3A_544 = arith.constant 0 : i32
                %dma_wait3A_545 = tpu.memref_slice %arg16[%while3A_529, %dma_wait3A_544] : memref<4x32xi32, #tpu.memory_space<vmem>> -> memref<1x32xi32, #tpu.memory_space<vmem>>
                %dma_wait3A_546 = tpu.memref_squeeze %dma_wait3A_545 : memref<1x32xi32, #tpu.memory_space<vmem>> -> memref<32xi32, #tpu.memory_space<vmem>>
                %dma_wait3A_547 = arith.constant 0 : i32
                %dma_wait3A_548 = tpu.memref_slice %arg24[%dma_wait3A_547] : memref<10240xf32, #tpu.memory_space<vmem_shared>> -> memref<10240xf32, #tpu.memory_space<vmem_shared>>
                tpu.wait_indirect_dma semaphore(%arg27 : memref<!tpu.dma_semaphore, #tpu.memory_space<semaphore_mem>>) src(%dma_wait3A_543 : memref<32xf32, #tpu.memory_space<vmem>>) dst(%dma_wait3A_548 : memref<10240xf32, #tpu.memory_space<vmem_shared>>)
                %while3A_549 = arith.constant 0 : i32
                scf.yield %while3A_549 : i32
              }
              %while3A_527 = arith.constant 1 : i32
              %while3A_528 = scf.for %while3A_529 = %while3A_524 to %while3A_520 step %while3A_527 iter_args(%while3A_530 = %while3A_526) -> (i32)  : i32 {
                %dma_wait3A_531 = arith.constant 0 : i32
                %dma_wait3A_532 = arith.constant 0 : i32
                %dma_wait3A_533 = tpu.memref_slice %arg15[%while3A_529, %dma_wait3A_531, %dma_wait3A_532] : memref<4x32x128xf32, #tpu.memory_space<vmem>> -> memref<1x32x128xf32, #tpu.memory_space<vmem>>
                %dma_wait3A_534 = tpu.memref_squeeze %dma_wait3A_533 : memref<1x32x128xf32, #tpu.memory_space<vmem>> -> memref<32x128xf32, #tpu.memory_space<vmem>>
                %dma_wait3A_535 = arith.constant 0 : i32
                %dma_wait3A_536 = tpu.memref_slice %arg16[%while3A_529, %dma_wait3A_535] : memref<4x32xi32, #tpu.memory_space<vmem>> -> memref<1x32xi32, #tpu.memory_space<vmem>>
                %dma_wait3A_537 = tpu.memref_squeeze %dma_wait3A_536 : memref<1x32xi32, #tpu.memory_space<vmem>> -> memref<32xi32, #tpu.memory_space<vmem>>
                %dma_wait3A_538 = arith.constant 0 : i32
                %dma_wait3A_539 = arith.constant 0 : i32
                %dma_wait3A_540 = tpu.memref_slice %arg23[%dma_wait3A_538, %dma_wait3A_539] : memref<10240x128xf32, #tpu.memory_space<vmem_shared>> -> memref<10240x128xf32, #tpu.memory_space<vmem_shared>>
                tpu.wait_indirect_dma semaphore(%arg27 : memref<!tpu.dma_semaphore, #tpu.memory_space<semaphore_mem>>) src(%dma_wait3A_534 : memref<32x128xf32, #tpu.memory_space<vmem>>) dst(%dma_wait3A_540 : memref<10240x128xf32, #tpu.memory_space<vmem_shared>>)
                %mul3A_541 = arith.constant 928 : i32
                %mul3A_542 = arith.muli %while3A_529, %mul3A_541 : i32
                %dma_wait3A_543 = tpu.memref_slice %arg13[%mul3A_542] : memref<3712xf32, #tpu.memory_space<vmem>> -> memref<32xf32, #tpu.memory_space<vmem>>
                %dma_wait3A_544 = arith.constant 0 : i32
                %dma_wait3A_545 = tpu.memref_slice %arg16[%while3A_529, %dma_wait3A_544] : memref<4x32xi32, #tpu.memory_space<vmem>> -> memref<1x32xi32, #tpu.memory_space<vmem>>
                %dma_wait3A_546 = tpu.memref_squeeze %dma_wait3A_545 : memref<1x32xi32, #tpu.memory_space<vmem>> -> memref<32xi32, #tpu.memory_space<vmem>>
                %dma_wait3A_547 = arith.constant 0 : i32
                %dma_wait3A_548 = tpu.memref_slice %arg24[%dma_wait3A_547] : memref<10240xf32, #tpu.memory_space<vmem_shared>> -> memref<10240xf32, #tpu.memory_space<vmem_shared>>
                tpu.wait_indirect_dma semaphore(%arg27 : memref<!tpu.dma_semaphore, #tpu.memory_space<semaphore_mem>>) src(%dma_wait3A_543 : memref<32xf32, #tpu.memory_space<vmem>>) dst(%dma_wait3A_548 : memref<10240xf32, #tpu.memory_space<vmem_shared>>)
                %while3A_549 = arith.constant 0 : i32
                scf.yield %while3A_549 : i32
              }
            } else {
            }
            %add3A_405 = arith.constant 0 : i32
            %add3A_406 = arith.addi %add3A_405, %mul3A_399 : i32
            %add3A_407 = arith.constant 0 : i32
            %add3A_408 = arith.addi %add3A_406, %add3A_407 : i32
            %get3A = arith.index_cast %add3A_408 : i32 to index
            %get3A_409 = tpu.vector_load %arg12[%get3A] {strides = array<i32>} : memref<3712xi32, #tpu.memory_space<vmem>>, vector<16xi32>,
            %swap3A = arith.constant 0 : i32
            %swap3A_410 = arith.index_cast %swap3A : i32 to index
            %swap3A_411 = arith.constant 0 : index
            %swap3A_412 = tpu.vector_load %arg16[%swap3A_410, %swap3A_411] {strides = array<i32>} : memref<4x32xi32, #tpu.memory_space<vmem>>, vector<16xi32>,
            tpu.vector_store %arg16[%swap3A_410, %swap3A_411], %get3A_409 {strides = array<i32>} : memref<4x32xi32, #tpu.memory_space<vmem>>, vector<16xi32>,
            %add3A_413 = arith.constant 0 : i32
            %add3A_414 = arith.addi %add3A_413, %mul3A_399 : i32
            %add3A_415 = arith.constant 16 : i32
            %add3A_416 = arith.addi %add3A_414, %add3A_415 : i32
            %get3A_417 = arith.index_cast %add3A_416 : i32 to index
            %get3A_418 = tpu.vector_load %arg12[%get3A_417] {strides = array<i32>} : memref<3712xi32, #tpu.memory_space<vmem>>, vector<16xi32>,
            %swap3A_419 = arith.constant 0 : i32
            %swap3A_420 = arith.index_cast %swap3A_419 : i32 to index
            %swap3A_421 = arith.constant 16 : index
            %swap3A_422 = tpu.vector_load %arg16[%swap3A_420, %swap3A_421] {strides = array<i32>} : memref<4x32xi32, #tpu.memory_space<vmem>>, vector<16xi32>,
            tpu.vector_store %arg16[%swap3A_420, %swap3A_421], %get3A_418 {strides = array<i32>} : memref<4x32xi32, #tpu.memory_space<vmem>>, vector<16xi32>,
            %add3A_423 = arith.constant 928 : i32
            %add3A_424 = arith.addi %add3A_423, %mul3A_399 : i32
            %add3A_425 = arith.constant 0 : i32
            %add3A_426 = arith.addi %add3A_424, %add3A_425 : i32
            %get3A_427 = arith.index_cast %add3A_426 : i32 to index
            %get3A_428 = tpu.vector_load %arg12[%get3A_427] {strides = array<i32>} : memref<3712xi32, #tpu.memory_space<vmem>>, vector<16xi32>,
            %swap3A_429 = arith.constant 1 : i32
            %swap3A_430 = arith.index_cast %swap3A_429 : i32 to index
            %swap3A_431 = arith.constant 0 : index
            %swap3A_432 = tpu.vector_load %arg16[%swap3A_430, %swap3A_431] {strides = array<i32>} : memref<4x32xi32, #tpu.memory_space<vmem>>, vector<16xi32>,
            tpu.vector_store %arg16[%swap3A_430, %swap3A_431], %get3A_428 {strides = array<i32>} : memref<4x32xi32, #tpu.memory_space<vmem>>, vector<16xi32>,
            %add3A_433 = arith.constant 928 : i32
            %add3A_434 = arith.addi %add3A_433, %mul3A_399 : i32
            %add3A_435 = arith.constant 16 : i32
            %add3A_436 = arith.addi %add3A_434, %add3A_435 : i32
            %get3A_437 = arith.index_cast %add3A_436 : i32 to index
            %get3A_438 = tpu.vector_load %arg12[%get3A_437] {strides = array<i32>} : memref<3712xi32, #tpu.memory_space<vmem>>, vector<16xi32>,
            %swap3A_439 = arith.constant 1 : i32
            %swap3A_440 = arith.index_cast %swap3A_439 : i32 to index
            %swap3A_441 = arith.constant 16 : index
            %swap3A_442 = tpu.vector_load %arg16[%swap3A_440, %swap3A_441] {strides = array<i32>} : memref<4x32xi32, #tpu.memory_space<vmem>>, vector<16xi32>,
            tpu.vector_store %arg16[%swap3A_440, %swap3A_441], %get3A_438 {strides = array<i32>} : memref<4x32xi32, #tpu.memory_space<vmem>>, vector<16xi32>,
            %add3A_443 = arith.constant 1856 : i32
            %add3A_444 = arith.addi %add3A_443, %mul3A_399 : i32
            %add3A_445 = arith.constant 0 : i32
            %add3A_446 = arith.addi %add3A_444, %add3A_445 : i32
            %get3A_447 = arith.index_cast %add3A_446 : i32 to index
            %get3A_448 = tpu.vector_load %arg12[%get3A_447] {strides = array<i32>} : memref<3712xi32, #tpu.memory_space<vmem>>, vector<16xi32>,
            %swap3A_449 = arith.constant 2 : i32
            %swap3A_450 = arith.index_cast %swap3A_449 : i32 to index
            %swap3A_451 = arith.constant 0 : index
            %swap3A_452 = tpu.vector_load %arg16[%swap3A_450, %swap3A_451] {strides = array<i32>} : memref<4x32xi32, #tpu.memory_space<vmem>>, vector<16xi32>,
            tpu.vector_store %arg16[%swap3A_450, %swap3A_451], %get3A_448 {strides = array<i32>} : memref<4x32xi32, #tpu.memory_space<vmem>>, vector<16xi32>,
            %add3A_453 = arith.constant 1856 : i32
            %add3A_454 = arith.addi %add3A_453, %mul3A_399 : i32
            %add3A_455 = arith.constant 16 : i32
            %add3A_456 = arith.addi %add3A_454, %add3A_455 : i32
            %get3A_457 = arith.index_cast %add3A_456 : i32 to index
            %get3A_458 = tpu.vector_load %arg12[%get3A_457] {strides = array<i32>} : memref<3712xi32, #tpu.memory_space<vmem>>, vector<16xi32>,
            %swap3A_459 = arith.constant 2 : i32
            %swap3A_460 = arith.index_cast %swap3A_459 : i32 to index
            %swap3A_461 = arith.constant 16 : index
            %swap3A_462 = tpu.vector_load %arg16[%swap3A_460, %swap3A_461] {strides = array<i32>} : memref<4x32xi32, #tpu.memory_space<vmem>>, vector<16xi32>,
            tpu.vector_store %arg16[%swap3A_460, %swap3A_461], %get3A_458 {strides = array<i32>} : memref<4x32xi32, #tpu.memory_space<vmem>>, vector<16xi32>,
            %add3A_463 = arith.constant 2784 : i32
            %add3A_464 = arith.addi %add3A_463, %mul3A_399 : i32
            %add3A_465 = arith.constant 0 : i32
            %add3A_466 = arith.addi %add3A_464, %add3A_465 : i32
            %get3A_467 = arith.index_cast %add3A_466 : i32 to index
            %get3A_468 = tpu.vector_load %arg12[%get3A_467] {strides = array<i32>} : memref<3712xi32, #tpu.memory_space<vmem>>, vector<16xi32>,
            %swap3A_469 = arith.constant 3 : i32
            %swap3A_470 = arith.index_cast %swap3A_469 : i32 to index
            %swap3A_471 = arith.constant 0 : index
            %swap3A_472 = tpu.vector_load %arg16[%swap3A_470, %swap3A_471] {strides = array<i32>} : memref<4x32xi32, #tpu.memory_space<vmem>>, vector<16xi32>,
            tpu.vector_store %arg16[%swap3A_470, %swap3A_471], %get3A_468 {strides = array<i32>} : memref<4x32xi32, #tpu.memory_space<vmem>>, vector<16xi32>,
            %add3A_473 = arith.constant 2784 : i32
            %add3A_474 = arith.addi %add3A_473, %mul3A_399 : i32
            %add3A_475 = arith.constant 16 : i32
            %add3A_476 = arith.addi %add3A_474, %add3A_475 : i32
            %get3A_477 = arith.index_cast %add3A_476 : i32 to index
            %get3A_478 = tpu.vector_load %arg12[%get3A_477] {strides = array<i32>} : memref<3712xi32, #tpu.memory_space<vmem>>, vector<16xi32>,
            %swap3A_479 = arith.constant 3 : i32
            %swap3A_480 = arith.index_cast %swap3A_479 : i32 to index
            %swap3A_481 = arith.constant 16 : index
            %swap3A_482 = tpu.vector_load %arg16[%swap3A_480, %swap3A_481] {strides = array<i32>} : memref<4x32xi32, #tpu.memory_space<vmem>>, vector<16xi32>,
            tpu.vector_store %arg16[%swap3A_480, %swap3A_481], %get3A_478 {strides = array<i32>} : memref<4x32xi32, #tpu.memory_space<vmem>>, vector<16xi32>,
            %dma_wait3A_483 = tpu.memref_slice %arg11[%mul3A_399] : memref<928xi32, #tpu.memory_space<vmem>> -> memref<32xi32, #tpu.memory_space<vmem>>
            %dma_wait3A_484 = arith.constant 0 : i32
            %dma_wait3A_485 = arith.constant 0 : i32
            %dma_wait3A_486 = tpu.memref_slice %arg2[%dma_wait3A_484, %dma_wait3A_485] : memref<200704x128xf32, #tpu.memory_space<hbm>> -> memref<200704x128xf32, #tpu.memory_space<hbm>>
            tpu.wait_indirect_dma semaphore(%arg26 : memref<!tpu.dma_semaphore, #tpu.memory_space<semaphore_mem>>) src(%dma_wait3A_486 : memref<200704x128xf32, #tpu.memory_space<hbm>>) dst(%arg14 : memref<32x128xf32, #tpu.memory_space<vmem>>)
            %scan3A_487 = arith.constant 0 : i32
            %scan3A_488 = arith.constant 0 : i32
            %scan3A_489 = arith.constant 32 : i32
            %scan3A_490 = arith.addi %scan3A_488, %scan3A_489 : i32
            %scan3A_491 = arith.constant 1 : i32
            %scan3A_492 = scf.for %scan3A_515 = %scan3A_488 to %scan3A_490 step %scan3A_491 iter_args(%scan3A_516 = %scan3A_487) -> (i32)  : i32 {
              %get3A_517 = arith.index_cast %scan3A_515 : i32 to index
              %get3A_518 = arith.constant 0 : index
              %get3A_519 = tpu.vector_load %arg14[%get3A_517, %get3A_518] {strides = array<i32>} : memref<32x128xf32, #tpu.memory_space<vmem>>, vector<16xf32>,
              %get3A_520 = arith.index_cast %scan3A_515 : i32 to index
              %get3A_521 = arith.constant 16 : index
              %get3A_522 = tpu.vector_load %arg14[%get3A_520, %get3A_521] {strides = array<i32>} : memref<32x128xf32, #tpu.memory_space<vmem>>, vector<16xf32>,
              %get3A_523 = arith.index_cast %scan3A_515 : i32 to index
              %get3A_524 = arith.constant 32 : index
              %get3A_525 = tpu.vector_load %arg14[%get3A_523, %get3A_524] {strides = array<i32>} : memref<32x128xf32, #tpu.memory_space<vmem>>, vector<16xf32>,
              %get3A_526 = arith.index_cast %scan3A_515 : i32 to index
              %get3A_527 = arith.constant 48 : index
              %get3A_528 = tpu.vector_load %arg14[%get3A_526, %get3A_527] {strides = array<i32>} : memref<32x128xf32, #tpu.memory_space<vmem>>, vector<16xf32>,
              %get3A_529 = arith.index_cast %scan3A_515 : i32 to index
              %get3A_530 = arith.constant 64 : index
              %get3A_531 = tpu.vector_load %arg14[%get3A_529, %get3A_530] {strides = array<i32>} : memref<32x128xf32, #tpu.memory_space<vmem>>, vector<16xf32>,
              %get3A_532 = arith.index_cast %scan3A_515 : i32 to index
              %get3A_533 = arith.constant 80 : index
              %get3A_534 = tpu.vector_load %arg14[%get3A_532, %get3A_533] {strides = array<i32>} : memref<32x128xf32, #tpu.memory_space<vmem>>, vector<16xf32>,
              %get3A_535 = arith.index_cast %scan3A_515 : i32 to index
              %get3A_536 = arith.constant 96 : index
              %get3A_537 = tpu.vector_load %arg14[%get3A_535, %get3A_536] {strides = array<i32>} : memref<32x128xf32, #tpu.memory_space<vmem>>, vector<16xf32>,
              %get3A_538 = arith.index_cast %scan3A_515 : i32 to index
              %get3A_539 = arith.constant 112 : index
              %get3A_540 = tpu.vector_load %arg14[%get3A_538, %get3A_539] {strides = array<i32>} : memref<32x128xf32, #tpu.memory_space<vmem>>, vector<16xf32>,
              %add3A_541 = arith.constant 0 : i32
              %add3A_542 = arith.addi %add3A_541, %mul3A_399 : i32
              %add3A_543 = arith.addi %add3A_542, %scan3A_515 : i32
              %broadcast_in_dim3A_544 = vector.broadcast %add3A_543 : i32 to vector<16xi32>
              %gather3A_545 = tpu.vector_load_idx %arg13[%broadcast_in_dim3A_544] : memref<3712xf32, #tpu.memory_space<vmem>>[vector<16xi32>], vector<16xf32>,
              %mul3A_546 = arith.mulf %get3A_519, %gather3A_545 : vector<16xf32>
              %swap3A_547 = arith.constant 0 : i32
              %swap3A_548 = arith.index_cast %swap3A_547 : i32 to index
              %swap3A_549 = arith.index_cast %scan3A_515 : i32 to index
              %swap3A_550 = arith.constant 0 : index
              %swap3A_551 = tpu.vector_load %arg15[%swap3A_548, %swap3A_549, %swap3A_550] {strides = array<i32>} : memref<4x32x128xf32, #tpu.memory_space<vmem>>, vector<16xf32>,
              tpu.vector_store %arg15[%swap3A_548, %swap3A_549, %swap3A_550], %mul3A_546 {strides = array<i32>} : memref<4x32x128xf32, #tpu.memory_space<vmem>>, vector<16xf32>,
              %mul3A_552 = arith.mulf %get3A_522, %gather3A_545 : vector<16xf32>
              %swap3A_553 = arith.constant 0 : i32
              %swap3A_554 = arith.index_cast %swap3A_553 : i32 to index
              %swap3A_555 = arith.index_cast %scan3A_515 : i32 to index
              %swap3A_556 = arith.constant 16 : index
              %swap3A_557 = tpu.vector_load %arg15[%swap3A_554, %swap3A_555, %swap3A_556] {strides = array<i32>} : memref<4x32x128xf32, #tpu.memory_space<vmem>>, vector<16xf32>,
              tpu.vector_store %arg15[%swap3A_554, %swap3A_555, %swap3A_556], %mul3A_552 {strides = array<i32>} : memref<4x32x128xf32, #tpu.memory_space<vmem>>, vector<16xf32>,
              %mul3A_558 = arith.mulf %get3A_525, %gather3A_545 : vector<16xf32>
              %swap3A_559 = arith.constant 0 : i32
              %swap3A_560 = arith.index_cast %swap3A_559 : i32 to index
              %swap3A_561 = arith.index_cast %scan3A_515 : i32 to index
              %swap3A_562 = arith.constant 32 : index
              %swap3A_563 = tpu.vector_load %arg15[%swap3A_560, %swap3A_561, %swap3A_562] {strides = array<i32>} : memref<4x32x128xf32, #tpu.memory_space<vmem>>, vector<16xf32>,
              tpu.vector_store %arg15[%swap3A_560, %swap3A_561, %swap3A_562], %mul3A_558 {strides = array<i32>} : memref<4x32x128xf32, #tpu.memory_space<vmem>>, vector<16xf32>,
              %mul3A_564 = arith.mulf %get3A_528, %gather3A_545 : vector<16xf32>
              %swap3A_565 = arith.constant 0 : i32
              %swap3A_566 = arith.index_cast %swap3A_565 : i32 to index
              %swap3A_567 = arith.index_cast %scan3A_515 : i32 to index
              %swap3A_568 = arith.constant 48 : index
              %swap3A_569 = tpu.vector_load %arg15[%swap3A_566, %swap3A_567, %swap3A_568] {strides = array<i32>} : memref<4x32x128xf32, #tpu.memory_space<vmem>>, vector<16xf32>,
              tpu.vector_store %arg15[%swap3A_566, %swap3A_567, %swap3A_568], %mul3A_564 {strides = array<i32>} : memref<4x32x128xf32, #tpu.memory_space<vmem>>, vector<16xf32>,
              %mul3A_570 = arith.mulf %get3A_531, %gather3A_545 : vector<16xf32>
              %swap3A_571 = arith.constant 0 : i32
              %swap3A_572 = arith.index_cast %swap3A_571 : i32 to index
              %swap3A_573 = arith.index_cast %scan3A_515 : i32 to index
              %swap3A_574 = arith.constant 64 : index
              %swap3A_575 = tpu.vector_load %arg15[%swap3A_572, %swap3A_573, %swap3A_574] {strides = array<i32>} : memref<4x32x128xf32, #tpu.memory_space<vmem>>, vector<16xf32>,
              tpu.vector_store %arg15[%swap3A_572, %swap3A_573, %swap3A_574], %mul3A_570 {strides = array<i32>} : memref<4x32x128xf32, #tpu.memory_space<vmem>>, vector<16xf32>,
              %mul3A_576 = arith.mulf %get3A_534, %gather3A_545 : vector<16xf32>
              %swap3A_577 = arith.constant 0 : i32
              %swap3A_578 = arith.index_cast %swap3A_577 : i32 to index
              %swap3A_579 = arith.index_cast %scan3A_515 : i32 to index
              %swap3A_580 = arith.constant 80 : index
              %swap3A_581 = tpu.vector_load %arg15[%swap3A_578, %swap3A_579, %swap3A_580] {strides = array<i32>} : memref<4x32x128xf32, #tpu.memory_space<vmem>>, vector<16xf32>,
              tpu.vector_store %arg15[%swap3A_578, %swap3A_579, %swap3A_580], %mul3A_576 {strides = array<i32>} : memref<4x32x128xf32, #tpu.memory_space<vmem>>, vector<16xf32>,
              %mul3A_582 = arith.mulf %get3A_537, %gather3A_545 : vector<16xf32>
              %swap3A_583 = arith.constant 0 : i32
              %swap3A_584 = arith.index_cast %swap3A_583 : i32 to index
              %swap3A_585 = arith.index_cast %scan3A_515 : i32 to index
              %swap3A_586 = arith.constant 96 : index
              %swap3A_587 = tpu.vector_load %arg15[%swap3A_584, %swap3A_585, %swap3A_586] {strides = array<i32>} : memref<4x32x128xf32, #tpu.memory_space<vmem>>, vector<16xf32>,
              tpu.vector_store %arg15[%swap3A_584, %swap3A_585, %swap3A_586], %mul3A_582 {strides = array<i32>} : memref<4x32x128xf32, #tpu.memory_space<vmem>>, vector<16xf32>,
              %mul3A_588 = arith.mulf %get3A_540, %gather3A_545 : vector<16xf32>
              %swap3A_589 = arith.constant 0 : i32
              %swap3A_590 = arith.index_cast %swap3A_589 : i32 to index
              %swap3A_591 = arith.index_cast %scan3A_515 : i32 to index
              %swap3A_592 = arith.constant 112 : index
              %swap3A_593 = tpu.vector_load %arg15[%swap3A_590, %swap3A_591, %swap3A_592] {strides = array<i32>} : memref<4x32x128xf32, #tpu.memory_space<vmem>>, vector<16xf32>,
              tpu.vector_store %arg15[%swap3A_590, %swap3A_591, %swap3A_592], %mul3A_588 {strides = array<i32>} : memref<4x32x128xf32, #tpu.memory_space<vmem>>, vector<16xf32>,
              %add3A_594 = arith.constant 928 : i32
              %add3A_595 = arith.addi %add3A_594, %mul3A_399 : i32
              %add3A_596 = arith.addi %add3A_595, %scan3A_515 : i32
              %broadcast_in_dim3A_597 = vector.broadcast %add3A_596 : i32 to vector<16xi32>
              %gather3A_598 = tpu.vector_load_idx %arg13[%broadcast_in_dim3A_597] : memref<3712xf32, #tpu.memory_space<vmem>>[vector<16xi32>], vector<16xf32>,
              %mul3A_599 = arith.mulf %get3A_519, %gather3A_598 : vector<16xf32>
              %swap3A_600 = arith.constant 1 : i32
              %swap3A_601 = arith.index_cast %swap3A_600 : i32 to index
              %swap3A_602 = arith.index_cast %scan3A_515 : i32 to index
              %swap3A_603 = arith.constant 0 : index
              %swap3A_604 = tpu.vector_load %arg15[%swap3A_601, %swap3A_602, %swap3A_603] {strides = array<i32>} : memref<4x32x128xf32, #tpu.memory_space<vmem>>, vector<16xf32>,
              tpu.vector_store %arg15[%swap3A_601, %swap3A_602, %swap3A_603], %mul3A_599 {strides = array<i32>} : memref<4x32x128xf32, #tpu.memory_space<vmem>>, vector<16xf32>,
              %mul3A_605 = arith.mulf %get3A_522, %gather3A_598 : vector<16xf32>
              %swap3A_606 = arith.constant 1 : i32
              %swap3A_607 = arith.index_cast %swap3A_606 : i32 to index
              %swap3A_608 = arith.index_cast %scan3A_515 : i32 to index
              %swap3A_609 = arith.constant 16 : index
              %swap3A_610 = tpu.vector_load %arg15[%swap3A_607, %swap3A_608, %swap3A_609] {strides = array<i32>} : memref<4x32x128xf32, #tpu.memory_space<vmem>>, vector<16xf32>,
              tpu.vector_store %arg15[%swap3A_607, %swap3A_608, %swap3A_609], %mul3A_605 {strides = array<i32>} : memref<4x32x128xf32, #tpu.memory_space<vmem>>, vector<16xf32>,
              %mul3A_611 = arith.mulf %get3A_525, %gather3A_598 : vector<16xf32>
              %swap3A_612 = arith.constant 1 : i32
              %swap3A_613 = arith.index_cast %swap3A_612 : i32 to index
              %swap3A_614 = arith.index_cast %scan3A_515 : i32 to index
              %swap3A_615 = arith.constant 32 : index
              %swap3A_616 = tpu.vector_load %arg15[%swap3A_613, %swap3A_614, %swap3A_615] {strides = array<i32>} : memref<4x32x128xf32, #tpu.memory_space<vmem>>, vector<16xf32>,
              tpu.vector_store %arg15[%swap3A_613, %swap3A_614, %swap3A_615], %mul3A_611 {strides = array<i32>} : memref<4x32x128xf32, #tpu.memory_space<vmem>>, vector<16xf32>,
              %mul3A_617 = arith.mulf %get3A_528, %gather3A_598 : vector<16xf32>
              %swap3A_618 = arith.constant 1 : i32
              %swap3A_619 = arith.index_cast %swap3A_618 : i32 to index
              %swap3A_620 = arith.index_cast %scan3A_515 : i32 to index
              %swap3A_621 = arith.constant 48 : index
              %swap3A_622 = tpu.vector_load %arg15[%swap3A_619, %swap3A_620, %swap3A_621] {strides = array<i32>} : memref<4x32x128xf32, #tpu.memory_space<vmem>>, vector<16xf32>,
              tpu.vector_store %arg15[%swap3A_619, %swap3A_620, %swap3A_621], %mul3A_617 {strides = array<i32>} : memref<4x32x128xf32, #tpu.memory_space<vmem>>, vector<16xf32>,
              %mul3A_623 = arith.mulf %get3A_531, %gather3A_598 : vector<16xf32>
              %swap3A_624 = arith.constant 1 : i32
              %swap3A_625 = arith.index_cast %swap3A_624 : i32 to index
              %swap3A_626 = arith.index_cast %scan3A_515 : i32 to index
              %swap3A_627 = arith.constant 64 : index
              %swap3A_628 = tpu.vector_load %arg15[%swap3A_625, %swap3A_626, %swap3A_627] {strides = array<i32>} : memref<4x32x128xf32, #tpu.memory_space<vmem>>, vector<16xf32>,
              tpu.vector_store %arg15[%swap3A_625, %swap3A_626, %swap3A_627], %mul3A_623 {strides = array<i32>} : memref<4x32x128xf32, #tpu.memory_space<vmem>>, vector<16xf32>,
              %mul3A_629 = arith.mulf %get3A_534, %gather3A_598 : vector<16xf32>
              %swap3A_630 = arith.constant 1 : i32
              %swap3A_631 = arith.index_cast %swap3A_630 : i32 to index
              %swap3A_632 = arith.index_cast %scan3A_515 : i32 to index
              %swap3A_633 = arith.constant 80 : index
              %swap3A_634 = tpu.vector_load %arg15[%swap3A_631, %swap3A_632, %swap3A_633] {strides = array<i32>} : memref<4x32x128xf32, #tpu.memory_space<vmem>>, vector<16xf32>,
              tpu.vector_store %arg15[%swap3A_631, %swap3A_632, %swap3A_633], %mul3A_629 {strides = array<i32>} : memref<4x32x128xf32, #tpu.memory_space<vmem>>, vector<16xf32>,
              %mul3A_635 = arith.mulf %get3A_537, %gather3A_598 : vector<16xf32>
              %swap3A_636 = arith.constant 1 : i32
              %swap3A_637 = arith.index_cast %swap3A_636 : i32 to index
              %swap3A_638 = arith.index_cast %scan3A_515 : i32 to index
              %swap3A_639 = arith.constant 96 : index
              %swap3A_640 = tpu.vector_load %arg15[%swap3A_637, %swap3A_638, %swap3A_639] {strides = array<i32>} : memref<4x32x128xf32, #tpu.memory_space<vmem>>, vector<16xf32>,
              tpu.vector_store %arg15[%swap3A_637, %swap3A_638, %swap3A_639], %mul3A_635 {strides = array<i32>} : memref<4x32x128xf32, #tpu.memory_space<vmem>>, vector<16xf32>,
              %mul3A_641 = arith.mulf %get3A_540, %gather3A_598 : vector<16xf32>
              %swap3A_642 = arith.constant 1 : i32
              %swap3A_643 = arith.index_cast %swap3A_642 : i32 to index
              %swap3A_644 = arith.index_cast %scan3A_515 : i32 to index
              %swap3A_645 = arith.constant 112 : index
              %swap3A_646 = tpu.vector_load %arg15[%swap3A_643, %swap3A_644, %swap3A_645] {strides = array<i32>} : memref<4x32x128xf32, #tpu.memory_space<vmem>>, vector<16xf32>,
              tpu.vector_store %arg15[%swap3A_643, %swap3A_644, %swap3A_645], %mul3A_641 {strides = array<i32>} : memref<4x32x128xf32, #tpu.memory_space<vmem>>, vector<16xf32>,
              %add3A_647 = arith.constant 1856 : i32
              %add3A_648 = arith.addi %add3A_647, %mul3A_399 : i32
              %add3A_649 = arith.addi %add3A_648, %scan3A_515 : i32
              %broadcast_in_dim3A_650 = vector.broadcast %add3A_649 : i32 to vector<16xi32>
              %gather3A_651 = tpu.vector_load_idx %arg13[%broadcast_in_dim3A_650] : memref<3712xf32, #tpu.memory_space<vmem>>[vector<16xi32>], vector<16xf32>,
              %mul3A_652 = arith.mulf %get3A_519, %gather3A_651 : vector<16xf32>
              %swap3A_653 = arith.constant 2 : i32
              %swap3A_654 = arith.index_cast %swap3A_653 : i32 to index
              %swap3A_655 = arith.index_cast %scan3A_515 : i32 to index
              %swap3A_656 = arith.constant 0 : index
              %swap3A_657 = tpu.vector_load %arg15[%swap3A_654, %swap3A_655, %swap3A_656] {strides = array<i32>} : memref<4x32x128xf32, #tpu.memory_space<vmem>>, vector<16xf32>,
              tpu.vector_store %arg15[%swap3A_654, %swap3A_655, %swap3A_656], %mul3A_652 {strides = array<i32>} : memref<4x32x128xf32, #tpu.memory_space<vmem>>, vector<16xf32>,
              %mul3A_658 = arith.mulf %get3A_522, %gather3A_651 : vector<16xf32>
              %swap3A_659 = arith.constant 2 : i32
              %swap3A_660 = arith.index_cast %swap3A_659 : i32 to index
              %swap3A_661 = arith.index_cast %scan3A_515 : i32 to index
              %swap3A_662 = arith.constant 16 : index
              %swap3A_663 = tpu.vector_load %arg15[%swap3A_660, %swap3A_661, %swap3A_662] {strides = array<i32>} : memref<4x32x128xf32, #tpu.memory_space<vmem>>, vector<16xf32>,
              tpu.vector_store %arg15[%swap3A_660, %swap3A_661, %swap3A_662], %mul3A_658 {strides = array<i32>} : memref<4x32x128xf32, #tpu.memory_space<vmem>>, vector<16xf32>,
              %mul3A_664 = arith.mulf %get3A_525, %gather3A_651 : vector<16xf32>
              %swap3A_665 = arith.constant 2 : i32
              %swap3A_666 = arith.index_cast %swap3A_665 : i32 to index
              %swap3A_667 = arith.index_cast %scan3A_515 : i32 to index
              %swap3A_668 = arith.constant 32 : index
              %swap3A_669 = tpu.vector_load %arg15[%swap3A_666, %swap3A_667, %swap3A_668] {strides = array<i32>} : memref<4x32x128xf32, #tpu.memory_space<vmem>>, vector<16xf32>,
              tpu.vector_store %arg15[%swap3A_666, %swap3A_667, %swap3A_668], %mul3A_664 {strides = array<i32>} : memref<4x32x128xf32, #tpu.memory_space<vmem>>, vector<16xf32>,
              %mul3A_670 = arith.mulf %get3A_528, %gather3A_651 : vector<16xf32>
              %swap3A_671 = arith.constant 2 : i32
              %swap3A_672 = arith.index_cast %swap3A_671 : i32 to index
              %swap3A_673 = arith.index_cast %scan3A_515 : i32 to index
              %swap3A_674 = arith.constant 48 : index
              %swap3A_675 = tpu.vector_load %arg15[%swap3A_672, %swap3A_673, %swap3A_674] {strides = array<i32>} : memref<4x32x128xf32, #tpu.memory_space<vmem>>, vector<16xf32>,
              tpu.vector_store %arg15[%swap3A_672, %swap3A_673, %swap3A_674], %mul3A_670 {strides = array<i32>} : memref<4x32x128xf32, #tpu.memory_space<vmem>>, vector<16xf32>,
              %mul3A_676 = arith.mulf %get3A_531, %gather3A_651 : vector<16xf32>
              %swap3A_677 = arith.constant 2 : i32
              %swap3A_678 = arith.index_cast %swap3A_677 : i32 to index
              %swap3A_679 = arith.index_cast %scan3A_515 : i32 to index
              %swap3A_680 = arith.constant 64 : index
              %swap3A_681 = tpu.vector_load %arg15[%swap3A_678, %swap3A_679, %swap3A_680] {strides = array<i32>} : memref<4x32x128xf32, #tpu.memory_space<vmem>>, vector<16xf32>,
              tpu.vector_store %arg15[%swap3A_678, %swap3A_679, %swap3A_680], %mul3A_676 {strides = array<i32>} : memref<4x32x128xf32, #tpu.memory_space<vmem>>, vector<16xf32>,
              %mul3A_682 = arith.mulf %get3A_534, %gather3A_651 : vector<16xf32>
              %swap3A_683 = arith.constant 2 : i32
              %swap3A_684 = arith.index_cast %swap3A_683 : i32 to index
              %swap3A_685 = arith.index_cast %scan3A_515 : i32 to index
              %swap3A_686 = arith.constant 80 : index
              %swap3A_687 = tpu.vector_load %arg15[%swap3A_684, %swap3A_685, %swap3A_686] {strides = array<i32>} : memref<4x32x128xf32, #tpu.memory_space<vmem>>, vector<16xf32>,
              tpu.vector_store %arg15[%swap3A_684, %swap3A_685, %swap3A_686], %mul3A_682 {strides = array<i32>} : memref<4x32x128xf32, #tpu.memory_space<vmem>>, vector<16xf32>,
              %mul3A_688 = arith.mulf %get3A_537, %gather3A_651 : vector<16xf32>
              %swap3A_689 = arith.constant 2 : i32
              %swap3A_690 = arith.index_cast %swap3A_689 : i32 to index
              %swap3A_691 = arith.index_cast %scan3A_515 : i32 to index
              %swap3A_692 = arith.constant 96 : index
              %swap3A_693 = tpu.vector_load %arg15[%swap3A_690, %swap3A_691, %swap3A_692] {strides = array<i32>} : memref<4x32x128xf32, #tpu.memory_space<vmem>>, vector<16xf32>,
              tpu.vector_store %arg15[%swap3A_690, %swap3A_691, %swap3A_692], %mul3A_688 {strides = array<i32>} : memref<4x32x128xf32, #tpu.memory_space<vmem>>, vector<16xf32>,
              %mul3A_694 = arith.mulf %get3A_540, %gather3A_651 : vector<16xf32>
              %swap3A_695 = arith.constant 2 : i32
              %swap3A_696 = arith.index_cast %swap3A_695 : i32 to index
              %swap3A_697 = arith.index_cast %scan3A_515 : i32 to index
              %swap3A_698 = arith.constant 112 : index
              %swap3A_699 = tpu.vector_load %arg15[%swap3A_696, %swap3A_697, %swap3A_698] {strides = array<i32>} : memref<4x32x128xf32, #tpu.memory_space<vmem>>, vector<16xf32>,
              tpu.vector_store %arg15[%swap3A_696, %swap3A_697, %swap3A_698], %mul3A_694 {strides = array<i32>} : memref<4x32x128xf32, #tpu.memory_space<vmem>>, vector<16xf32>,
              %add3A_700 = arith.constant 2784 : i32
              %add3A_701 = arith.addi %add3A_700, %mul3A_399 : i32
              %add3A_702 = arith.addi %add3A_701, %scan3A_515 : i32
              %broadcast_in_dim3A_703 = vector.broadcast %add3A_702 : i32 to vector<16xi32>
              %gather3A_704 = tpu.vector_load_idx %arg13[%broadcast_in_dim3A_703] : memref<3712xf32, #tpu.memory_space<vmem>>[vector<16xi32>], vector<16xf32>,
              %mul3A_705 = arith.mulf %get3A_519, %gather3A_704 : vector<16xf32>
              %swap3A_706 = arith.constant 3 : i32
              %swap3A_707 = arith.index_cast %swap3A_706 : i32 to index
              %swap3A_708 = arith.index_cast %scan3A_515 : i32 to index
              %swap3A_709 = arith.constant 0 : index
              %swap3A_710 = tpu.vector_load %arg15[%swap3A_707, %swap3A_708, %swap3A_709] {strides = array<i32>} : memref<4x32x128xf32, #tpu.memory_space<vmem>>, vector<16xf32>,
              tpu.vector_store %arg15[%swap3A_707, %swap3A_708, %swap3A_709], %mul3A_705 {strides = array<i32>} : memref<4x32x128xf32, #tpu.memory_space<vmem>>, vector<16xf32>,
              %mul3A_711 = arith.mulf %get3A_522, %gather3A_704 : vector<16xf32>
              %swap3A_712 = arith.constant 3 : i32
              %swap3A_713 = arith.index_cast %swap3A_712 : i32 to index
              %swap3A_714 = arith.index_cast %scan3A_515 : i32 to index
              %swap3A_715 = arith.constant 16 : index
              %swap3A_716 = tpu.vector_load %arg15[%swap3A_713, %swap3A_714, %swap3A_715] {strides = array<i32>} : memref<4x32x128xf32, #tpu.memory_space<vmem>>, vector<16xf32>,
              tpu.vector_store %arg15[%swap3A_713, %swap3A_714, %swap3A_715], %mul3A_711 {strides = array<i32>} : memref<4x32x128xf32, #tpu.memory_space<vmem>>, vector<16xf32>,
              %mul3A_717 = arith.mulf %get3A_525, %gather3A_704 : vector<16xf32>
              %swap3A_718 = arith.constant 3 : i32
              %swap3A_719 = arith.index_cast %swap3A_718 : i32 to index
              %swap3A_720 = arith.index_cast %scan3A_515 : i32 to index
              %swap3A_721 = arith.constant 32 : index
              %swap3A_722 = tpu.vector_load %arg15[%swap3A_719, %swap3A_720, %swap3A_721] {strides = array<i32>} : memref<4x32x128xf32, #tpu.memory_space<vmem>>, vector<16xf32>,
              tpu.vector_store %arg15[%swap3A_719, %swap3A_720, %swap3A_721], %mul3A_717 {strides = array<i32>} : memref<4x32x128xf32, #tpu.memory_space<vmem>>, vector<16xf32>,
              %mul3A_723 = arith.mulf %get3A_528, %gather3A_704 : vector<16xf32>
              %swap3A_724 = arith.constant 3 : i32
              %swap3A_725 = arith.index_cast %swap3A_724 : i32 to index
              %swap3A_726 = arith.index_cast %scan3A_515 : i32 to index
              %swap3A_727 = arith.constant 48 : index
              %swap3A_728 = tpu.vector_load %arg15[%swap3A_725, %swap3A_726, %swap3A_727] {strides = array<i32>} : memref<4x32x128xf32, #tpu.memory_space<vmem>>, vector<16xf32>,
              tpu.vector_store %arg15[%swap3A_725, %swap3A_726, %swap3A_727], %mul3A_723 {strides = array<i32>} : memref<4x32x128xf32, #tpu.memory_space<vmem>>, vector<16xf32>,
              %mul3A_729 = arith.mulf %get3A_531, %gather3A_704 : vector<16xf32>
              %swap3A_730 = arith.constant 3 : i32
              %swap3A_731 = arith.index_cast %swap3A_730 : i32 to index
              %swap3A_732 = arith.index_cast %scan3A_515 : i32 to index
              %swap3A_733 = arith.constant 64 : index
              %swap3A_734 = tpu.vector_load %arg15[%swap3A_731, %swap3A_732, %swap3A_733] {strides = array<i32>} : memref<4x32x128xf32, #tpu.memory_space<vmem>>, vector<16xf32>,
              tpu.vector_store %arg15[%swap3A_731, %swap3A_732, %swap3A_733], %mul3A_729 {strides = array<i32>} : memref<4x32x128xf32, #tpu.memory_space<vmem>>, vector<16xf32>,
              %mul3A_735 = arith.mulf %get3A_534, %gather3A_704 : vector<16xf32>
              %swap3A_736 = arith.constant 3 : i32
              %swap3A_737 = arith.index_cast %swap3A_736 : i32 to index
              %swap3A_738 = arith.index_cast %scan3A_515 : i32 to index
              %swap3A_739 = arith.constant 80 : index
              %swap3A_740 = tpu.vector_load %arg15[%swap3A_737, %swap3A_738, %swap3A_739] {strides = array<i32>} : memref<4x32x128xf32, #tpu.memory_space<vmem>>, vector<16xf32>,
              tpu.vector_store %arg15[%swap3A_737, %swap3A_738, %swap3A_739], %mul3A_735 {strides = array<i32>} : memref<4x32x128xf32, #tpu.memory_space<vmem>>, vector<16xf32>,
              %mul3A_741 = arith.mulf %get3A_537, %gather3A_704 : vector<16xf32>
              %swap3A_742 = arith.constant 3 : i32
              %swap3A_743 = arith.index_cast %swap3A_742 : i32 to index
              %swap3A_744 = arith.index_cast %scan3A_515 : i32 to index
              %swap3A_745 = arith.constant 96 : index
              %swap3A_746 = tpu.vector_load %arg15[%swap3A_743, %swap3A_744, %swap3A_745] {strides = array<i32>} : memref<4x32x128xf32, #tpu.memory_space<vmem>>, vector<16xf32>,
              tpu.vector_store %arg15[%swap3A_743, %swap3A_744, %swap3A_745], %mul3A_741 {strides = array<i32>} : memref<4x32x128xf32, #tpu.memory_space<vmem>>, vector<16xf32>,
              %mul3A_747 = arith.mulf %get3A_540, %gather3A_704 : vector<16xf32>
              %swap3A_748 = arith.constant 3 : i32
              %swap3A_749 = arith.index_cast %swap3A_748 : i32 to index
              %swap3A_750 = arith.index_cast %scan3A_515 : i32 to index
              %swap3A_751 = arith.constant 112 : index
              %swap3A_752 = tpu.vector_load %arg15[%swap3A_749, %swap3A_750, %swap3A_751] {strides = array<i32>} : memref<4x32x128xf32, #tpu.memory_space<vmem>>, vector<16xf32>,
              tpu.vector_store %arg15[%swap3A_749, %swap3A_750, %swap3A_751], %mul3A_747 {strides = array<i32>} : memref<4x32x128xf32, #tpu.memory_space<vmem>>, vector<16xf32>,
              %scan3A_753 = arith.constant 0 : i32
              scf.yield %scan3A_753 : i32
            }
            %scan3A_493 = arith.constant 32 : i32
            %add3A_494 = arith.constant 1 : i32
            %add3A_495 = arith.addi %while3A_396, %add3A_494 : i32
            %lt3A_496 = arith.cmpi slt, %add3A_495, %select_n3A_374 : i32
            %convert_element_type3A_497 = arith.extui %lt3A_496 : i1 to i32
            %cond3A_498 = arith.constant 0 : i32
            %cond3A_499 = arith.cmpi ne, %convert_element_type3A_497, %cond3A_498 : i32
            scf.if %cond3A_499 {
              %add3A_515 = arith.constant 32 : i32
              %add3A_516 = arith.addi %mul3A_399, %add3A_515 : i32
              %dma_start3A_517 = tpu.memref_slice %arg11[%add3A_516] : memref<928xi32, #tpu.memory_space<vmem>> -> memref<32xi32, #tpu.memory_space<vmem>>
              %dma_start3A_518 = arith.constant 0 : i32
              %dma_start3A_519 = arith.constant 0 : i32
              %dma_start3A_520 = tpu.memref_slice %arg2[%dma_start3A_518, %dma_start3A_519] : memref<200704x128xf32, #tpu.memory_space<hbm>> -> memref<200704x128xf32, #tpu.memory_space<hbm>>
              tpu.enqueue_indirect_dma source(%dma_start3A_520 : memref<200704x128xf32, #tpu.memory_space<hbm>>) target(%arg14 : memref<32x128xf32, #tpu.memory_space<vmem>>) offsets(%dma_start3A_517 : memref<32xi32, #tpu.memory_space<vmem>>) semaphore(%arg26 : memref<!tpu.dma_semaphore, #tpu.memory_space<semaphore_mem>>)
            } else {
            }
            %add3A_500 = arith.constant 4 : i32
            %add3A_501 = arith.addi %add3A_500, %shift_right_arithmetic3A_0 : i32
            %while3A_502 = arith.constant 0 : i32
            %while3A_503 = arith.constant 0 : i32
            %while3A_504 = arith.subi %add3A_501, %while3A_502 : i32
            %while3A_505 = arith.addi %while3A_502, %while3A_504 : i32
            %while3A_506 = arith.constant 1 : i32
            %while3A_507 = arith.divsi %while3A_504, %while3A_506 : i32
            %while3A_508 = arith.muli %while3A_507, %while3A_506 : i32
            %while3A_509 = arith.addi %while3A_502, %while3A_508 : i32
            %while3A_510 = arith.constant 1 : i32
            %while3A_511 = scf.for %while3A_515 = %while3A_502 to %while3A_509 step %while3A_510 iter_args(%while3A_516 = %while3A_503) -> (i32)  : i32 {
              %dma_start3A_517 = arith.constant 0 : i32
              %dma_start3A_518 = arith.constant 0 : i32
              %dma_start3A_519 = tpu.memref_slice %arg15[%while3A_515, %dma_start3A_517, %dma_start3A_518] : memref<4x32x128xf32, #tpu.memory_space<vmem>> -> memref<1x32x128xf32, #tpu.memory_space<vmem>>
              %dma_start3A_520 = tpu.memref_squeeze %dma_start3A_519 : memref<1x32x128xf32, #tpu.memory_space<vmem>> -> memref<32x128xf32, #tpu.memory_space<vmem>>
              %dma_start3A_521 = arith.constant 0 : i32
              %dma_start3A_522 = tpu.memref_slice %arg16[%while3A_515, %dma_start3A_521] : memref<4x32xi32, #tpu.memory_space<vmem>> -> memref<1x32xi32, #tpu.memory_space<vmem>>
              %dma_start3A_523 = tpu.memref_squeeze %dma_start3A_522 : memref<1x32xi32, #tpu.memory_space<vmem>> -> memref<32xi32, #tpu.memory_space<vmem>>
              %dma_start3A_524 = arith.constant 0 : i32
              %dma_start3A_525 = arith.constant 0 : i32
              %dma_start3A_526 = tpu.memref_slice %arg23[%dma_start3A_524, %dma_start3A_525] : memref<10240x128xf32, #tpu.memory_space<vmem_shared>> -> memref<10240x128xf32, #tpu.memory_space<vmem_shared>>
              tpu.enqueue_indirect_dma source(%dma_start3A_520 : memref<32x128xf32, #tpu.memory_space<vmem>>) target(%dma_start3A_526 : memref<10240x128xf32, #tpu.memory_space<vmem_shared>>) offsets(%dma_start3A_523 : memref<32xi32, #tpu.memory_space<vmem>>) semaphore(%arg27 : memref<!tpu.dma_semaphore, #tpu.memory_space<semaphore_mem>>) {add = true}
              %mul3A_527 = arith.constant 928 : i32
              %mul3A_528 = arith.muli %while3A_515, %mul3A_527 : i32
              %add3A_529 = arith.addi %mul3A_528, %mul3A_399 : i32
              %dma_start3A_530 = tpu.memref_slice %arg13[%add3A_529] : memref<3712xf32, #tpu.memory_space<vmem>> -> memref<32xf32, #tpu.memory_space<vmem>>
              %dma_start3A_531 = arith.constant 0 : i32
              %dma_start3A_532 = tpu.memref_slice %arg16[%while3A_515, %dma_start3A_531] : memref<4x32xi32, #tpu.memory_space<vmem>> -> memref<1x32xi32, #tpu.memory_space<vmem>>
              %dma_start3A_533 = tpu.memref_squeeze %dma_start3A_532 : memref<1x32xi32, #tpu.memory_space<vmem>> -> memref<32xi32, #tpu.memory_space<vmem>>
              %dma_start3A_534 = arith.constant 0 : i32
              %dma_start3A_535 = tpu.memref_slice %arg24[%dma_start3A_534] : memref<10240xf32, #tpu.memory_space<vmem_shared>> -> memref<10240xf32, #tpu.memory_space<vmem_shared>>
              tpu.enqueue_indirect_dma source(%dma_start3A_530 : memref<32xf32, #tpu.memory_space<vmem>>) target(%dma_start3A_535 : memref<10240xf32, #tpu.memory_space<vmem_shared>>) offsets(%dma_start3A_533 : memref<32xi32, #tpu.memory_space<vmem>>) semaphore(%arg27 : memref<!tpu.dma_semaphore, #tpu.memory_space<semaphore_mem>>) {add = true}
              %while3A_536 = arith.constant 0 : i32
              scf.yield %while3A_536 : i32
            }
            %while3A_512 = arith.constant 1 : i32
            %while3A_513 = scf.for %while3A_515 = %while3A_509 to %while3A_505 step %while3A_512 iter_args(%while3A_516 = %while3A_511) -> (i32)  : i32 {
              %dma_start3A_517 = arith.constant 0 : i32
              %dma_start3A_518 = arith.constant 0 : i32
              %dma_start3A_519 = tpu.memref_slice %arg15[%while3A_515, %dma_start3A_517, %dma_start3A_518] : memref<4x32x128xf32, #tpu.memory_space<vmem>> -> memref<1x32x128xf32, #tpu.memory_space<vmem>>
              %dma_start3A_520 = tpu.memref_squeeze %dma_start3A_519 : memref<1x32x128xf32, #tpu.memory_space<vmem>> -> memref<32x128xf32, #tpu.memory_space<vmem>>
              %dma_start3A_521 = arith.constant 0 : i32
              %dma_start3A_522 = tpu.memref_slice %arg16[%while3A_515, %dma_start3A_521] : memref<4x32xi32, #tpu.memory_space<vmem>> -> memref<1x32xi32, #tpu.memory_space<vmem>>
              %dma_start3A_523 = tpu.memref_squeeze %dma_start3A_522 : memref<1x32xi32, #tpu.memory_space<vmem>> -> memref<32xi32, #tpu.memory_space<vmem>>
              %dma_start3A_524 = arith.constant 0 : i32
              %dma_start3A_525 = arith.constant 0 : i32
              %dma_start3A_526 = tpu.memref_slice %arg23[%dma_start3A_524, %dma_start3A_525] : memref<10240x128xf32, #tpu.memory_space<vmem_shared>> -> memref<10240x128xf32, #tpu.memory_space<vmem_shared>>
              tpu.enqueue_indirect_dma source(%dma_start3A_520 : memref<32x128xf32, #tpu.memory_space<vmem>>) target(%dma_start3A_526 : memref<10240x128xf32, #tpu.memory_space<vmem_shared>>) offsets(%dma_start3A_523 : memref<32xi32, #tpu.memory_space<vmem>>) semaphore(%arg27 : memref<!tpu.dma_semaphore, #tpu.memory_space<semaphore_mem>>) {add = true}
              %mul3A_527 = arith.constant 928 : i32
              %mul3A_528 = arith.muli %while3A_515, %mul3A_527 : i32
              %add3A_529 = arith.addi %mul3A_528, %mul3A_399 : i32
              %dma_start3A_530 = tpu.memref_slice %arg13[%add3A_529] : memref<3712xf32, #tpu.memory_space<vmem>> -> memref<32xf32, #tpu.memory_space<vmem>>
              %dma_start3A_531 = arith.constant 0 : i32
              %dma_start3A_532 = tpu.memref_slice %arg16[%while3A_515, %dma_start3A_531] : memref<4x32xi32, #tpu.memory_space<vmem>> -> memref<1x32xi32, #tpu.memory_space<vmem>>
              %dma_start3A_533 = tpu.memref_squeeze %dma_start3A_532 : memref<1x32xi32, #tpu.memory_space<vmem>> -> memref<32xi32, #tpu.memory_space<vmem>>
              %dma_start3A_534 = arith.constant 0 : i32
              %dma_start3A_535 = tpu.memref_slice %arg24[%dma_start3A_534] : memref<10240xf32, #tpu.memory_space<vmem_shared>> -> memref<10240xf32, #tpu.memory_space<vmem_shared>>
              tpu.enqueue_indirect_dma source(%dma_start3A_530 : memref<32xf32, #tpu.memory_space<vmem>>) target(%dma_start3A_535 : memref<10240xf32, #tpu.memory_space<vmem_shared>>) offsets(%dma_start3A_533 : memref<32xi32, #tpu.memory_space<vmem>>) semaphore(%arg27 : memref<!tpu.dma_semaphore, #tpu.memory_space<semaphore_mem>>) {add = true}
              %while3A_536 = arith.constant 0 : i32
              scf.yield %while3A_536 : i32
            }
            %while3A_514 = arith.constant 0 : i32
            scf.yield %while3A_514 : i32
          }
          %gt3A_391 = arith.constant 0 : i32
          "tpu.trace_stop"() : () -> ()
          %gt3A_392 = arith.cmpi sgt, %mul3A_312, %gt3A_391 : i32
          %convert_element_type3A_393 = arith.extui %gt3A_392 : i1 to i32
          %cond3A_394 = arith.constant 0 : i32
          %cond3A_395 = arith.cmpi ne, %convert_element_type3A_393, %cond3A_394 : i32
          scf.if %cond3A_395 {
            %add3A_396 = arith.constant 4 : i32
            %add3A_397 = arith.addi %add3A_396, %shift_right_arithmetic3A_0 : i32
            %while3A_398 = arith.constant 0 : i32
            %while3A_399 = arith.constant 0 : i32
            %while3A_400 = arith.subi %add3A_397, %while3A_398 : i32
            %while3A_401 = arith.addi %while3A_398, %while3A_400 : i32
            %while3A_402 = arith.constant 1 : i32
            %while3A_403 = arith.divsi %while3A_400, %while3A_402 : i32
            %while3A_404 = arith.muli %while3A_403, %while3A_402 : i32
            %while3A_405 = arith.addi %while3A_398, %while3A_404 : i32
            %while3A_406 = arith.constant 1 : i32
            %while3A_407 = scf.for %while3A_410 = %while3A_398 to %while3A_405 step %while3A_406 iter_args(%while3A_411 = %while3A_399) -> (i32)  : i32 {
              %dma_wait3A_412 = arith.constant 0 : i32
              %dma_wait3A_413 = arith.constant 0 : i32
              %dma_wait3A_414 = tpu.memref_slice %arg15[%while3A_410, %dma_wait3A_412, %dma_wait3A_413] : memref<4x32x128xf32, #tpu.memory_space<vmem>> -> memref<1x32x128xf32, #tpu.memory_space<vmem>>
              %dma_wait3A_415 = tpu.memref_squeeze %dma_wait3A_414 : memref<1x32x128xf32, #tpu.memory_space<vmem>> -> memref<32x128xf32, #tpu.memory_space<vmem>>
              %dma_wait3A_416 = arith.constant 0 : i32
              %dma_wait3A_417 = tpu.memref_slice %arg16[%while3A_410, %dma_wait3A_416] : memref<4x32xi32, #tpu.memory_space<vmem>> -> memref<1x32xi32, #tpu.memory_space<vmem>>
              %dma_wait3A_418 = tpu.memref_squeeze %dma_wait3A_417 : memref<1x32xi32, #tpu.memory_space<vmem>> -> memref<32xi32, #tpu.memory_space<vmem>>
              %dma_wait3A_419 = arith.constant 0 : i32
              %dma_wait3A_420 = arith.constant 0 : i32
              %dma_wait3A_421 = tpu.memref_slice %arg23[%dma_wait3A_419, %dma_wait3A_420] : memref<10240x128xf32, #tpu.memory_space<vmem_shared>> -> memref<10240x128xf32, #tpu.memory_space<vmem_shared>>
              tpu.wait_indirect_dma semaphore(%arg27 : memref<!tpu.dma_semaphore, #tpu.memory_space<semaphore_mem>>) src(%dma_wait3A_415 : memref<32x128xf32, #tpu.memory_space<vmem>>) dst(%dma_wait3A_421 : memref<10240x128xf32, #tpu.memory_space<vmem_shared>>)
              %mul3A_422 = arith.constant 928 : i32
              %mul3A_423 = arith.muli %while3A_410, %mul3A_422 : i32
              %dma_wait3A_424 = tpu.memref_slice %arg13[%mul3A_423] : memref<3712xf32, #tpu.memory_space<vmem>> -> memref<32xf32, #tpu.memory_space<vmem>>
              %dma_wait3A_425 = arith.constant 0 : i32
              %dma_wait3A_426 = tpu.memref_slice %arg16[%while3A_410, %dma_wait3A_425] : memref<4x32xi32, #tpu.memory_space<vmem>> -> memref<1x32xi32, #tpu.memory_space<vmem>>
              %dma_wait3A_427 = tpu.memref_squeeze %dma_wait3A_426 : memref<1x32xi32, #tpu.memory_space<vmem>> -> memref<32xi32, #tpu.memory_space<vmem>>
              %dma_wait3A_428 = arith.constant 0 : i32
              %dma_wait3A_429 = tpu.memref_slice %arg24[%dma_wait3A_428] : memref<10240xf32, #tpu.memory_space<vmem_shared>> -> memref<10240xf32, #tpu.memory_space<vmem_shared>>
              tpu.wait_indirect_dma semaphore(%arg27 : memref<!tpu.dma_semaphore, #tpu.memory_space<semaphore_mem>>) src(%dma_wait3A_424 : memref<32xf32, #tpu.memory_space<vmem>>) dst(%dma_wait3A_429 : memref<10240xf32, #tpu.memory_space<vmem_shared>>)
              %while3A_430 = arith.constant 0 : i32
              scf.yield %while3A_430 : i32
            }
            %while3A_408 = arith.constant 1 : i32
            %while3A_409 = scf.for %while3A_410 = %while3A_405 to %while3A_401 step %while3A_408 iter_args(%while3A_411 = %while3A_407) -> (i32)  : i32 {
              %dma_wait3A_412 = arith.constant 0 : i32
              %dma_wait3A_413 = arith.constant 0 : i32
              %dma_wait3A_414 = tpu.memref_slice %arg15[%while3A_410, %dma_wait3A_412, %dma_wait3A_413] : memref<4x32x128xf32, #tpu.memory_space<vmem>> -> memref<1x32x128xf32, #tpu.memory_space<vmem>>
              %dma_wait3A_415 = tpu.memref_squeeze %dma_wait3A_414 : memref<1x32x128xf32, #tpu.memory_space<vmem>> -> memref<32x128xf32, #tpu.memory_space<vmem>>
              %dma_wait3A_416 = arith.constant 0 : i32
              %dma_wait3A_417 = tpu.memref_slice %arg16[%while3A_410, %dma_wait3A_416] : memref<4x32xi32, #tpu.memory_space<vmem>> -> memref<1x32xi32, #tpu.memory_space<vmem>>
              %dma_wait3A_418 = tpu.memref_squeeze %dma_wait3A_417 : memref<1x32xi32, #tpu.memory_space<vmem>> -> memref<32xi32, #tpu.memory_space<vmem>>
              %dma_wait3A_419 = arith.constant 0 : i32
              %dma_wait3A_420 = arith.constant 0 : i32
              %dma_wait3A_421 = tpu.memref_slice %arg23[%dma_wait3A_419, %dma_wait3A_420] : memref<10240x128xf32, #tpu.memory_space<vmem_shared>> -> memref<10240x128xf32, #tpu.memory_space<vmem_shared>>
              tpu.wait_indirect_dma semaphore(%arg27 : memref<!tpu.dma_semaphore, #tpu.memory_space<semaphore_mem>>) src(%dma_wait3A_415 : memref<32x128xf32, #tpu.memory_space<vmem>>) dst(%dma_wait3A_421 : memref<10240x128xf32, #tpu.memory_space<vmem_shared>>)
              %mul3A_422 = arith.constant 928 : i32
              %mul3A_423 = arith.muli %while3A_410, %mul3A_422 : i32
              %dma_wait3A_424 = tpu.memref_slice %arg13[%mul3A_423] : memref<3712xf32, #tpu.memory_space<vmem>> -> memref<32xf32, #tpu.memory_space<vmem>>
              %dma_wait3A_425 = arith.constant 0 : i32
              %dma_wait3A_426 = tpu.memref_slice %arg16[%while3A_410, %dma_wait3A_425] : memref<4x32xi32, #tpu.memory_space<vmem>> -> memref<1x32xi32, #tpu.memory_space<vmem>>
              %dma_wait3A_427 = tpu.memref_squeeze %dma_wait3A_426 : memref<1x32xi32, #tpu.memory_space<vmem>> -> memref<32xi32, #tpu.memory_space<vmem>>
              %dma_wait3A_428 = arith.constant 0 : i32
              %dma_wait3A_429 = tpu.memref_slice %arg24[%dma_wait3A_428] : memref<10240xf32, #tpu.memory_space<vmem_shared>> -> memref<10240xf32, #tpu.memory_space<vmem_shared>>
              tpu.wait_indirect_dma semaphore(%arg27 : memref<!tpu.dma_semaphore, #tpu.memory_space<semaphore_mem>>) src(%dma_wait3A_424 : memref<32xf32, #tpu.memory_space<vmem>>) dst(%dma_wait3A_429 : memref<10240xf32, #tpu.memory_space<vmem_shared>>)
              %while3A_430 = arith.constant 0 : i32
              scf.yield %while3A_430 : i32
            }
          } else {
          }
        } else {
        }
        %scan3A_247 = arith.constant 0 : i32
        scf.yield %scan3A_247 : i32
      }
      %scan3A_123 = arith.constant 14 : i32
      %barrier3A_124 = arith.constant 0 : index
      tpu.barrier barrier_id(%barrier3A_124)
      %mul3A_125 = arith.constant 2 : i32
      %mul3A_126 = arith.muli %mul3A_125, %scan3A_108 : i32
      %add3A_127 = arith.addi %mul3A_126, %arg0 : i32
      %mul3A_128 = arith.constant 10240 : i32
      %mul3A_129 = arith.muli %add3A_127, %mul3A_128 : i32
      %mul3A_130 = arith.constant 640 : i32
      %mul3A_131 = arith.muli %arg1, %mul3A_130 : i32
      %add3A_132 = arith.addi %mul3A_129, %mul3A_131 : i32
      "tpu.trace_start"() <{level = 10 : i32, message = "writeout"}> : () -> ()
      %add3A_133 = arith.constant 40 : i32
      %add3A_134 = arith.addi %add3A_133, %shift_right_arithmetic3A_0 : i32
      %while3A_135 = arith.constant 0 : i32
      %while3A_136 = arith.constant 0 : i32
      %while3A_137 = arith.subi %add3A_134, %while3A_135 : i32
      %while3A_138 = arith.addi %while3A_135, %while3A_137 : i32
      %while3A_139 = arith.constant 1 : i32
      %while3A_140 = arith.divsi %while3A_137, %while3A_139 : i32
      %while3A_141 = arith.muli %while3A_140, %while3A_139 : i32
      %while3A_142 = arith.addi %while3A_135, %while3A_141 : i32
      %while3A_143 = arith.constant 1 : i32
      %while3A_144 = scf.for %while3A_209 = %while3A_135 to %while3A_142 step %while3A_143 iter_args(%while3A_210 = %while3A_136) -> (i32)  : i32 {
        %jit3A_211 = arith.constant 2 : i32
        %eq3A_212 = arith.constant 0 : i32
        %eq3A_213 = arith.cmpi eq, %jit3A_211, %eq3A_212 : i32
        %jit3A_214 = arith.constant 1 : i32
        %select_n3A_215 = arith.select %eq3A_213, %jit3A_214, %jit3A_211 : i32
        %rem3A_216 = arith.remsi %while3A_209, %select_n3A_215 : i32
        %ne3A_217 = arith.constant 0 : i32
        %ne3A_218 = arith.cmpi ne, %rem3A_216, %ne3A_217 : i32
        %lt3A_219 = arith.constant 0 : i32
        %lt3A_220 = arith.cmpi slt, %rem3A_216, %lt3A_219 : i32
        %lt3A_221 = arith.constant 0 : i32
        %lt3A_222 = arith.cmpi slt, %select_n3A_215, %lt3A_221 : i32
        %ne3A_223 = arith.xori %lt3A_220, %lt3A_222 : i1
        %and3A_224 = arith.andi %ne3A_223, %ne3A_218 : i1
        %add3A_225 = arith.addi %rem3A_216, %select_n3A_215 : i32
        %select_n3A_226 = arith.select %and3A_224, %add3A_225, %rem3A_216 : i32
        %ge3A = arith.constant 2 : i32
        %ge3A_227 = arith.cmpi sge, %while3A_209, %ge3A : i32
        %convert_element_type3A = arith.extui %ge3A_227 : i1 to i32
        %cond3A = arith.constant 0 : i32
        %cond3A_228 = arith.cmpi ne, %convert_element_type3A, %cond3A : i32
        scf.if %cond3A_228 {
          %mul3A_274 = arith.constant 16 : i32
          %mul3A_275 = arith.muli %while3A_209, %mul3A_274 : i32
          %add3A_276 = arith.addi %add3A_132, %mul3A_275 : i32
          %dma_wait3A_277 = arith.constant 0 : i32
          %dma_wait3A_278 = arith.constant 0 : i32
          %dma_wait3A_279 = tpu.memref_slice %arg19[%select_n3A_226, %dma_wait3A_277, %dma_wait3A_278] : memref<2x16x128xf32, #tpu.memory_space<vmem>> -> memref<1x16x128xf32, #tpu.memory_space<vmem>>
          %dma_wait3A_280 = tpu.memref_squeeze %dma_wait3A_279 : memref<1x16x128xf32, #tpu.memory_space<vmem>> -> memref<16x128xf32, #tpu.memory_space<vmem>>
          %dma_wait3A_281 = arith.constant 0 : i32
          %dma_wait3A_282 = tpu.memref_slice %arg7[%add3A_276, %dma_wait3A_281] : memref<204800x128xf32, #tpu.memory_space<hbm>> -> memref<16x128xf32, #tpu.memory_space<hbm>>
          %dma_wait3A_283 = arith.constant 0 : i32
          %dma_wait3A_284 = tpu.memref_slice %arg7[%add3A_276, %dma_wait3A_283] : memref<204800x128xf32, #tpu.memory_space<hbm>> -> memref<16x128xf32, #tpu.memory_space<hbm>>
          %dma_wait3A_285 = arith.constant 0 : i32
          %dma_wait3A_286 = arith.constant 0 : i32
          %dma_wait3A_287 = tpu.memref_slice %arg19[%select_n3A_226, %dma_wait3A_285, %dma_wait3A_286] : memref<2x16x128xf32, #tpu.memory_space<vmem>> -> memref<1x16x128xf32, #tpu.memory_space<vmem>>
          %dma_wait3A_288 = tpu.memref_squeeze %dma_wait3A_287 : memref<1x16x128xf32, #tpu.memory_space<vmem>> -> memref<16x128xf32, #tpu.memory_space<vmem>>
          tpu.wait_dma2 semaphore(%arg29 : memref<!tpu.dma_semaphore, #tpu.memory_space<semaphore_mem>>) src(%dma_wait3A_288 : memref<16x128xf32, #tpu.memory_space<vmem>>) dst(%dma_wait3A_284 : memref<16x128xf32, #tpu.memory_space<hbm>>)
        } else {
        }
        %mul3A_229 = arith.constant 640 : i32
        %mul3A_230 = arith.muli %arg1, %mul3A_229 : i32
        %mul3A_231 = arith.constant 16 : i32
        %mul3A_232 = arith.muli %while3A_209, %mul3A_231 : i32
        %add3A_233 = arith.addi %mul3A_230, %mul3A_232 : i32
        %dma_start3A_234 = arith.constant 0 : i32
        %dma_start3A_235 = arith.constant 0 : i32
        %dma_start3A_236 = tpu.memref_slice %arg19[%select_n3A_226, %dma_start3A_234, %dma_start3A_235] : memref<2x16x128xf32, #tpu.memory_space<vmem>> -> memref<1x16x128xf32, #tpu.memory_space<vmem>>
        %dma_start3A_237 = tpu.memref_squeeze %dma_start3A_236 : memref<1x16x128xf32, #tpu.memory_space<vmem>> -> memref<16x128xf32, #tpu.memory_space<vmem>>
        %dma_start3A_238 = arith.constant 0 : i32
        %dma_start3A_239 = tpu.memref_slice %arg23[%add3A_233, %dma_start3A_238] : memref<10240x128xf32, #tpu.memory_space<vmem_shared>> -> memref<16x128xf32, #tpu.memory_space<vmem_shared>>
        %dma_start3A_240 = arith.constant 0 : i32
        %dma_start3A_241 = arith.constant 0 : i32
        %dma_start3A_242 = tpu.memref_slice %arg19[%select_n3A_226, %dma_start3A_240, %dma_start3A_241] : memref<2x16x128xf32, #tpu.memory_space<vmem>> -> memref<1x16x128xf32, #tpu.memory_space<vmem>>
        %dma_start3A_243 = tpu.memref_squeeze %dma_start3A_242 : memref<1x16x128xf32, #tpu.memory_space<vmem>> -> memref<16x128xf32, #tpu.memory_space<vmem>>
        %dma_start3A_244 = arith.constant 0 : i32
        %dma_start3A_245 = tpu.memref_slice %arg23[%add3A_233, %dma_start3A_244] : memref<10240x128xf32, #tpu.memory_space<vmem_shared>> -> memref<16x128xf32, #tpu.memory_space<vmem_shared>>
        tpu.enqueue_dma source(%dma_start3A_245 : memref<16x128xf32, #tpu.memory_space<vmem_shared>>) target(%dma_start3A_243 : memref<16x128xf32, #tpu.memory_space<vmem>>) target_semaphore(%arg26 : memref<!tpu.dma_semaphore, #tpu.memory_space<semaphore_mem>>)
        %dma_wait3A_246 = arith.constant 0 : i32
        %dma_wait3A_247 = arith.constant 0 : i32
        %dma_wait3A_248 = tpu.memref_slice %arg19[%select_n3A_226, %dma_wait3A_246, %dma_wait3A_247] : memref<2x16x128xf32, #tpu.memory_space<vmem>> -> memref<1x16x128xf32, #tpu.memory_space<vmem>>
        %dma_wait3A_249 = tpu.memref_squeeze %dma_wait3A_248 : memref<1x16x128xf32, #tpu.memory_space<vmem>> -> memref<16x128xf32, #tpu.memory_space<vmem>>
        %dma_wait3A_250 = arith.constant 0 : i32
        %dma_wait3A_251 = tpu.memref_slice %arg23[%add3A_233, %dma_wait3A_250] : memref<10240x128xf32, #tpu.memory_space<vmem_shared>> -> memref<16x128xf32, #tpu.memory_space<vmem_shared>>
        %dma_wait3A_252 = arith.constant 0 : i32
        %dma_wait3A_253 = arith.constant 0 : i32
        %dma_wait3A_254 = tpu.memref_slice %arg19[%select_n3A_226, %dma_wait3A_252, %dma_wait3A_253] : memref<2x16x128xf32, #tpu.memory_space<vmem>> -> memref<1x16x128xf32, #tpu.memory_space<vmem>>
        %dma_wait3A_255 = tpu.memref_squeeze %dma_wait3A_254 : memref<1x16x128xf32, #tpu.memory_space<vmem>> -> memref<16x128xf32, #tpu.memory_space<vmem>>
        %dma_wait3A_256 = arith.constant 0 : i32
        %dma_wait3A_257 = tpu.memref_slice %arg23[%add3A_233, %dma_wait3A_256] : memref<10240x128xf32, #tpu.memory_space<vmem_shared>> -> memref<16x128xf32, #tpu.memory_space<vmem_shared>>
        tpu.wait_dma2 semaphore(%arg26 : memref<!tpu.dma_semaphore, #tpu.memory_space<semaphore_mem>>) src(%dma_wait3A_257 : memref<16x128xf32, #tpu.memory_space<vmem_shared>>) dst(%dma_wait3A_255 : memref<16x128xf32, #tpu.memory_space<vmem>>)
        %mul3A_258 = arith.constant 16 : i32
        %mul3A_259 = arith.muli %while3A_209, %mul3A_258 : i32
        %add3A_260 = arith.addi %add3A_132, %mul3A_259 : i32
        %dma_start3A_261 = arith.constant 0 : i32
        %dma_start3A_262 = arith.constant 0 : i32
        %dma_start3A_263 = tpu.memref_slice %arg19[%select_n3A_226, %dma_start3A_261, %dma_start3A_262] : memref<2x16x128xf32, #tpu.memory_space<vmem>> -> memref<1x16x128xf32, #tpu.memory_space<vmem>>
        %dma_start3A_264 = tpu.memref_squeeze %dma_start3A_263 : memref<1x16x128xf32, #tpu.memory_space<vmem>> -> memref<16x128xf32, #tpu.memory_space<vmem>>
        %dma_start3A_265 = arith.constant 0 : i32
        %dma_start3A_266 = tpu.memref_slice %arg7[%add3A_260, %dma_start3A_265] : memref<204800x128xf32, #tpu.memory_space<hbm>> -> memref<16x128xf32, #tpu.memory_space<hbm>>
        %dma_start3A_267 = arith.constant 0 : i32
        %dma_start3A_268 = tpu.memref_slice %arg7[%add3A_260, %dma_start3A_267] : memref<204800x128xf32, #tpu.memory_space<hbm>> -> memref<16x128xf32, #tpu.memory_space<hbm>>
        %dma_start3A_269 = arith.constant 0 : i32
        %dma_start3A_270 = arith.constant 0 : i32
        %dma_start3A_271 = tpu.memref_slice %arg19[%select_n3A_226, %dma_start3A_269, %dma_start3A_270] : memref<2x16x128xf32, #tpu.memory_space<vmem>> -> memref<1x16x128xf32, #tpu.memory_space<vmem>>
        %dma_start3A_272 = tpu.memref_squeeze %dma_start3A_271 : memref<1x16x128xf32, #tpu.memory_space<vmem>> -> memref<16x128xf32, #tpu.memory_space<vmem>>
        tpu.enqueue_dma source(%dma_start3A_272 : memref<16x128xf32, #tpu.memory_space<vmem>>) target(%dma_start3A_268 : memref<16x128xf32, #tpu.memory_space<hbm>>) target_semaphore(%arg29 : memref<!tpu.dma_semaphore, #tpu.memory_space<semaphore_mem>>)
        %while3A_273 = arith.constant 0 : i32
        scf.yield %while3A_273 : i32
      }
      %while3A_145 = arith.constant 1 : i32
      %while3A_146 = scf.for %while3A_209 = %while3A_142 to %while3A_138 step %while3A_145 iter_args(%while3A_210 = %while3A_144) -> (i32)  : i32 {
        %jit3A_211 = arith.constant 2 : i32
        %eq3A_212 = arith.constant 0 : i32
        %eq3A_213 = arith.cmpi eq, %jit3A_211, %eq3A_212 : i32
        %jit3A_214 = arith.constant 1 : i32
        %select_n3A_215 = arith.select %eq3A_213, %jit3A_214, %jit3A_211 : i32
        %rem3A_216 = arith.remsi %while3A_209, %select_n3A_215 : i32
        %ne3A_217 = arith.constant 0 : i32
        %ne3A_218 = arith.cmpi ne, %rem3A_216, %ne3A_217 : i32
        %lt3A_219 = arith.constant 0 : i32
        %lt3A_220 = arith.cmpi slt, %rem3A_216, %lt3A_219 : i32
        %lt3A_221 = arith.constant 0 : i32
        %lt3A_222 = arith.cmpi slt, %select_n3A_215, %lt3A_221 : i32
        %ne3A_223 = arith.xori %lt3A_220, %lt3A_222 : i1
        %and3A_224 = arith.andi %ne3A_223, %ne3A_218 : i1
        %add3A_225 = arith.addi %rem3A_216, %select_n3A_215 : i32
        %select_n3A_226 = arith.select %and3A_224, %add3A_225, %rem3A_216 : i32
        %ge3A = arith.constant 2 : i32
        %ge3A_227 = arith.cmpi sge, %while3A_209, %ge3A : i32
        %convert_element_type3A = arith.extui %ge3A_227 : i1 to i32
        %cond3A = arith.constant 0 : i32
        %cond3A_228 = arith.cmpi ne, %convert_element_type3A, %cond3A : i32
        scf.if %cond3A_228 {
          %mul3A_274 = arith.constant 16 : i32
          %mul3A_275 = arith.muli %while3A_209, %mul3A_274 : i32
          %add3A_276 = arith.addi %add3A_132, %mul3A_275 : i32
          %dma_wait3A_277 = arith.constant 0 : i32
          %dma_wait3A_278 = arith.constant 0 : i32
          %dma_wait3A_279 = tpu.memref_slice %arg19[%select_n3A_226, %dma_wait3A_277, %dma_wait3A_278] : memref<2x16x128xf32, #tpu.memory_space<vmem>> -> memref<1x16x128xf32, #tpu.memory_space<vmem>>
          %dma_wait3A_280 = tpu.memref_squeeze %dma_wait3A_279 : memref<1x16x128xf32, #tpu.memory_space<vmem>> -> memref<16x128xf32, #tpu.memory_space<vmem>>
          %dma_wait3A_281 = arith.constant 0 : i32
          %dma_wait3A_282 = tpu.memref_slice %arg7[%add3A_276, %dma_wait3A_281] : memref<204800x128xf32, #tpu.memory_space<hbm>> -> memref<16x128xf32, #tpu.memory_space<hbm>>
          %dma_wait3A_283 = arith.constant 0 : i32
          %dma_wait3A_284 = tpu.memref_slice %arg7[%add3A_276, %dma_wait3A_283] : memref<204800x128xf32, #tpu.memory_space<hbm>> -> memref<16x128xf32, #tpu.memory_space<hbm>>
          %dma_wait3A_285 = arith.constant 0 : i32
          %dma_wait3A_286 = arith.constant 0 : i32
          %dma_wait3A_287 = tpu.memref_slice %arg19[%select_n3A_226, %dma_wait3A_285, %dma_wait3A_286] : memref<2x16x128xf32, #tpu.memory_space<vmem>> -> memref<1x16x128xf32, #tpu.memory_space<vmem>>
          %dma_wait3A_288 = tpu.memref_squeeze %dma_wait3A_287 : memref<1x16x128xf32, #tpu.memory_space<vmem>> -> memref<16x128xf32, #tpu.memory_space<vmem>>
          tpu.wait_dma2 semaphore(%arg29 : memref<!tpu.dma_semaphore, #tpu.memory_space<semaphore_mem>>) src(%dma_wait3A_288 : memref<16x128xf32, #tpu.memory_space<vmem>>) dst(%dma_wait3A_284 : memref<16x128xf32, #tpu.memory_space<hbm>>)
        } else {
        }
        %mul3A_229 = arith.constant 640 : i32
        %mul3A_230 = arith.muli %arg1, %mul3A_229 : i32
        %mul3A_231 = arith.constant 16 : i32
        %mul3A_232 = arith.muli %while3A_209, %mul3A_231 : i32
        %add3A_233 = arith.addi %mul3A_230, %mul3A_232 : i32
        %dma_start3A_234 = arith.constant 0 : i32
        %dma_start3A_235 = arith.constant 0 : i32
        %dma_start3A_236 = tpu.memref_slice %arg19[%select_n3A_226, %dma_start3A_234, %dma_start3A_235] : memref<2x16x128xf32, #tpu.memory_space<vmem>> -> memref<1x16x128xf32, #tpu.memory_space<vmem>>
        %dma_start3A_237 = tpu.memref_squeeze %dma_start3A_236 : memref<1x16x128xf32, #tpu.memory_space<vmem>> -> memref<16x128xf32, #tpu.memory_space<vmem>>
        %dma_start3A_238 = arith.constant 0 : i32
        %dma_start3A_239 = tpu.memref_slice %arg23[%add3A_233, %dma_start3A_238] : memref<10240x128xf32, #tpu.memory_space<vmem_shared>> -> memref<16x128xf32, #tpu.memory_space<vmem_shared>>
        %dma_start3A_240 = arith.constant 0 : i32
        %dma_start3A_241 = arith.constant 0 : i32
        %dma_start3A_242 = tpu.memref_slice %arg19[%select_n3A_226, %dma_start3A_240, %dma_start3A_241] : memref<2x16x128xf32, #tpu.memory_space<vmem>> -> memref<1x16x128xf32, #tpu.memory_space<vmem>>
        %dma_start3A_243 = tpu.memref_squeeze %dma_start3A_242 : memref<1x16x128xf32, #tpu.memory_space<vmem>> -> memref<16x128xf32, #tpu.memory_space<vmem>>
        %dma_start3A_244 = arith.constant 0 : i32
        %dma_start3A_245 = tpu.memref_slice %arg23[%add3A_233, %dma_start3A_244] : memref<10240x128xf32, #tpu.memory_space<vmem_shared>> -> memref<16x128xf32, #tpu.memory_space<vmem_shared>>
        tpu.enqueue_dma source(%dma_start3A_245 : memref<16x128xf32, #tpu.memory_space<vmem_shared>>) target(%dma_start3A_243 : memref<16x128xf32, #tpu.memory_space<vmem>>) target_semaphore(%arg26 : memref<!tpu.dma_semaphore, #tpu.memory_space<semaphore_mem>>)
        %dma_wait3A_246 = arith.constant 0 : i32
        %dma_wait3A_247 = arith.constant 0 : i32
        %dma_wait3A_248 = tpu.memref_slice %arg19[%select_n3A_226, %dma_wait3A_246, %dma_wait3A_247] : memref<2x16x128xf32, #tpu.memory_space<vmem>> -> memref<1x16x128xf32, #tpu.memory_space<vmem>>
        %dma_wait3A_249 = tpu.memref_squeeze %dma_wait3A_248 : memref<1x16x128xf32, #tpu.memory_space<vmem>> -> memref<16x128xf32, #tpu.memory_space<vmem>>
        %dma_wait3A_250 = arith.constant 0 : i32
        %dma_wait3A_251 = tpu.memref_slice %arg23[%add3A_233, %dma_wait3A_250] : memref<10240x128xf32, #tpu.memory_space<vmem_shared>> -> memref<16x128xf32, #tpu.memory_space<vmem_shared>>
        %dma_wait3A_252 = arith.constant 0 : i32
        %dma_wait3A_253 = arith.constant 0 : i32
        %dma_wait3A_254 = tpu.memref_slice %arg19[%select_n3A_226, %dma_wait3A_252, %dma_wait3A_253] : memref<2x16x128xf32, #tpu.memory_space<vmem>> -> memref<1x16x128xf32, #tpu.memory_space<vmem>>
        %dma_wait3A_255 = tpu.memref_squeeze %dma_wait3A_254 : memref<1x16x128xf32, #tpu.memory_space<vmem>> -> memref<16x128xf32, #tpu.memory_space<vmem>>
        %dma_wait3A_256 = arith.constant 0 : i32
        %dma_wait3A_257 = tpu.memref_slice %arg23[%add3A_233, %dma_wait3A_256] : memref<10240x128xf32, #tpu.memory_space<vmem_shared>> -> memref<16x128xf32, #tpu.memory_space<vmem_shared>>
        tpu.wait_dma2 semaphore(%arg26 : memref<!tpu.dma_semaphore, #tpu.memory_space<semaphore_mem>>) src(%dma_wait3A_257 : memref<16x128xf32, #tpu.memory_space<vmem_shared>>) dst(%dma_wait3A_255 : memref<16x128xf32, #tpu.memory_space<vmem>>)
        %mul3A_258 = arith.constant 16 : i32
        %mul3A_259 = arith.muli %while3A_209, %mul3A_258 : i32
        %add3A_260 = arith.addi %add3A_132, %mul3A_259 : i32
        %dma_start3A_261 = arith.constant 0 : i32
        %dma_start3A_262 = arith.constant 0 : i32
        %dma_start3A_263 = tpu.memref_slice %arg19[%select_n3A_226, %dma_start3A_261, %dma_start3A_262] : memref<2x16x128xf32, #tpu.memory_space<vmem>> -> memref<1x16x128xf32, #tpu.memory_space<vmem>>
        %dma_start3A_264 = tpu.memref_squeeze %dma_start3A_263 : memref<1x16x128xf32, #tpu.memory_space<vmem>> -> memref<16x128xf32, #tpu.memory_space<vmem>>
        %dma_start3A_265 = arith.constant 0 : i32
        %dma_start3A_266 = tpu.memref_slice %arg7[%add3A_260, %dma_start3A_265] : memref<204800x128xf32, #tpu.memory_space<hbm>> -> memref<16x128xf32, #tpu.memory_space<hbm>>
        %dma_start3A_267 = arith.constant 0 : i32
        %dma_start3A_268 = tpu.memref_slice %arg7[%add3A_260, %dma_start3A_267] : memref<204800x128xf32, #tpu.memory_space<hbm>> -> memref<16x128xf32, #tpu.memory_space<hbm>>
        %dma_start3A_269 = arith.constant 0 : i32
        %dma_start3A_270 = arith.constant 0 : i32
        %dma_start3A_271 = tpu.memref_slice %arg19[%select_n3A_226, %dma_start3A_269, %dma_start3A_270] : memref<2x16x128xf32, #tpu.memory_space<vmem>> -> memref<1x16x128xf32, #tpu.memory_space<vmem>>
        %dma_start3A_272 = tpu.memref_squeeze %dma_start3A_271 : memref<1x16x128xf32, #tpu.memory_space<vmem>> -> memref<16x128xf32, #tpu.memory_space<vmem>>
        tpu.enqueue_dma source(%dma_start3A_272 : memref<16x128xf32, #tpu.memory_space<vmem>>) target(%dma_start3A_268 : memref<16x128xf32, #tpu.memory_space<hbm>>) target_semaphore(%arg29 : memref<!tpu.dma_semaphore, #tpu.memory_space<semaphore_mem>>)
        %while3A_273 = arith.constant 0 : i32
        scf.yield %while3A_273 : i32
      }
      "tpu.trace_stop"() : () -> ()
      %add3A_147 = arith.constant 2 : i32
      %add3A_148 = arith.addi %add3A_147, %shift_right_arithmetic3A_0 : i32
      %while3A_149 = arith.constant 0 : i32
      %while3A_150 = arith.constant 0 : i32
      %while3A_151 = arith.subi %add3A_148, %while3A_149 : i32
      %while3A_152 = arith.addi %while3A_149, %while3A_151 : i32
      %while3A_153 = arith.constant 1 : i32
      %while3A_154 = arith.divsi %while3A_151, %while3A_153 : i32
      %while3A_155 = arith.muli %while3A_154, %while3A_153 : i32
      %while3A_156 = arith.addi %while3A_149, %while3A_155 : i32
      %while3A_157 = arith.constant 1 : i32
      %while3A_158 = scf.for %while3A_209 = %while3A_149 to %while3A_156 step %while3A_157 iter_args(%while3A_210 = %while3A_150) -> (i32)  : i32 {
        %mul3A_211 = arith.constant 16 : i32
        %mul3A_212 = arith.muli %while3A_209, %mul3A_211 : i32
        %add3A_213 = arith.addi %add3A_132, %mul3A_212 : i32
        %dma_wait3A_214 = arith.constant 0 : i32
        %dma_wait3A_215 = arith.constant 0 : i32
        %dma_wait3A_216 = tpu.memref_slice %arg19[%while3A_209, %dma_wait3A_214, %dma_wait3A_215] : memref<2x16x128xf32, #tpu.memory_space<vmem>> -> memref<1x16x128xf32, #tpu.memory_space<vmem>>
        %dma_wait3A_217 = tpu.memref_squeeze %dma_wait3A_216 : memref<1x16x128xf32, #tpu.memory_space<vmem>> -> memref<16x128xf32, #tpu.memory_space<vmem>>
        %dma_wait3A_218 = arith.constant 0 : i32
        %dma_wait3A_219 = tpu.memref_slice %arg7[%add3A_213, %dma_wait3A_218] : memref<204800x128xf32, #tpu.memory_space<hbm>> -> memref<16x128xf32, #tpu.memory_space<hbm>>
        %dma_wait3A_220 = arith.constant 0 : i32
        %dma_wait3A_221 = tpu.memref_slice %arg7[%add3A_213, %dma_wait3A_220] : memref<204800x128xf32, #tpu.memory_space<hbm>> -> memref<16x128xf32, #tpu.memory_space<hbm>>
        %dma_wait3A_222 = arith.constant 0 : i32
        %dma_wait3A_223 = arith.constant 0 : i32
        %dma_wait3A_224 = tpu.memref_slice %arg19[%while3A_209, %dma_wait3A_222, %dma_wait3A_223] : memref<2x16x128xf32, #tpu.memory_space<vmem>> -> memref<1x16x128xf32, #tpu.memory_space<vmem>>
        %dma_wait3A_225 = tpu.memref_squeeze %dma_wait3A_224 : memref<1x16x128xf32, #tpu.memory_space<vmem>> -> memref<16x128xf32, #tpu.memory_space<vmem>>
        tpu.wait_dma2 semaphore(%arg29 : memref<!tpu.dma_semaphore, #tpu.memory_space<semaphore_mem>>) src(%dma_wait3A_225 : memref<16x128xf32, #tpu.memory_space<vmem>>) dst(%dma_wait3A_221 : memref<16x128xf32, #tpu.memory_space<hbm>>)
        %while3A_226 = arith.constant 0 : i32
        scf.yield %while3A_226 : i32
      }
      %while3A_159 = arith.constant 1 : i32
      %while3A_160 = scf.for %while3A_209 = %while3A_156 to %while3A_152 step %while3A_159 iter_args(%while3A_210 = %while3A_158) -> (i32)  : i32 {
        %mul3A_211 = arith.constant 16 : i32
        %mul3A_212 = arith.muli %while3A_209, %mul3A_211 : i32
        %add3A_213 = arith.addi %add3A_132, %mul3A_212 : i32
        %dma_wait3A_214 = arith.constant 0 : i32
        %dma_wait3A_215 = arith.constant 0 : i32
        %dma_wait3A_216 = tpu.memref_slice %arg19[%while3A_209, %dma_wait3A_214, %dma_wait3A_215] : memref<2x16x128xf32, #tpu.memory_space<vmem>> -> memref<1x16x128xf32, #tpu.memory_space<vmem>>
        %dma_wait3A_217 = tpu.memref_squeeze %dma_wait3A_216 : memref<1x16x128xf32, #tpu.memory_space<vmem>> -> memref<16x128xf32, #tpu.memory_space<vmem>>
        %dma_wait3A_218 = arith.constant 0 : i32
        %dma_wait3A_219 = tpu.memref_slice %arg7[%add3A_213, %dma_wait3A_218] : memref<204800x128xf32, #tpu.memory_space<hbm>> -> memref<16x128xf32, #tpu.memory_space<hbm>>
        %dma_wait3A_220 = arith.constant 0 : i32
        %dma_wait3A_221 = tpu.memref_slice %arg7[%add3A_213, %dma_wait3A_220] : memref<204800x128xf32, #tpu.memory_space<hbm>> -> memref<16x128xf32, #tpu.memory_space<hbm>>
        %dma_wait3A_222 = arith.constant 0 : i32
        %dma_wait3A_223 = arith.constant 0 : i32
        %dma_wait3A_224 = tpu.memref_slice %arg19[%while3A_209, %dma_wait3A_222, %dma_wait3A_223] : memref<2x16x128xf32, #tpu.memory_space<vmem>> -> memref<1x16x128xf32, #tpu.memory_space<vmem>>
        %dma_wait3A_225 = tpu.memref_squeeze %dma_wait3A_224 : memref<1x16x128xf32, #tpu.memory_space<vmem>> -> memref<16x128xf32, #tpu.memory_space<vmem>>
        tpu.wait_dma2 semaphore(%arg29 : memref<!tpu.dma_semaphore, #tpu.memory_space<semaphore_mem>>) src(%dma_wait3A_225 : memref<16x128xf32, #tpu.memory_space<vmem>>) dst(%dma_wait3A_221 : memref<16x128xf32, #tpu.memory_space<hbm>>)
        %while3A_226 = arith.constant 0 : i32
        scf.yield %while3A_226 : i32
      }
      %mul3A_161 = arith.constant 640 : i32
      %mul3A_162 = arith.muli %arg1, %mul3A_161 : i32
      %dma_start3A_163 = tpu.memref_slice %arg24[%mul3A_162] : memref<10240xf32, #tpu.memory_space<vmem_shared>> -> memref<640xf32, #tpu.memory_space<vmem_shared>>
      %dma_start3A_164 = tpu.memref_slice %arg24[%mul3A_162] : memref<10240xf32, #tpu.memory_space<vmem_shared>> -> memref<640xf32, #tpu.memory_space<vmem_shared>>
      tpu.enqueue_dma source(%dma_start3A_164 : memref<640xf32, #tpu.memory_space<vmem_shared>>) target(%arg20 : memref<640xf32, #tpu.memory_space<vmem>>) target_semaphore(%arg26 : memref<!tpu.dma_semaphore, #tpu.memory_space<semaphore_mem>>)
      %dma_wait3A_165 = tpu.memref_slice %arg24[%mul3A_162] : memref<10240xf32, #tpu.memory_space<vmem_shared>> -> memref<640xf32, #tpu.memory_space<vmem_shared>>
      %dma_wait3A_166 = tpu.memref_slice %arg24[%mul3A_162] : memref<10240xf32, #tpu.memory_space<vmem_shared>> -> memref<640xf32, #tpu.memory_space<vmem_shared>>
      tpu.wait_dma2 semaphore(%arg26 : memref<!tpu.dma_semaphore, #tpu.memory_space<semaphore_mem>>) src(%dma_wait3A_166 : memref<640xf32, #tpu.memory_space<vmem_shared>>) dst(%arg20 : memref<640xf32, #tpu.memory_space<vmem>>)
      %dma_start3A_167 = tpu.memref_slice %arg8[%add3A_132] : memref<204800xf32, #tpu.memory_space<hbm>> -> memref<640xf32, #tpu.memory_space<hbm>>
      %dma_start3A_168 = tpu.memref_slice %arg8[%add3A_132] : memref<204800xf32, #tpu.memory_space<hbm>> -> memref<640xf32, #tpu.memory_space<hbm>>
      tpu.enqueue_dma source(%arg20 : memref<640xf32, #tpu.memory_space<vmem>>) target(%dma_start3A_168 : memref<640xf32, #tpu.memory_space<hbm>>) target_semaphore(%arg26 : memref<!tpu.dma_semaphore, #tpu.memory_space<semaphore_mem>>)
      %dma_wait3A_169 = tpu.memref_slice %arg8[%add3A_132] : memref<204800xf32, #tpu.memory_space<hbm>> -> memref<640xf32, #tpu.memory_space<hbm>>
      %dma_wait3A_170 = tpu.memref_slice %arg8[%add3A_132] : memref<204800xf32, #tpu.memory_space<hbm>> -> memref<640xf32, #tpu.memory_space<hbm>>
      tpu.wait_dma2 semaphore(%arg26 : memref<!tpu.dma_semaphore, #tpu.memory_space<semaphore_mem>>) src(%arg20 : memref<640xf32, #tpu.memory_space<vmem>>) dst(%dma_wait3A_170 : memref<640xf32, #tpu.memory_space<hbm>>)
      "tpu.trace_start"() <{level = 10 : i32, message = "rezero"}> : () -> ()
      %add3A_171 = arith.constant 40 : i32
      %add3A_172 = arith.addi %add3A_171, %shift_right_arithmetic3A_0 : i32
      %while3A_173 = arith.constant 0 : i32
      %while3A_174 = arith.constant 0 : i32
      %while3A_175 = arith.subi %add3A_172, %while3A_173 : i32
      %while3A_176 = arith.addi %while3A_173, %while3A_175 : i32
      %while3A_177 = arith.constant 1 : i32
      %while3A_178 = arith.divsi %while3A_175, %while3A_177 : i32
      %while3A_179 = arith.muli %while3A_178, %while3A_177 : i32
      %while3A_180 = arith.addi %while3A_173, %while3A_179 : i32
      %while3A_181 = arith.constant 1 : i32
      %while3A_182 = scf.for %while3A_209 = %while3A_173 to %while3A_180 step %while3A_181 iter_args(%while3A_210 = %while3A_174) -> (i32)  : i32 {
        %mul3A_211 = arith.constant 640 : i32
        %mul3A_212 = arith.muli %arg1, %mul3A_211 : i32
        %mul3A_213 = arith.constant 16 : i32
        %mul3A_214 = arith.muli %while3A_209, %mul3A_213 : i32
        %add3A_215 = arith.addi %mul3A_212, %mul3A_214 : i32
        %dma_start3A_216 = arith.constant 0 : i32
        %dma_start3A_217 = tpu.memref_slice %arg23[%add3A_215, %dma_start3A_216] : memref<10240x128xf32, #tpu.memory_space<vmem_shared>> -> memref<16x128xf32, #tpu.memory_space<vmem_shared>>
        %dma_start3A_218 = arith.constant 0 : i32
        %dma_start3A_219 = tpu.memref_slice %arg23[%add3A_215, %dma_start3A_218] : memref<10240x128xf32, #tpu.memory_space<vmem_shared>> -> memref<16x128xf32, #tpu.memory_space<vmem_shared>>
        tpu.enqueue_dma source(%arg17 : memref<16x128xf32, #tpu.memory_space<vmem>>) target(%dma_start3A_219 : memref<16x128xf32, #tpu.memory_space<vmem_shared>>) target_semaphore(%arg28 : memref<!tpu.dma_semaphore, #tpu.memory_space<semaphore_mem>>)
        %while3A_220 = arith.constant 0 : i32
        scf.yield %while3A_220 : i32
      }
      %while3A_183 = arith.constant 1 : i32
      %while3A_184 = scf.for %while3A_209 = %while3A_180 to %while3A_176 step %while3A_183 iter_args(%while3A_210 = %while3A_182) -> (i32)  : i32 {
        %mul3A_211 = arith.constant 640 : i32
        %mul3A_212 = arith.muli %arg1, %mul3A_211 : i32
        %mul3A_213 = arith.constant 16 : i32
        %mul3A_214 = arith.muli %while3A_209, %mul3A_213 : i32
        %add3A_215 = arith.addi %mul3A_212, %mul3A_214 : i32
        %dma_start3A_216 = arith.constant 0 : i32
        %dma_start3A_217 = tpu.memref_slice %arg23[%add3A_215, %dma_start3A_216] : memref<10240x128xf32, #tpu.memory_space<vmem_shared>> -> memref<16x128xf32, #tpu.memory_space<vmem_shared>>
        %dma_start3A_218 = arith.constant 0 : i32
        %dma_start3A_219 = tpu.memref_slice %arg23[%add3A_215, %dma_start3A_218] : memref<10240x128xf32, #tpu.memory_space<vmem_shared>> -> memref<16x128xf32, #tpu.memory_space<vmem_shared>>
        tpu.enqueue_dma source(%arg17 : memref<16x128xf32, #tpu.memory_space<vmem>>) target(%dma_start3A_219 : memref<16x128xf32, #tpu.memory_space<vmem_shared>>) target_semaphore(%arg28 : memref<!tpu.dma_semaphore, #tpu.memory_space<semaphore_mem>>)
        %while3A_220 = arith.constant 0 : i32
        scf.yield %while3A_220 : i32
      }
      %mul3A_185 = arith.constant 640 : i32
      %mul3A_186 = arith.muli %arg1, %mul3A_185 : i32
      %dma_start3A_187 = tpu.memref_slice %arg24[%mul3A_186] : memref<10240xf32, #tpu.memory_space<vmem_shared>> -> memref<640xf32, #tpu.memory_space<vmem_shared>>
      %dma_start3A_188 = tpu.memref_slice %arg24[%mul3A_186] : memref<10240xf32, #tpu.memory_space<vmem_shared>> -> memref<640xf32, #tpu.memory_space<vmem_shared>>
      tpu.enqueue_dma source(%arg18 : memref<640xf32, #tpu.memory_space<vmem>>) target(%dma_start3A_188 : memref<640xf32, #tpu.memory_space<vmem_shared>>) target_semaphore(%arg28 : memref<!tpu.dma_semaphore, #tpu.memory_space<semaphore_mem>>)
      %add3A_189 = arith.constant 40 : i32
      %add3A_190 = arith.addi %add3A_189, %shift_right_arithmetic3A_0 : i32
      %while3A_191 = arith.constant 0 : i32
      %while3A_192 = arith.constant 0 : i32
      %while3A_193 = arith.subi %add3A_190, %while3A_191 : i32
      %while3A_194 = arith.addi %while3A_191, %while3A_193 : i32
      %while3A_195 = arith.constant 1 : i32
      %while3A_196 = arith.divsi %while3A_193, %while3A_195 : i32
      %while3A_197 = arith.muli %while3A_196, %while3A_195 : i32
      %while3A_198 = arith.addi %while3A_191, %while3A_197 : i32
      %while3A_199 = arith.constant 1 : i32
      %while3A_200 = scf.for %while3A_209 = %while3A_191 to %while3A_198 step %while3A_199 iter_args(%while3A_210 = %while3A_192) -> (i32)  : i32 {
        %mul3A_211 = arith.constant 640 : i32
        %mul3A_212 = arith.muli %arg1, %mul3A_211 : i32
        %mul3A_213 = arith.constant 16 : i32
        %mul3A_214 = arith.muli %while3A_209, %mul3A_213 : i32
        %add3A_215 = arith.addi %mul3A_212, %mul3A_214 : i32
        %dma_wait3A_216 = arith.constant 0 : i32
        %dma_wait3A_217 = tpu.memref_slice %arg23[%add3A_215, %dma_wait3A_216] : memref<10240x128xf32, #tpu.memory_space<vmem_shared>> -> memref<16x128xf32, #tpu.memory_space<vmem_shared>>
        %dma_wait3A_218 = arith.constant 0 : i32
        %dma_wait3A_219 = tpu.memref_slice %arg23[%add3A_215, %dma_wait3A_218] : memref<10240x128xf32, #tpu.memory_space<vmem_shared>> -> memref<16x128xf32, #tpu.memory_space<vmem_shared>>
        tpu.wait_dma2 semaphore(%arg28 : memref<!tpu.dma_semaphore, #tpu.memory_space<semaphore_mem>>) src(%arg17 : memref<16x128xf32, #tpu.memory_space<vmem>>) dst(%dma_wait3A_219 : memref<16x128xf32, #tpu.memory_space<vmem_shared>>)
        %while3A_220 = arith.constant 0 : i32
        scf.yield %while3A_220 : i32
      }
      %while3A_201 = arith.constant 1 : i32
      %while3A_202 = scf.for %while3A_209 = %while3A_198 to %while3A_194 step %while3A_201 iter_args(%while3A_210 = %while3A_200) -> (i32)  : i32 {
        %mul3A_211 = arith.constant 640 : i32
        %mul3A_212 = arith.muli %arg1, %mul3A_211 : i32
        %mul3A_213 = arith.constant 16 : i32
        %mul3A_214 = arith.muli %while3A_209, %mul3A_213 : i32
        %add3A_215 = arith.addi %mul3A_212, %mul3A_214 : i32
        %dma_wait3A_216 = arith.constant 0 : i32
        %dma_wait3A_217 = tpu.memref_slice %arg23[%add3A_215, %dma_wait3A_216] : memref<10240x128xf32, #tpu.memory_space<vmem_shared>> -> memref<16x128xf32, #tpu.memory_space<vmem_shared>>
        %dma_wait3A_218 = arith.constant 0 : i32
        %dma_wait3A_219 = tpu.memref_slice %arg23[%add3A_215, %dma_wait3A_218] : memref<10240x128xf32, #tpu.memory_space<vmem_shared>> -> memref<16x128xf32, #tpu.memory_space<vmem_shared>>
        tpu.wait_dma2 semaphore(%arg28 : memref<!tpu.dma_semaphore, #tpu.memory_space<semaphore_mem>>) src(%arg17 : memref<16x128xf32, #tpu.memory_space<vmem>>) dst(%dma_wait3A_219 : memref<16x128xf32, #tpu.memory_space<vmem_shared>>)
        %while3A_220 = arith.constant 0 : i32
        scf.yield %while3A_220 : i32
      }
      %mul3A_203 = arith.constant 640 : i32
      %mul3A_204 = arith.muli %arg1, %mul3A_203 : i32
      %dma_wait3A_205 = tpu.memref_slice %arg24[%mul3A_204] : memref<10240xf32, #tpu.memory_space<vmem_shared>> -> memref<640xf32, #tpu.memory_space<vmem_shared>>
      %dma_wait3A_206 = tpu.memref_slice %arg24[%mul3A_204] : memref<10240xf32, #tpu.memory_space<vmem_shared>> -> memref<640xf32, #tpu.memory_space<vmem_shared>>
      tpu.wait_dma2 semaphore(%arg28 : memref<!tpu.dma_semaphore, #tpu.memory_space<semaphore_mem>>) src(%arg18 : memref<640xf32, #tpu.memory_space<vmem>>) dst(%dma_wait3A_206 : memref<640xf32, #tpu.memory_space<vmem_shared>>)
      "tpu.trace_stop"() : () -> ()
      %barrier3A_207 = arith.constant 0 : index
      tpu.barrier barrier_id(%barrier3A_207)
      %scan3A_208 = arith.constant 0 : i32
      scf.yield %scan3A_208 : i32
    }
    %scan3A_107 = arith.constant 10 : i32
    return
  }
}

module attributes {stable_mosaic.version = 14 : i64} {
  func.func @_prep_body(%arg0: i32, %arg1: memref<1x2x224x224xf32, #tpu.memory_space<vmem>>, %arg2: memref<4x1x224x224xi32, #tpu.memory_space<vmem>>, %arg3: memref<4x1x224x224xf32, #tpu.memory_space<vmem>>, %arg4: memref<1x8x64xi32, #tpu.memory_space<vmem>>, %arg5: memref<1x8x64xi32, #tpu.memory_space<vmem>>) attributes {dimension_semantics = [#tpu.dimension_semantics<arbitrary>], iteration_bounds = array<i64: 4>, scalar_prefetch = 0 : i64, scratch_operands = 0 : i64, tpu.core_type = #tpu.core_type<tc>, window_params = [{transform_indices = @transform_0, window_bounds = array<i64: 1, 2, 224, 224>}, {transform_indices = @transform_1, window_bounds = array<i64: 4, 1, 224, 224>}, {transform_indices = @transform_2, window_bounds = array<i64: 4, 1, 224, 224>}, {transform_indices = @transform_3, window_bounds = array<i64: 1, 8, 64>}, {transform_indices = @transform_4, window_bounds = array<i64: 1, 8, 64>}]} {
    %get3A = arith.constant 0 : index
    %get3A_0 = arith.constant 0 : index
    %get3A_1 = arith.constant 0 : index
    %get3A_2 = arith.constant 0 : index
    %get3A_3 = vector.load %arg1[%get3A, %get3A_0, %get3A_1, %get3A_2] : memref<1x2x224x224xf32, #tpu.memory_space<vmem>>, vector<1x1x224x224xf32>
    %get3A_4 = vector.shape_cast %get3A_3 : vector<1x1x224x224xf32> to vector<224x224xf32>
    %get3A_5 = arith.constant 0 : index
    %get3A_6 = arith.constant 1 : index
    %get3A_7 = arith.constant 0 : index
    %get3A_8 = arith.constant 0 : index
    %get3A_9 = vector.load %arg1[%get3A_5, %get3A_6, %get3A_7, %get3A_8] : memref<1x2x224x224xf32, #tpu.memory_space<vmem>>, vector<1x1x224x224xf32>
    %get3A_10 = vector.shape_cast %get3A_9 : vector<1x1x224x224xf32> to vector<224x224xf32>
    %floor3A = math.floor %get3A_10 : vector<224x224xf32>
    %floor3A_11 = math.floor %get3A_4 : vector<224x224xf32>
    %sub3A = arith.subf %get3A_10, %floor3A : vector<224x224xf32>
    %sub3A_12 = arith.subf %get3A_4, %floor3A_11 : vector<224x224xf32>
    %iota3A = tpu.iota {dimensions = array<i32: 0>} : vector<224x224xi32>
    %iota3A_13 = tpu.iota {dimensions = array<i32: 1>} : vector<224x224xi32>
    %convert_element_type3A = arith.fptosi %floor3A : vector<224x224xf32> to vector<224x224xi32>
    %add3A = arith.addi %convert_element_type3A, %iota3A : vector<224x224xi32>
    %convert_element_type3A_14 = arith.fptosi %floor3A_11 : vector<224x224xf32> to vector<224x224xi32>
    %add3A_15 = arith.addi %convert_element_type3A_14, %iota3A_13 : vector<224x224xi32>
    %add3A_16 = arith.constant 1 : i32
    %add3A_17 = vector.broadcast %add3A_16 : i32 to vector<224x224xi32>
    %add3A_18 = arith.addi %add3A, %add3A_17 : vector<224x224xi32>
    %add3A_19 = arith.constant 1 : i32
    %add3A_20 = vector.broadcast %add3A_19 : i32 to vector<224x224xi32>
    %add3A_21 = arith.addi %add3A_15, %add3A_20 : vector<224x224xi32>
    %mul3A = arith.constant 50176 : i32
    %mul3A_22 = arith.muli %arg0, %mul3A : i32
    %mul3A_23 = arith.constant 224 : i32
    %mul3A_24 = vector.broadcast %mul3A_23 : i32 to vector<224x224xi32>
    %mul3A_25 = arith.muli %iota3A, %mul3A_24 : vector<224x224xi32>
    %add3A_26 = vector.broadcast %mul3A_22 : i32 to vector<224x224xi32>
    %add3A_27 = arith.addi %add3A_26, %mul3A_25 : vector<224x224xi32>
    %add3A_28 = arith.addi %add3A_27, %iota3A_13 : vector<224x224xi32>
    %mul3A_29 = arith.mulf %sub3A, %sub3A : vector<224x224xf32>
    %sub3A_30 = arith.constant 1.000000e+00 : f32
    %sub3A_31 = vector.broadcast %sub3A_30 : f32 to vector<224x224xf32>
    %sub3A_32 = arith.subf %sub3A, %sub3A_31 : vector<224x224xf32>
    %sub3A_33 = arith.constant 1.000000e+00 : f32
    %sub3A_34 = vector.broadcast %sub3A_33 : f32 to vector<224x224xf32>
    %sub3A_35 = arith.subf %sub3A, %sub3A_34 : vector<224x224xf32>
    %mul3A_36 = arith.mulf %sub3A_32, %sub3A_35 : vector<224x224xf32>
    %mul3A_37 = arith.mulf %sub3A_12, %sub3A_12 : vector<224x224xf32>
    %sub3A_38 = arith.constant 1.000000e+00 : f32
    %sub3A_39 = vector.broadcast %sub3A_38 : f32 to vector<224x224xf32>
    %sub3A_40 = arith.subf %sub3A_12, %sub3A_39 : vector<224x224xf32>
    %sub3A_41 = arith.constant 1.000000e+00 : f32
    %sub3A_42 = vector.broadcast %sub3A_41 : f32 to vector<224x224xf32>
    %sub3A_43 = arith.subf %sub3A_12, %sub3A_42 : vector<224x224xf32>
    %mul3A_44 = arith.mulf %sub3A_40, %sub3A_43 : vector<224x224xf32>
    %ge3A = arith.constant 0 : i32
    %ge3A_45 = vector.broadcast %ge3A : i32 to vector<224x224xi32>
    %ge3A_46 = arith.cmpi sge, %add3A, %ge3A_45 : vector<224x224xi32>
    %lt3A = arith.constant 224 : i32
    %lt3A_47 = vector.broadcast %lt3A : i32 to vector<224x224xi32>
    %lt3A_48 = arith.cmpi slt, %add3A, %lt3A_47 : vector<224x224xi32>
    %and3A = arith.andi %ge3A_46, %lt3A_48 : vector<224x224xi1>
    %ge3A_49 = arith.constant 0 : i32
    %ge3A_50 = vector.broadcast %ge3A_49 : i32 to vector<224x224xi32>
    %ge3A_51 = arith.cmpi sge, %add3A_18, %ge3A_50 : vector<224x224xi32>
    %lt3A_52 = arith.constant 224 : i32
    %lt3A_53 = vector.broadcast %lt3A_52 : i32 to vector<224x224xi32>
    %lt3A_54 = arith.cmpi slt, %add3A_18, %lt3A_53 : vector<224x224xi32>
    %and3A_55 = arith.andi %ge3A_51, %lt3A_54 : vector<224x224xi1>
    %ge3A_56 = arith.constant 0 : i32
    %ge3A_57 = vector.broadcast %ge3A_56 : i32 to vector<224x224xi32>
    %ge3A_58 = arith.cmpi sge, %add3A_15, %ge3A_57 : vector<224x224xi32>
    %lt3A_59 = arith.constant 224 : i32
    %lt3A_60 = vector.broadcast %lt3A_59 : i32 to vector<224x224xi32>
    %lt3A_61 = arith.cmpi slt, %add3A_15, %lt3A_60 : vector<224x224xi32>
    %and3A_62 = arith.andi %ge3A_58, %lt3A_61 : vector<224x224xi1>
    %ge3A_63 = arith.constant 0 : i32
    %ge3A_64 = vector.broadcast %ge3A_63 : i32 to vector<224x224xi32>
    %ge3A_65 = arith.cmpi sge, %add3A_21, %ge3A_64 : vector<224x224xi32>
    %lt3A_66 = arith.constant 224 : i32
    %lt3A_67 = vector.broadcast %lt3A_66 : i32 to vector<224x224xi32>
    %lt3A_68 = arith.cmpi slt, %add3A_21, %lt3A_67 : vector<224x224xi32>
    %and3A_69 = arith.andi %ge3A_65, %lt3A_68 : vector<224x224xi1>
    %and3A_70 = arith.andi %and3A, %and3A_62 : vector<224x224xi1>
    %add3A_71 = arith.addf %mul3A_29, %mul3A_37 : vector<224x224xf32>
    %neg3A = arith.constant 0.000000e+00 : f32
    %neg3A_72 = vector.broadcast %neg3A : f32 to vector<224x224xf32>
    %neg3A_73 = arith.subf %neg3A_72, %add3A_71 : vector<224x224xf32>
    %exp3A = math.exp %neg3A_73 : vector<224x224xf32>
    %and3A_74 = arith.andi %and3A, %and3A_69 : vector<224x224xi1>
    %add3A_75 = arith.addf %mul3A_29, %mul3A_44 : vector<224x224xf32>
    %neg3A_76 = arith.constant 0.000000e+00 : f32
    %neg3A_77 = vector.broadcast %neg3A_76 : f32 to vector<224x224xf32>
    %neg3A_78 = arith.subf %neg3A_77, %add3A_75 : vector<224x224xf32>
    %exp3A_79 = math.exp %neg3A_78 : vector<224x224xf32>
    %and3A_80 = arith.andi %and3A_55, %and3A_62 : vector<224x224xi1>
    %add3A_81 = arith.addf %mul3A_36, %mul3A_37 : vector<224x224xf32>
    %neg3A_82 = arith.constant 0.000000e+00 : f32
    %neg3A_83 = vector.broadcast %neg3A_82 : f32 to vector<224x224xf32>
    %neg3A_84 = arith.subf %neg3A_83, %add3A_81 : vector<224x224xf32>
    %exp3A_85 = math.exp %neg3A_84 : vector<224x224xf32>
    %and3A_86 = arith.andi %and3A_55, %and3A_69 : vector<224x224xi1>
    %add3A_87 = arith.addf %mul3A_36, %mul3A_44 : vector<224x224xf32>
    %neg3A_88 = arith.constant 0.000000e+00 : f32
    %neg3A_89 = vector.broadcast %neg3A_88 : f32 to vector<224x224xf32>
    %neg3A_90 = arith.subf %neg3A_89, %add3A_87 : vector<224x224xf32>
    %exp3A_91 = math.exp %neg3A_90 : vector<224x224xf32>
    %mul3A_92 = arith.constant 50176 : i32
    %mul3A_93 = arith.muli %arg0, %mul3A_92 : i32
    %mul3A_94 = arith.constant 224 : i32
    %mul3A_95 = vector.broadcast %mul3A_94 : i32 to vector<224x224xi32>
    %mul3A_96 = arith.muli %add3A, %mul3A_95 : vector<224x224xi32>
    %add3A_97 = vector.broadcast %mul3A_93 : i32 to vector<224x224xi32>
    %add3A_98 = arith.addi %add3A_97, %mul3A_96 : vector<224x224xi32>
    %add3A_99 = arith.addi %add3A_98, %add3A_15 : vector<224x224xi32>
    %select_n3A = arith.select %and3A_70, %add3A_99, %add3A_28 : vector<224x224xi1>, vector<224x224xi32>
    %swap3A = arith.constant 0 : index
    %swap3A_100 = arith.constant 0 : index
    %swap3A_101 = arith.constant 0 : index
    %swap3A_102 = arith.constant 0 : index
    %swap3A_103 = vector.load %arg2[%swap3A, %swap3A_100, %swap3A_101, %swap3A_102] : memref<4x1x224x224xi32, #tpu.memory_space<vmem>>, vector<1x1x224x224xi32>
    %swap3A_104 = vector.shape_cast %swap3A_103 : vector<1x1x224x224xi32> to vector<224x224xi32>
    %swap3A_105 = vector.shape_cast %select_n3A : vector<224x224xi32> to vector<1x1x224x224xi32>
    tpu.vector_store %arg2[%swap3A, %swap3A_100, %swap3A_101, %swap3A_102], %swap3A_105 {strides = array<i32>} : memref<4x1x224x224xi32, #tpu.memory_space<vmem>>, vector<1x1x224x224xi32>,
    %jit3A = arith.constant 0.000000e+00 : f32
    %broadcast_in_dim3A = vector.broadcast %jit3A : f32 to vector<224x224xf32>
    %select_n3A_106 = arith.select %and3A_70, %exp3A, %broadcast_in_dim3A : vector<224x224xi1>, vector<224x224xf32>
    %swap3A_107 = arith.constant 0 : index
    %swap3A_108 = arith.constant 0 : index
    %swap3A_109 = arith.constant 0 : index
    %swap3A_110 = arith.constant 0 : index
    %swap3A_111 = vector.load %arg3[%swap3A_107, %swap3A_108, %swap3A_109, %swap3A_110] : memref<4x1x224x224xf32, #tpu.memory_space<vmem>>, vector<1x1x224x224xf32>
    %swap3A_112 = vector.shape_cast %swap3A_111 : vector<1x1x224x224xf32> to vector<224x224xf32>
    %swap3A_113 = vector.shape_cast %select_n3A_106 : vector<224x224xf32> to vector<1x1x224x224xf32>
    tpu.vector_store %arg3[%swap3A_107, %swap3A_108, %swap3A_109, %swap3A_110], %swap3A_113 {strides = array<i32>} : memref<4x1x224x224xf32, #tpu.memory_space<vmem>>, vector<1x1x224x224xf32>,
    %mul3A_114 = arith.constant 50176 : i32
    %mul3A_115 = arith.muli %arg0, %mul3A_114 : i32
    %mul3A_116 = arith.constant 224 : i32
    %mul3A_117 = vector.broadcast %mul3A_116 : i32 to vector<224x224xi32>
    %mul3A_118 = arith.muli %add3A, %mul3A_117 : vector<224x224xi32>
    %add3A_119 = vector.broadcast %mul3A_115 : i32 to vector<224x224xi32>
    %add3A_120 = arith.addi %add3A_119, %mul3A_118 : vector<224x224xi32>
    %add3A_121 = arith.addi %add3A_120, %add3A_21 : vector<224x224xi32>
    %select_n3A_122 = arith.select %and3A_74, %add3A_121, %add3A_28 : vector<224x224xi1>, vector<224x224xi32>
    %swap3A_123 = arith.constant 1 : index
    %swap3A_124 = arith.constant 0 : index
    %swap3A_125 = arith.constant 0 : index
    %swap3A_126 = arith.constant 0 : index
    %swap3A_127 = vector.load %arg2[%swap3A_123, %swap3A_124, %swap3A_125, %swap3A_126] : memref<4x1x224x224xi32, #tpu.memory_space<vmem>>, vector<1x1x224x224xi32>
    %swap3A_128 = vector.shape_cast %swap3A_127 : vector<1x1x224x224xi32> to vector<224x224xi32>
    %swap3A_129 = vector.shape_cast %select_n3A_122 : vector<224x224xi32> to vector<1x1x224x224xi32>
    tpu.vector_store %arg2[%swap3A_123, %swap3A_124, %swap3A_125, %swap3A_126], %swap3A_129 {strides = array<i32>} : memref<4x1x224x224xi32, #tpu.memory_space<vmem>>, vector<1x1x224x224xi32>,
    %jit3A_130 = arith.constant 0.000000e+00 : f32
    %broadcast_in_dim3A_131 = vector.broadcast %jit3A_130 : f32 to vector<224x224xf32>
    %select_n3A_132 = arith.select %and3A_74, %exp3A_79, %broadcast_in_dim3A_131 : vector<224x224xi1>, vector<224x224xf32>
    %swap3A_133 = arith.constant 1 : index
    %swap3A_134 = arith.constant 0 : index
    %swap3A_135 = arith.constant 0 : index
    %swap3A_136 = arith.constant 0 : index
    %swap3A_137 = vector.load %arg3[%swap3A_133, %swap3A_134, %swap3A_135, %swap3A_136] : memref<4x1x224x224xf32, #tpu.memory_space<vmem>>, vector<1x1x224x224xf32>
    %swap3A_138 = vector.shape_cast %swap3A_137 : vector<1x1x224x224xf32> to vector<224x224xf32>
    %swap3A_139 = vector.shape_cast %select_n3A_132 : vector<224x224xf32> to vector<1x1x224x224xf32>
    tpu.vector_store %arg3[%swap3A_133, %swap3A_134, %swap3A_135, %swap3A_136], %swap3A_139 {strides = array<i32>} : memref<4x1x224x224xf32, #tpu.memory_space<vmem>>, vector<1x1x224x224xf32>,
    %min3A = arith.minsi %select_n3A, %select_n3A_122 : vector<224x224xi32>
    %max3A = arith.maxsi %select_n3A, %select_n3A_122 : vector<224x224xi32>
    %mul3A_140 = arith.constant 50176 : i32
    %mul3A_141 = arith.muli %arg0, %mul3A_140 : i32
    %mul3A_142 = arith.constant 224 : i32
    %mul3A_143 = vector.broadcast %mul3A_142 : i32 to vector<224x224xi32>
    %mul3A_144 = arith.muli %add3A_18, %mul3A_143 : vector<224x224xi32>
    %add3A_145 = vector.broadcast %mul3A_141 : i32 to vector<224x224xi32>
    %add3A_146 = arith.addi %add3A_145, %mul3A_144 : vector<224x224xi32>
    %add3A_147 = arith.addi %add3A_146, %add3A_15 : vector<224x224xi32>
    %select_n3A_148 = arith.select %and3A_80, %add3A_147, %add3A_28 : vector<224x224xi1>, vector<224x224xi32>
    %swap3A_149 = arith.constant 2 : index
    %swap3A_150 = arith.constant 0 : index
    %swap3A_151 = arith.constant 0 : index
    %swap3A_152 = arith.constant 0 : index
    %swap3A_153 = vector.load %arg2[%swap3A_149, %swap3A_150, %swap3A_151, %swap3A_152] : memref<4x1x224x224xi32, #tpu.memory_space<vmem>>, vector<1x1x224x224xi32>
    %swap3A_154 = vector.shape_cast %swap3A_153 : vector<1x1x224x224xi32> to vector<224x224xi32>
    %swap3A_155 = vector.shape_cast %select_n3A_148 : vector<224x224xi32> to vector<1x1x224x224xi32>
    tpu.vector_store %arg2[%swap3A_149, %swap3A_150, %swap3A_151, %swap3A_152], %swap3A_155 {strides = array<i32>} : memref<4x1x224x224xi32, #tpu.memory_space<vmem>>, vector<1x1x224x224xi32>,
    %jit3A_156 = arith.constant 0.000000e+00 : f32
    %broadcast_in_dim3A_157 = vector.broadcast %jit3A_156 : f32 to vector<224x224xf32>
    %select_n3A_158 = arith.select %and3A_80, %exp3A_85, %broadcast_in_dim3A_157 : vector<224x224xi1>, vector<224x224xf32>
    %swap3A_159 = arith.constant 2 : index
    %swap3A_160 = arith.constant 0 : index
    %swap3A_161 = arith.constant 0 : index
    %swap3A_162 = arith.constant 0 : index
    %swap3A_163 = vector.load %arg3[%swap3A_159, %swap3A_160, %swap3A_161, %swap3A_162] : memref<4x1x224x224xf32, #tpu.memory_space<vmem>>, vector<1x1x224x224xf32>
    %swap3A_164 = vector.shape_cast %swap3A_163 : vector<1x1x224x224xf32> to vector<224x224xf32>
    %swap3A_165 = vector.shape_cast %select_n3A_158 : vector<224x224xf32> to vector<1x1x224x224xf32>
    tpu.vector_store %arg3[%swap3A_159, %swap3A_160, %swap3A_161, %swap3A_162], %swap3A_165 {strides = array<i32>} : memref<4x1x224x224xf32, #tpu.memory_space<vmem>>, vector<1x1x224x224xf32>,
    %min3A_166 = arith.minsi %min3A, %select_n3A_148 : vector<224x224xi32>
    %max3A_167 = arith.maxsi %max3A, %select_n3A_148 : vector<224x224xi32>
    %mul3A_168 = arith.constant 50176 : i32
    %mul3A_169 = arith.muli %arg0, %mul3A_168 : i32
    %mul3A_170 = arith.constant 224 : i32
    %mul3A_171 = vector.broadcast %mul3A_170 : i32 to vector<224x224xi32>
    %mul3A_172 = arith.muli %add3A_18, %mul3A_171 : vector<224x224xi32>
    %add3A_173 = vector.broadcast %mul3A_169 : i32 to vector<224x224xi32>
    %add3A_174 = arith.addi %add3A_173, %mul3A_172 : vector<224x224xi32>
    %add3A_175 = arith.addi %add3A_174, %add3A_21 : vector<224x224xi32>
    %select_n3A_176 = arith.select %and3A_86, %add3A_175, %add3A_28 : vector<224x224xi1>, vector<224x224xi32>
    %swap3A_177 = arith.constant 3 : index
    %swap3A_178 = arith.constant 0 : index
    %swap3A_179 = arith.constant 0 : index
    %swap3A_180 = arith.constant 0 : index
    %swap3A_181 = vector.load %arg2[%swap3A_177, %swap3A_178, %swap3A_179, %swap3A_180] : memref<4x1x224x224xi32, #tpu.memory_space<vmem>>, vector<1x1x224x224xi32>
    %swap3A_182 = vector.shape_cast %swap3A_181 : vector<1x1x224x224xi32> to vector<224x224xi32>
    %swap3A_183 = vector.shape_cast %select_n3A_176 : vector<224x224xi32> to vector<1x1x224x224xi32>
    tpu.vector_store %arg2[%swap3A_177, %swap3A_178, %swap3A_179, %swap3A_180], %swap3A_183 {strides = array<i32>} : memref<4x1x224x224xi32, #tpu.memory_space<vmem>>, vector<1x1x224x224xi32>,
    %jit3A_184 = arith.constant 0.000000e+00 : f32
    %broadcast_in_dim3A_185 = vector.broadcast %jit3A_184 : f32 to vector<224x224xf32>
    %select_n3A_186 = arith.select %and3A_86, %exp3A_91, %broadcast_in_dim3A_185 : vector<224x224xi1>, vector<224x224xf32>
    %swap3A_187 = arith.constant 3 : index
    %swap3A_188 = arith.constant 0 : index
    %swap3A_189 = arith.constant 0 : index
    %swap3A_190 = arith.constant 0 : index
    %swap3A_191 = vector.load %arg3[%swap3A_187, %swap3A_188, %swap3A_189, %swap3A_190] : memref<4x1x224x224xf32, #tpu.memory_space<vmem>>, vector<1x1x224x224xf32>
    %swap3A_192 = vector.shape_cast %swap3A_191 : vector<1x1x224x224xf32> to vector<224x224xf32>
    %swap3A_193 = vector.shape_cast %select_n3A_186 : vector<224x224xf32> to vector<1x1x224x224xf32>
    tpu.vector_store %arg3[%swap3A_187, %swap3A_188, %swap3A_189, %swap3A_190], %swap3A_193 {strides = array<i32>} : memref<4x1x224x224xf32, #tpu.memory_space<vmem>>, vector<1x1x224x224xf32>,
    %min3A_194 = arith.minsi %min3A_166, %select_n3A_176 : vector<224x224xi32>
    %max3A_195 = arith.maxsi %max3A_167, %select_n3A_176 : vector<224x224xi32>
    %reshape3A = vector.shape_cast %min3A_194 : vector<224x224xi32> to vector<56x4x224xi32>
    %reduce_min3A = arith.constant dense<2147483647> : vector<56x224xi32>
    %reduce_min3A_196 = vector.multi_reduction <minsi>, %reshape3A, %reduce_min3A [1] : vector<56x4x224xi32> to vector<56x224xi32>
    %reduce_min3A_197 = arith.constant dense<2147483647> : vector<56xi32>
    %reduce_min3A_198 = vector.multi_reduction <minsi>, %reduce_min3A_196, %reduce_min3A_197 [1] : vector<56x224xi32> to vector<56xi32>
    %reshape3A_199 = vector.shape_cast %max3A_195 : vector<224x224xi32> to vector<56x4x224xi32>
    %reduce_max3A = arith.constant dense<-2147483648> : vector<56x224xi32>
    %reduce_max3A_200 = vector.multi_reduction <maxsi>, %reshape3A_199, %reduce_max3A [1] : vector<56x4x224xi32> to vector<56x224xi32>
    %reduce_max3A_201 = arith.constant dense<-2147483648> : vector<56xi32>
    %reduce_max3A_202 = vector.multi_reduction <maxsi>, %reduce_max3A_200, %reduce_max3A_201 [1] : vector<56x224xi32> to vector<56xi32>
    %broadcast_in_dim3A_203 = arith.constant 1073741824 : i32
    %broadcast_in_dim3A_204 = vector.broadcast %broadcast_in_dim3A_203 : i32 to vector<8xi32>
    %concatenate3A = tpu.concatenate %reduce_min3A_198, %broadcast_in_dim3A_204 in 0 : vector<56xi32>, vector<8xi32> -> vector<64xi32>
    %swap3A_205 = arith.constant 0 : index
    %swap3A_206 = arith.constant 0 : index
    %swap3A_207 = arith.constant 0 : index
    %swap3A_208 = vector.load %arg4[%swap3A_205, %swap3A_206, %swap3A_207] : memref<1x8x64xi32, #tpu.memory_space<vmem>>, vector<1x1x64xi32>
    %swap3A_209 = vector.shape_cast %swap3A_208 : vector<1x1x64xi32> to vector<64xi32>
    %swap3A_210 = vector.shape_cast %concatenate3A : vector<64xi32> to vector<1x1x64xi32>
    tpu.vector_store %arg4[%swap3A_205, %swap3A_206, %swap3A_207], %swap3A_210 {strides = array<i32>} : memref<1x8x64xi32, #tpu.memory_space<vmem>>, vector<1x1x64xi32>,
    %broadcast_in_dim3A_211 = arith.constant -1 : i32
    %broadcast_in_dim3A_212 = vector.broadcast %broadcast_in_dim3A_211 : i32 to vector<8xi32>
    %concatenate3A_213 = tpu.concatenate %reduce_max3A_202, %broadcast_in_dim3A_212 in 0 : vector<56xi32>, vector<8xi32> -> vector<64xi32>
    %swap3A_214 = arith.constant 0 : index
    %swap3A_215 = arith.constant 0 : index
    %swap3A_216 = arith.constant 0 : index
    %swap3A_217 = vector.load %arg5[%swap3A_214, %swap3A_215, %swap3A_216] : memref<1x8x64xi32, #tpu.memory_space<vmem>>, vector<1x1x64xi32>
    %swap3A_218 = vector.shape_cast %swap3A_217 : vector<1x1x64xi32> to vector<64xi32>
    %swap3A_219 = vector.shape_cast %concatenate3A_213 : vector<64xi32> to vector<1x1x64xi32>
    tpu.vector_store %arg5[%swap3A_214, %swap3A_215, %swap3A_216], %swap3A_219 {strides = array<i32>} : memref<1x8x64xi32, #tpu.memory_space<vmem>>, vector<1x1x64xi32>,
    return
  }
  func.func @transform_0(%arg0: i32) -> (i32, i32, i32, i32) {
    %c0_i32 = arith.constant 0 : i32
    %c0_i32_0 = arith.constant 0 : i32
    %c0_i32_1 = arith.constant 0 : i32
    %c0_i32_2 = arith.constant 0 : i32
    return %arg0, %c0_i32, %c0_i32_0, %c0_i32_1 : i32, i32, i32, i32
  }
  func.func @transform_1(%arg0: i32) -> (i32, i32, i32, i32) {
    %c0_i32 = arith.constant 0 : i32
    %c0_i32_0 = arith.constant 0 : i32
    %c0_i32_1 = arith.constant 0 : i32
    %c0_i32_2 = arith.constant 0 : i32
    return %c0_i32, %arg0, %c0_i32_0, %c0_i32_1 : i32, i32, i32, i32
  }
  func.func @transform_2(%arg0: i32) -> (i32, i32, i32, i32) {
    %c0_i32 = arith.constant 0 : i32
    %c0_i32_0 = arith.constant 0 : i32
    %c0_i32_1 = arith.constant 0 : i32
    %c0_i32_2 = arith.constant 0 : i32
    return %c0_i32, %arg0, %c0_i32_0, %c0_i32_1 : i32, i32, i32, i32
  }
  func.func @transform_3(%arg0: i32) -> (i32, i32, i32) {
    %c0_i32 = arith.constant 0 : i32
    %c0_i32_0 = arith.constant 0 : i32
    %c0_i32_1 = arith.constant 0 : i32
    return %arg0, %c0_i32, %c0_i32_0 : i32, i32, i32
  }
  func.func @transform_4(%arg0: i32) -> (i32, i32, i32) {
    %c0_i32 = arith.constant 0 : i32
    %c0_i32_0 = arith.constant 0 : i32
    %c0_i32_1 = arith.constant 0 : i32
    return %arg0, %c0_i32, %c0_i32_0 : i32, i32, i32
  }
}

module attributes {stable_mosaic.version = 14 : i64} {
  func.func @_tin_body(%arg0: i32, %arg1: i32, %arg2: memref<1x96x32x224xf32, #tpu.memory_space<vmem>>, %arg3: memref<7168x128xf32, #tpu.memory_space<vmem>>) attributes {dimension_semantics = [#tpu.dimension_semantics<arbitrary>, #tpu.dimension_semantics<arbitrary>], iteration_bounds = array<i64: 4, 7>, scalar_prefetch = 0 : i64, scratch_operands = 0 : i64, tpu.core_type = #tpu.core_type<tc>, window_params = [{transform_indices = @transform_0, window_bounds = array<i64: 1, 96, 32, 224>}, {transform_indices = @transform_1, window_bounds = array<i64: 7168, 128>}]} {
    %get3A = arith.constant 0 : index
    %get3A_0 = arith.constant 0 : index
    %get3A_1 = arith.constant 0 : index
    %get3A_2 = arith.constant 0 : index
    %get3A_3 = vector.load %arg2[%get3A, %get3A_0, %get3A_1, %get3A_2] : memref<1x96x32x224xf32, #tpu.memory_space<vmem>>, vector<1x96x32x224xf32>
    %get3A_4 = vector.shape_cast %get3A_3 : vector<1x96x32x224xf32> to vector<96x32x224xf32>
    %reshape3A = vector.shape_cast %get3A_4 : vector<96x32x224xf32> to vector<96x7168xf32>
    %broadcast_in_dim3A = arith.constant 0.000000e+00 : f32
    %broadcast_in_dim3A_5 = vector.broadcast %broadcast_in_dim3A : f32 to vector<32x7168xf32>
    %concatenate3A = tpu.concatenate %reshape3A, %broadcast_in_dim3A_5 in 0 : vector<96x7168xf32>, vector<32x7168xf32> -> vector<128x7168xf32>
    %transpose3A = tpu.transpose %concatenate3A, [1, 0] : vector<128x7168xf32> -> vector<7168x128xf32>
    %swap3A = arith.constant 0 : index
    %swap3A_6 = arith.constant 0 : index
    %swap3A_7 = vector.load %arg3[%swap3A, %swap3A_6] : memref<7168x128xf32, #tpu.memory_space<vmem>>, vector<7168x128xf32>
    tpu.vector_store %arg3[%swap3A, %swap3A_6], %transpose3A {strides = array<i32>} : memref<7168x128xf32, #tpu.memory_space<vmem>>, vector<7168x128xf32>,
    return
  }
  func.func @transform_0(%arg0: i32, %arg1: i32) -> (i32, i32, i32, i32) {
    %c0_i32 = arith.constant 0 : i32
    %c0_i32_0 = arith.constant 0 : i32
    %c0_i32_1 = arith.constant 0 : i32
    return %arg0, %c0_i32, %arg1, %c0_i32_0 : i32, i32, i32, i32
  }
  func.func @transform_1(%arg0: i32, %arg1: i32) -> (i32, i32) {
    %mul3A = arith.constant 7 : i32
    %mul3A_0 = arith.muli %arg0, %mul3A : i32
    %add3A = arith.addi %mul3A_0, %arg1 : i32
    %c0_i32 = arith.constant 0 : i32
    %c0_i32_1 = arith.constant 0 : i32
    return %add3A, %c0_i32 : i32, i32
  }
}

module attributes {stable_mosaic.version = 14 : i64} {
  func.func @_post_body(%arg0: i32, %arg1: i32, %arg2: memref<7168x128xf32, #tpu.memory_space<vmem>>, %arg3: memref<7168xf32, #tpu.memory_space<vmem>>, %arg4: memref<1x96x32x224xf32, #tpu.memory_space<vmem>>, %arg5: memref<1x96x32x224xf32, #tpu.memory_space<vmem>>) attributes {dimension_semantics = [#tpu.dimension_semantics<arbitrary>, #tpu.dimension_semantics<arbitrary>], iteration_bounds = array<i64: 4, 7>, scalar_prefetch = 0 : i64, scratch_operands = 0 : i64, tpu.core_type = #tpu.core_type<tc>, window_params = [{transform_indices = @transform_0, window_bounds = array<i64: 7168, 128>}, {transform_indices = @transform_1, window_bounds = array<i64: 7168>}, {transform_indices = @transform_2, window_bounds = array<i64: 1, 96, 32, 224>}, {transform_indices = @transform_3, window_bounds = array<i64: 1, 96, 32, 224>}]} {
    %get3A = arith.constant 0 : index
    %get3A_0 = arith.constant 0 : index
    %get3A_1 = vector.load %arg2[%get3A, %get3A_0] : memref<7168x128xf32, #tpu.memory_space<vmem>>, vector<7168x128xf32>
    %transpose3A = tpu.transpose %get3A_1, [1, 0] : vector<7168x128xf32> -> vector<128x7168xf32>
    %slice3A = vector.extract_strided_slice %transpose3A {offsets = [0, 0], sizes = [96, 7168], strides = [1, 1]} : vector<128x7168xf32> to vector<96x7168xf32>
    %reshape3A = vector.shape_cast %slice3A : vector<96x7168xf32> to vector<96x32x224xf32>
    %swap3A = arith.constant 0 : index
    %swap3A_2 = arith.constant 0 : index
    %swap3A_3 = arith.constant 0 : index
    %swap3A_4 = arith.constant 0 : index
    %swap3A_5 = vector.load %arg4[%swap3A, %swap3A_2, %swap3A_3, %swap3A_4] : memref<1x96x32x224xf32, #tpu.memory_space<vmem>>, vector<1x96x32x224xf32>
    %swap3A_6 = vector.shape_cast %swap3A_5 : vector<1x96x32x224xf32> to vector<96x32x224xf32>
    %swap3A_7 = vector.shape_cast %reshape3A : vector<96x32x224xf32> to vector<1x96x32x224xf32>
    tpu.vector_store %arg4[%swap3A, %swap3A_2, %swap3A_3, %swap3A_4], %swap3A_7 {strides = array<i32>} : memref<1x96x32x224xf32, #tpu.memory_space<vmem>>, vector<1x96x32x224xf32>,
    %get3A_8 = arith.constant 0 : index
    %get3A_9 = vector.load %arg3[%get3A_8] : memref<7168xf32, #tpu.memory_space<vmem>>, vector<7168xf32>
    %broadcast_in_dim3A = vector.shape_cast %get3A_9 : vector<7168xf32> to vector<1x7168xf32>
    %broadcast_in_dim3A_10 = vector.shape_cast %broadcast_in_dim3A : vector<1x7168xf32> to vector<1x7168xf32>
    %broadcast_in_dim3A_11 = vector.broadcast %broadcast_in_dim3A_10 : vector<1x7168xf32> to vector<96x7168xf32>
    %reshape3A_12 = vector.shape_cast %broadcast_in_dim3A_11 : vector<96x7168xf32> to vector<96x32x224xf32>
    %swap3A_13 = arith.constant 0 : index
    %swap3A_14 = arith.constant 0 : index
    %swap3A_15 = arith.constant 0 : index
    %swap3A_16 = arith.constant 0 : index
    %swap3A_17 = vector.load %arg5[%swap3A_13, %swap3A_14, %swap3A_15, %swap3A_16] : memref<1x96x32x224xf32, #tpu.memory_space<vmem>>, vector<1x96x32x224xf32>
    %swap3A_18 = vector.shape_cast %swap3A_17 : vector<1x96x32x224xf32> to vector<96x32x224xf32>
    %swap3A_19 = vector.shape_cast %reshape3A_12 : vector<96x32x224xf32> to vector<1x96x32x224xf32>
    tpu.vector_store %arg5[%swap3A_13, %swap3A_14, %swap3A_15, %swap3A_16], %swap3A_19 {strides = array<i32>} : memref<1x96x32x224xf32, #tpu.memory_space<vmem>>, vector<1x96x32x224xf32>,
    return
  }
  func.func @transform_0(%arg0: i32, %arg1: i32) -> (i32, i32) {
    %mul3A = arith.constant 7 : i32
    %mul3A_0 = arith.muli %arg0, %mul3A : i32
    %add3A = arith.addi %mul3A_0, %arg1 : i32
    %c0_i32 = arith.constant 0 : i32
    %c0_i32_1 = arith.constant 0 : i32
    return %add3A, %c0_i32 : i32, i32
  }
  func.func @transform_1(%arg0: i32, %arg1: i32) -> i32 {
    %mul3A = arith.constant 7 : i32
    %mul3A_0 = arith.muli %arg0, %mul3A : i32
    %add3A = arith.addi %mul3A_0, %arg1 : i32
    %c0_i32 = arith.constant 0 : i32
    return %add3A : i32
  }
  func.func @transform_2(%arg0: i32, %arg1: i32) -> (i32, i32, i32, i32) {
    %c0_i32 = arith.constant 0 : i32
    %c0_i32_0 = arith.constant 0 : i32
    %c0_i32_1 = arith.constant 0 : i32
    return %arg0, %c0_i32, %arg1, %c0_i32_0 : i32, i32, i32, i32
  }
  func.func @transform_3(%arg0: i32, %arg1: i32) -> (i32, i32, i32, i32) {
    %c0_i32 = arith.constant 0 : i32
    %c0_i32_0 = arith.constant 0 : i32
    %c0_i32_1 = arith.constant 0 : i32
    return %arg0, %c0_i32, %arg1, %c0_i32_0 : i32, i32, i32, i32
  }
}

</mosaic_0001>

<sc_bundles>
// kernel: kernel.6.cloned.1.call-start
scs
__scs_entry_jumppad:
0x0: {  	(pc) =	sbr.rel $0x88, $3  }
0x1: {  	(tag) =	ssettag $0x0;
	lr =	simm.s32 $0x1  }
0x2: {  	[smem:$0x3F9F] =	sst lr;
	_ =	strace $0xD0000000  }
0x3: {  	_ = 	snop  }
0x4: {  	_ = 	snop  }
0x5: {  	_ = 	snop  }
0x6: {  	_ = 	snop  }
0x7: {  	_ = 	snop  }
__scs_overlays_trampoline_lowered:
0x8: {  	[smem:$0x3FAE] =	sst s0  }
0x9: {  	[smem:$0x3FAF] =	sst s1  }
0xa: {  	[smem:$0x3FB0] =	sst s2  }
0xb: {  	[smem:$0x3FB1] =	sst s3  }
0xc: {  	[smem:$0x3FB2] =	sst s4  }
0xd: {  	[smem:$0x3FB3] =	sst s5  }
0xe: {  	[smem:$0x3FB4] =	sst s6  }
0xf: {  	[smem:$0x3FB5] =	sst s7  }
0x10: {  	[smem:$0x3FB6] =	sst s8  }
0x11: {  	[smem:$0x3FB7] =	sst s9;
	s0 =	simm.s32 @!p0 $0x0  }
0x12: {  	s1 =	sld [smem:$0x3F9D];
	s0 =	simm.s32 @p0 $0x1  }
0x13: {  	[smem:$0x3FB8] =	sst s0;
	s0 =	simm.s32 @!p1 $0x0  }
0x14: {  	s2 =	sld [smem:$0x3F9C];
	s0 =	simm.s32 @p1 $0x1  }
0x15: {  	[smem:$0x3FB9] =	sst s0;
	s0 =	simm.s32 @!p2 $0x0  }
0x16: {  	s3 =	sld [smem:$0x3FDB];
	s0 =	simm.s32 @p2 $0x1  }
0x17: {  	s4 =	simm.s32 $0x1BF5;
	[smem:$0x3FBB] =	sst s0  }
0x18: {  	s0 =	sld [smem:$0x3F9E];
	_ =	swait.ge [sflag:s4], $0x0  }
0x19: {  	s7 =	sld [smem:$0x3F9F]  }
0x1a: {  	s8 =	sadd.s32 $0xFFFFE003, lr  }
0x1b: {  	s9 =	sadd.s32 $0xFFFFFEF7, lr;
	s5 =	simm.s32 $0xFFFFFFFF;
	p2 =	slt.u32 s8, $0xFFFFF086  }
0x1c: {  	p1 =	slt.u32 s9, $0xF7A;
	s5 =	simm.s32 @!p2 $0x0  }
0x1d: {  	s5 =	simm.s32 @p1 $0x1;
	p0 =	seq.s32 s7, s2  }
0x1e: {  	s7 =	smul.u32 @!p0 $0xF7A, s2;
	p2 =	seq.s32 @!p0 s5, $0x0  }
0x1f: {  	s9 =	smul.u32 $0xF7A, s1;
	s8 =	simm.s32 @!p0 $0x1BF5;
	p2 =	por !p2, p0  }
0x20: {  	[sflag:s8] =	ssyncset.s32 @!p0 $0xFFFFF086;
	s6 =	sadd.s32 @!p0 s3, s7;
	s7 =	simm.s32 @!p0 $0x108  }
0x21: {  	s3 =	sadd.s32 s3, s9;
	s6 =	sadd.s32 @!p0 $0x88, s6;
	s7 =	simm.s32 @p2 $0x1082  }
0x22: {  	[simem:s7], [sflag:s8] =	dma.local @!p0 [hbm:s6], $0xF7A  }
0x23: {  	s9 =	sor.u32 $0xD0000000, s2;
	s6 =	simm.s32 $0x108;
	_ =	swait.ge @!p0 [sflag:s8], $0x0  }
0x24: {  	s3 =	sadd.s32 $0x88, s3;
	s6 =	simm.s32 @!p1 $0x1082;
	[sflag:s4] =	ssyncset.s32 $0xFFFFF086  }
0x25: {  	[simem:s6], [sflag:s4] =	dma.local [hbm:s3], $0xF7A  }
0x26: {  	[smem:$0x3F9F] =	sst s1;
	(tag) =	ssettag s2;
	_ =	strace s9  }
0x27: {  	s1 =	sld [smem:$0x3FAF]  }
0x28: {  	s2 =	sld [smem:$0x3FB0]  }
0x29: {  	s4 =	sld [smem:$0x3FB2]  }
0x2a: {  	p0 =	seq.s32 s5, $0x0;
	s5 =	sld [smem:$0x3FB3]  }
0x2b: {  	s6 =	sld [smem:$0x3FB4]  }
0x2c: {  	s7 =	sld [smem:$0x3FB5]  }
0x2d: {  	s3 =	simm.s32 $0x108;
	s8 =	sld [smem:$0x3FB6]  }
0x2e: {  	s3 =	simm.s32 @!p0 $0x1082;
	s9 =	sld [smem:$0x3FB7]  }
0x2f: {  	lr =	sadd.s32 s0, s3;
	s0 =	sld [smem:$0x3FAE]  }
0x30: {  	s3 =	sld [smem:$0x3FB1]  }
0x31: {  	[smem:$0x3FBA] =	sst s10  }
0x32: {  	s10 =	sld [smem:$0x3FB8];
	_ =	sdelay $0x3  }
0x33: {  	p0 =	seq.s32 s10, $0x1;
	s10 =	sld [smem:$0x3FBA];
	_ =	sdelay $0x3  }
0x34: {  	[smem:$0x3FBA] =	sst s10  }
0x35: {  	s10 =	sld [smem:$0x3FB9];
	_ =	sdelay $0x3  }
0x36: {  	p1 =	seq.s32 s10, $0x1;
	s10 =	sld [smem:$0x3FBA];
	_ =	sdelay $0x3  }
0x37: {  	[smem:$0x3FBA] =	sst s10  }
0x38: {  	s10 =	sld [smem:$0x3FBB]  }
0x39: {  	_ = 	snop;
	(pc) =	sbr.ind lr, $3  }
0x3a: {  	_ = 	snop  }
0x3b: {  	_ = 	snop  }
0x3c: {  	p2 =	seq.s32 s10, $0x1;
	s10 =	sld [smem:$0x3FBA]  }
0x3d: {  	_ =	shalt  }
0x3e: {  	_ =	shalt  }
0x3f: {  	_ =	shalt  }
0x40: {  	_ =	shalt  }
0x41: {  	_ =	shalt  }
0x42: {  	_ =	shalt  }
0x43: {  	_ =	shalt  }
0x44: {  	_ =	shalt  }
0x45: {  	_ =	shalt  }
0x46: {  	_ =	shalt  }
0x47: {  	_ =	shalt  }
0x48: {  	_ =	shalt  }
0x49: {  	_ =	shalt  }
0x4a: {  	_ =	shalt  }
0x4b: {  	_ =	shalt  }
0x4c: {  	_ =	shalt  }
0x4d: {  	_ =	shalt  }
0x4e: {  	_ =	shalt  }
0x4f: {  	_ =	shalt  }
0x50: {  	_ =	shalt  }
0x51: {  	_ =	shalt  }
0x52: {  	_ =	shalt  }
0x53: {  	_ =	shalt  }
0x54: {  	_ =	shalt  }
0x55: {  	_ =	shalt  }
0x56: {  	_ =	shalt  }
0x57: {  	_ =	shalt  }
0x58: {  	_ =	shalt  }
0x59: {  	_ =	shalt  }
0x5a: {  	_ =	shalt  }
0x5b: {  	_ =	shalt  }
0x5c: {  	_ =	shalt  }
0x5d: {  	_ =	shalt  }
0x5e: {  	_ =	shalt  }
0x5f: {  	_ =	shalt  }
0x60: {  	_ =	shalt  }
0x61: {  	_ =	shalt  }
0x62: {  	_ =	shalt  }
0x63: {  	_ =	shalt  }
0x64: {  	_ =	shalt  }
0x65: {  	_ =	shalt  }
0x66: {  	_ =	shalt  }
0x67: {  	_ =	shalt  }
0x68: {  	_ =	shalt  }
0x69: {  	_ =	shalt  }
0x6a: {  	_ =	shalt  }
0x6b: {  	_ =	shalt  }
0x6c: {  	_ =	shalt  }
0x6d: {  	_ =	shalt  }
0x6e: {  	_ =	shalt  }
0x6f: {  	_ =	shalt  }
0x70: {  	_ =	shalt  }
0x71: {  	_ =	shalt  }
0x72: {  	_ =	shalt  }
0x73: {  	_ =	shalt  }
0x74: {  	_ =	shalt  }
0x75: {  	_ =	shalt  }
0x76: {  	_ =	shalt  }
0x77: {  	_ =	shalt  }
0x78: {  	_ =	shalt  }
0x79: {  	_ =	shalt  }
0x7a: {  	_ =	shalt  }
0x7b: {  	_ =	shalt  }
0x7c: {  	_ =	shalt  }
0x7d: {  	_ =	shalt  }
0x7e: {  	_ =	shalt  }
0x7f: {  	_ =	shalt  }
0x80: {  	_ =	shalt  }
0x81: {  	_ =	shalt  }
0x82: {  	_ =	shalt  }
0x83: {  	_ =	shalt  }
0x84: {  	_ =	shalt  }
0x85: {  	_ =	shalt  }
0x86: {  	_ =	shalt  }
0x87: {  	_ =	shalt  }
.Lfunc_end0:
.L_simem_size_0:
called_computation_lowered:
.L_overlay_start_0:
0x88: {  	s2 =	sld [smem:$0x3FD9]  }
0x89: {  	s3 =	sld [smem:$0x3FFE];
	_ =	sdelay $0x1  }
0x8a: {  	s1 =	srdreg.scid  }
0x8b: {  	s0 =	sand.u32 $0x1, s1  }
0x8c: {  	s14 =	sshll.u32 s0, $0xA;
	s2 =	sadd.s32 s3, s2  }
0x8d: {  	s2 =	sadd.s32 s2, s14  }
0x8e: {  	[smem:$0x3FC6] =	sst s2  }
0x8f: {  	_ = 	snop  }
0x90: {  	s2 =	sld [smem:$0x3FD0];
	_ =	sdelay $0x2  }
0x91: {  	s15 =	simm.s32 $0xA;
	s4 =	simm.s32 $0x10  }
0x92: {  	[smem:s4], [sflag:s15] =	dma.local [hbm:s2], $0x1  }
0x93: {  	_ =	swait.eq [sflag:s15], $0x1  }
0x94: {  	[sflag:s15] =	ssyncset.done $0x0  }
0x95: {  	s16 =	sld [smem:$0x10];
	[sflag:s15] =	ssyncadd.s32 $0xFFFFFFFF  }
0x96: {  	s17 =	sld [smem:$0x11];
	(tm) =	ssettm $0x1  }
0x97: {  	s18 =	sld [smem:$0x3FFB];
	_ =	sdelay $0x3  }
0x98: {  	_ =	strace s18  }
0x99: {  	s4 =	sld [smem:$0x3FFC];
	_ =	sdelay $0x3  }
0x9a: {  	_ =	strace s4  }
0x9b: {  	s4 =	sld [smem:$0x3FFD];
	_ =	sdelay $0x3  }
0x9c: {  	_ =	strace s4  }
0x9d: {  	_ =	strace $0x8FFFFFFF  }
0x9e: {  	s19 =	sld [smem:$0x3FDB];
	_ =	sdelay $0x1  }
0x9f: {  	s5 =	simm.s32 $_scs_section_size  }
0xa0: {  	s6 =	simm.s32 $_size__tile_overlayer_lowered;
	s7 =	simm.s32 $_tile_overlayer_lowered  }
0xa1: {  	s22 =	simm.s32 $0x1BFF;
	s21 =	sshll.u32 s7, $0x1;
	s4 =	sadd.s32 s5, s19  }
0xa2: {  	s8 =	simm.s32 $0x0;
	s20 =	sshll.u32 s6, $0x1;
	s6 =	sadd.s32 s21, s4  }
0xa3: {  	[timem:s8], [sflag:s22] =	dma.local [hbm:s6], s20  }
0xa4: {  	_ =	swait.ge [sflag:s22], s20  }
0xa5: {  	s5 =	ssub.s32 $0x0, s20;
	[sflag:s22] =	ssyncset.done $0x0  }
0xa6: {  	[sflag:s22] =	ssyncadd.s32 s5;
	_ =	sdelay $0x1  }
0xa7: {  	s23 =	simm.s32 $0x1B8B  }
0xa8: {  	_ =	swait.ge [sflag:s23], $0x1  }
0xa9: {  	[sflag:s23] =	ssyncset.done $0x0  }
0xaa: {  	s25 =	simm.s32 $0x1B8E;
	s24 =	sld [smem:$0x3FFE];
	[sflag:s23] =	ssyncadd.s32 $0xFFFFFFFF  }
0xab: {  	s26 =	simm.s32 $execute0_lowered;
	[smem:$0x3FD2] =	sst s25  }
0xac: {  	s6 =	sshll.u32 s26, $0x1;
	_ =	strace $0x80000046;
	[dreg:$0x1] =	wrdreg $0xFFFFFFFF  }
0xad: {  	s28 =	simm.s32 $_size_execute0_lowered;
	s4 =	sadd.s32 s4, s6;
	[dreg:$0x0] =	wrdreg $0x0  }
0xae: {  	s6 =	sshll.u32 s28, $0x1;
	[dreg:$0x2] =	wrdreg s4  }
0xaf: {  	[dreg:$0x3] =	wrdreg s6  }
0xb0: {  	[dreg:$0x4] =	wrdreg $0xC0  }
0xb1: {  	_ =	task [dreg:s8], $0x5FFFF  }
0xb2: {  	[dreg:$0x1] =	wrdreg $0xFFFFFFFF  }
0xb3: {  	[dreg:$0x0] =	wrdreg $0x60  }
0xb4: {  	[dreg:$0x2] =	wrdreg s24  }
0xb5: {  	[dreg:$0x3] =	wrdreg s17  }
0xb6: {  	[dreg:$0x4] =	wrdreg s16  }
0xb7: {  	[dreg:$0x5] =	wrdreg $0xAE000  }
0xb8: {  	[dreg:$0x6] =	wrdreg $0x1EE000  }
0xb9: {  	[dreg:$0x7] =	wrdreg $0x9  }
0xba: {  	_ =	task.clear_ibuf [dreg:s8], $0x8FFFF;
	_ =	strace $0x90000046  }
0xbb: {  	s29 =	simm.s32 $0x9;
	_ =	strace $0x8000004E  }
0xbc: {  	_ =	swait.ge [sflag:s29], $0x1  }
0xbd: {  	[sflag:s29] =	ssyncadd.s32 $0xFFFFFFFF  }
0xbe: {  	_ =	strace $0x9000004E  }
0xbf: {  	_ =	sfence  }
0xc0: {  	s30 =	sld [smem:$0x0];
	_ =	sdelay $0x2  }
0xc1: {  	s31 =	sshll.u32 s1, $0xD;
	s1 =	sshrl.u32 s1, $0x2  }
0xc2: {  	s3 =	sand.u32 $0x4000, s31;
	s1 =	sadd.s32 s1, s30  }
0xc3: {  	s0 =	sor.u32 s3, s0;
	s1 =	sshll.u32 s1, $0x11  }
0xc4: {  	s0 =	sor.u32 s1, s0  }
0xc5: {  	s0 =	sadd.s32 $0x8F2B, s0  }
0xc6: {  	[sflag:s0] =	ssyncadd.remote.s32 $0x1  }
0xc7: {  	_ =	sfence.sel $0xFFFF  }
0xc8: {  	[dreg:$0x0] =	wrdreg $0xFFFFFFFF;
	(pc) =	sbr.abs _section_cstart, $3  }
0xc9: {  	[dreg:$0x1] =	wrdreg $0xFFFFFFFF  }
0xca: {  	_ =	task.clear_ibuf [dreg:s8], $0x2FFFF;
	_ =	strace $0x9FFFFFFF  }
0xcb: {  	(tm) =	ssettm $0x7FFFFFFF  }
tec
execute0_lowered:
.L_overlay_start_1:
0x0: {  	(tag) =	ssettag $0x1  }
0x1: {  	s2 =	rddreg [dreg:$0x0]  }
0x2: {  	s5 =	rddreg [dreg:$0x1]  }
0x3: {  	s7 =	rddreg [dreg:$0x2]  }
0x4: {  	s1 =	rddreg [dreg:$0x3]  }
0x5: {  	s3 =	rddreg [dreg:$0x4]  }
0x6: {  	s4 =	simm.s32 $0x0;
	s0 =	srdreg.scid;
	s11 =	stileid.u32  }
0x7: {  	[smem:$0x7FF] =	sst s4;
	s6 =	sadd.s32 $0xA00, s2;
	s8 =	sadd.s32 $0x800, s2  }
0x8: {  	s16 =	sadd.s32 $0x600, s2;
	_ =	strace $0x80000047;
	[dreg:$0x7] =	wrdreg s8  }
0x9: {  	s12 =	sadd.s32 $0x310A00, s2;
	s2 =	sadd.s32 $0x630A00, s2;
	[dreg:$0x8] =	wrdreg s16  }
0xa: {  	s10 =	sand.u32 $0x1, s0;
	s9 =	smul.u32 $0x50000, s11;
	[dreg:$0xa] =	wrdreg s2  }
0xb: {  	s13 =	smul.u32 $0x280, s11;
	[dreg:$0x6] =	wrdreg s10  }
0xc: {  	s20 =	smul.u32 $0x1C0, s11;
	[dreg:$0x9] =	wrdreg s12  }
0xd: {  	s17 =	ssub.s32 $0x2, s10;
	[dreg:$0xb] =	wrdreg s13;
	s19 =	sadd.s32 s13, s3  }
0xe: {  	s18 =	sshrl.u32 s17, $0x1;
	s7 =	sadd.s32 s20, s7;
	[dreg:$0xd] =	wrdreg s19  }
0xf: {  	s9 =	sshrl.u32 s9, $0x2;
	s5 =	sadd.s32 s20, s5;
	[dreg:$0x13] =	wrdreg s7  }
0x10: {  	s8 =	ssub.s32 s17, s18;
	s14 =	sadd.s32 s9, s1;
	[dreg:$0x14] =	wrdreg s5  }
0x11: {  	s8 =	smax.u32 s8, $0x1;
	[dreg:$0xc] =	wrdreg s14  }
0x12: {  	s22 =	sadd.s32 $0x1800, s14;
	[dreg:$0xe] =	wrdreg s8  }
0x13: {  	s16 =	sadd.s32 $0x2000, s14;
	[dreg:$0x11] =	wrdreg s22  }
0x14: {  	s25 =	sadd.s32 $0x2800, s14;
	[dreg:$0x12] =	wrdreg s16  }
0x15: {  	s29 =	sadd.s32 $0x3000, s14;
	[dreg:$0x15] =	wrdreg s25  }
0x16: {  	s15 =	sshll.u32 s11, $0x1;
	s7 =	sadd.s32 $0x3800, s14;
	[dreg:$0x16] =	wrdreg s29  }
0x17: {  	s21 =	smul.u32 $0x28000, s10;
	s9 =	sadd.s32 $0x4800, s14;
	[dreg:$0x18] =	wrdreg s7  }
0x18: {  	s0 =	sor.u32 s10, s15;
	s10 =	sadd.s32 $0x5000, s14;
	[dreg:$0x1a] =	wrdreg s9  }
0x19: {  	s24 =	sadd.s32 s21, s12;
	s12 =	sadd.s32 $0x5800, s14;
	[dreg:$0x1b] =	wrdreg s10  }
0x1a: {  	s17 =	sadd.s32 $0x6800, s14;
	[dreg:$0x1c] =	wrdreg s12  }
0x1b: {  	s18 =	sadd.s32 $0x7000, s14;
	[dreg:$0x1e] =	wrdreg s17  }
0x1c: {  	s19 =	sadd.s32 $0x7800, s14;
	[dreg:$0x1f] =	wrdreg s18  }
0x1d: {  	s23 =	smul.u32 $0x2800, s11;
	s20 =	sadd.s32 $0x8000, s14;
	[smem:$0x7E4] =	sst s19  }
0x1e: {  	s21 =	sadd.s32 $0x8800, s14;
	[smem:$0x7E5] =	sst s20  }
0x1f: {  	s26 =	sadd.s32 s23, s24;
	s23 =	sadd.s32 $0x9800, s14;
	[smem:$0x7E6] =	sst s21  }
0x20: {  	s24 =	sadd.s32 $0xA000, s14;
	[smem:$0x7E8] =	sst s23  }
0x21: {  	s13 =	sadd.s32 $0x800, s14;
	[smem:$0x7E9] =	sst s24  }
0x22: {  	s15 =	sadd.s32 $0x1000, s14;
	[dreg:$0xf] =	wrdreg s13  }
0x23: {  	s5 =	sadd.s32 $0x200, s26;
	[dreg:$0x10] =	wrdreg s15  }
0x24: {  	s8 =	sadd.s32 $0x4000, s14;
	[dreg:$0x17] =	wrdreg s5  }
0x25: {  	s16 =	sadd.s32 $0x6000, s14;
	[dreg:$0x19] =	wrdreg s8  }
0x26: {  	s22 =	sadd.s32 $0x9000, s14;
	[dreg:$0x1d] =	wrdreg s16  }
0x27: {  	s25 =	sadd.s32 $0xA800, s14;
	[smem:$0x7E7] =	sst s22  }
0x28: {  	s26 =	sadd.s32 $0xB000, s14;
	[smem:$0x7EA] =	sst s25  }
0x29: {  	s29 =	sadd.s32 $0xB800, s14;
	[smem:$0x7EB] =	sst s26  }
0x2a: {  	s7 =	sadd.s32 $0xC000, s14;
	[smem:$0x7EC] =	sst s29  }
0x2b: {  	s9 =	sadd.s32 $0xD000, s14;
	[smem:$0x7ED] =	sst s7  }
0x2c: {  	s10 =	sadd.s32 $0xD800, s14;
	[smem:$0x7EF] =	sst s9  }
0x2d: {  	s12 =	sadd.s32 $0xE000, s14;
	[smem:$0x7F0] =	sst s10  }
0x2e: {  	s17 =	sadd.s32 $0xF000, s14;
	[smem:$0x7F1] =	sst s12  }
0x2f: {  	s28 =	simm.s32 $0x8E00;
	s18 =	sadd.s32 $0xF800, s14;
	[smem:$0x7F3] =	sst s17  }
0x30: {  	s30 =	simm.s32 $0x8E80;
	s19 =	sadd.s32 $0x10000, s14;
	[smem:$0x7F4] =	sst s18  }
0x31: {  	v0 =	vlaneseq.u32;
	s31 =	simm.s32 $0x7D00;
	s20 =	sadd.s32 $0x10800, s14;
	[smem:$0x7F5] =	sst s19  }
0x32: {  	v1 =	vmul.u32 $0x191, v0;
	s0 =	smul.u32 $0x3D1, s0;
	s21 =	sadd.s32 $0x11000, s14;
	[smem:$0x7F6] =	sst s20  }
0x33: {  	s2 =	smul.u32 $0x83, s11;
	s23 =	sadd.s32 $0x12000, s14;
	[smem:$0x7F7] =	sst s21  }
0x34: {  	v1 =	vadd.s32 s0, v1;
	s0 =	simm.s32 $0x5;
	s24 =	sadd.s32 $0x12800, s14;
	[smem:$0x7F9] =	sst s23  }
0x35: {  	s8 =	sadd.s32 $0xC800, s14;
	s16 =	sadd.s32 $0xE800, s14;
	[smem:$0x7FA] =	sst s24  }
0x36: {  	s22 =	sadd.s32 $0x11800, s14;
	s25 =	sadd.s32 $0x13000, s14;
	[smem:$0x7EE] =	sst s8  }
0x37: {  	s26 =	sadd.s32 $0x13800, s14;
	s29 =	smul.u32 $0x380, s11;
	[smem:$0x7F2] =	sst s16  }
0x38: {  	s5 =	simm.s32 $0x2;
	s11 =	simm.s32 $0x4;
	[smem:$0x7F8] =	sst s22  }
0x39: {  	v2 =	vmul.u32 $0x49, v0;
	s19 =	simm.s32 $0x1;
	s20 =	simm.s32 $0x20;
	[smem:$0x7FB] =	sst s25  }
0x3a: {  	s21 =	simm.s32 $0x2E80;
	s7 =	simm.s32 $0x0;
	[smem:$0x7FC] =	sst s26  }
0x3b: {  	v3 =	vimm.f32 $0.0e+00;
	v2 =	vadd.s32 s2, v2;
	s22 =	simm.s32 $0x8D00;
	s25 =	simm.s32 $0x8D80;
	[smem:$0x7FD] =	sst s29  }
.LBB2_1:
0x3c: {  	s2 =	sand.u32 $0x1E00, s4  }
0x3d: {  	[smem:$0x7E3] =	sst s7;
	s29 =	sand.u32 $0x70, s4;
	s8 =	sshrl.u32 s2, $0x2  }
0x3e: {  	s7 =	simm.s32 $0x0;
	s2 =	simm.s32 $0x40;
	s8 =	sor.u32 s29, s8  }
.LBB2_2:
0x3f: {  	p0 =	sne.s32 s2, $0x1FC0  }
0x40: {  	[tilespmem:s8+$0x8F00] =	vst v3;
	s7 =	sadd.s32 $0x10, s7;
	s8 =	smov.u32 s2;
	s2 =	sadd.s32 $0x40, s2  }
.Ltmp0:
0x41: {  	(pc) =	sbr.rel @p0 .LBB2_2-.Ltmp0, $4  }
0x42: {  	_ = 	snop  }
0x43: {  	s8 =	sand.u32 $0x1E00, s8  }
0x44: {  	s9 =	sand.u32 $0x70, s7;
	s8 =	sshrl.u32 s8, $0x2  }
0x45: {  	s8 =	sor.u32 s9, s8  }
0x46: {  	[tilespmem:s8+$0x8F00] =	vst v3  }
0x47: {  	[tilespmem:$0x9700] =	vst v3  }
0x48: {  	[tilespmem:$0x9710] =	vst v3  }
0x49: {  	[tilespmem:$0x9720] =	vst v3  }
0x4a: {  	[tilespmem:$0x9730] =	vst v3  }
0x4b: {  	[tilespmem:$0x9740] =	vst v3  }
0x4c: {  	[tilespmem:$0x9750] =	vst v3  }
0x4d: {  	[tilespmem:$0x9760] =	vst v3  }
0x4e: {  	[tilespmem:$0x9770] =	vst v3  }
0x4f: {  	[tilespmem:$0x9780] =	vst v3  }
0x50: {  	[tilespmem:$0x9790] =	vst v3  }
0x51: {  	[tilespmem:$0x97A0] =	vst v3  }
0x52: {  	[tilespmem:$0x97B0] =	vst v3  }
0x53: {  	[tilespmem:$0x97C0] =	vst v3  }
0x54: {  	[tilespmem:$0x97D0] =	vst v3  }
0x55: {  	[tilespmem:$0x97E0] =	vst v3  }
0x56: {  	[tilespmem:$0x97F0] =	vst v3  }
0x57: {  	[tilespmem:$0x9800] =	vst v3  }
0x58: {  	[tilespmem:$0x9810] =	vst v3  }
0x59: {  	[tilespmem:$0x9820] =	vst v3  }
0x5a: {  	[tilespmem:$0x9830] =	vst v3  }
0x5b: {  	[tilespmem:$0x9840] =	vst v3  }
0x5c: {  	[tilespmem:$0x9850] =	vst v3  }
0x5d: {  	[tilespmem:$0x9860] =	vst v3  }
0x5e: {  	[tilespmem:$0x9870] =	vst v3  }
0x5f: {  	[tilespmem:$0x9880] =	vst v3  }
0x60: {  	[tilespmem:$0x9890] =	vst v3  }
0x61: {  	[tilespmem:$0x98A0] =	vst v3  }
0x62: {  	[tilespmem:$0x98B0] =	vst v3  }
0x63: {  	[tilespmem:$0x98C0] =	vst v3  }
0x64: {  	[tilespmem:$0x98D0] =	vst v3  }
0x65: {  	[tilespmem:$0x98E0] =	vst v3  }
0x66: {  	[tilespmem:$0x98F0] =	vst v3  }
0x67: {  	[tilespmem:$0x9900] =	vst v3  }
0x68: {  	[tilespmem:$0x9910] =	vst v3  }
0x69: {  	[tilespmem:$0x9920] =	vst v3  }
0x6a: {  	[tilespmem:$0x9930] =	vst v3  }
0x6b: {  	[tilespmem:$0x9940] =	vst v3  }
0x6c: {  	[tilespmem:$0x9950] =	vst v3  }
0x6d: {  	[tilespmem:$0x9960] =	vst v3  }
0x6e: {  	s2 =	rddreg [dreg:$0x7];
	s7 =	simm.s32 $0xAC00;
	[tilespmem:$0x9970] =	vst v3  }
0x6f: {  	[tilespmem:s7], [sflag:$0x2] =	stream.linear.gather [hbm4b:s2+s4], $0x100, $0x38;
	[tilespmem:$0x1F080] =	vst v63  }
0x70: {  	_ =	swait.ge [sflag:s5], $0x100  }
0x71: {  	[sflag:s5] =	ssyncset.done $0x0  }
0x72: {  	s10 =	simm.s32 $0xAD00;
	s9 =	rddreg [dreg:$0x8];
	[sflag:s5] =	ssyncadd.s32 $0xFFFFFF00  }
0x73: {  	[tilespmem:s10], [sflag:$0x2] =	stream.linear.gather [hbm4b:s9+s4], $0x100, $0x38;
	[tilespmem:$0x1F080] =	vst v63  }
0x74: {  	_ =	swait.ge [sflag:s5], $0x100  }
0x75: {  	[sflag:s5] =	ssyncset.done $0x0  }
0x76: {  	[sflag:s5] =	ssyncadd.s32 $0xFFFFFF00  }
0x77: {  	s7 =	simm.s32 $0x8F00;
	_ =	strace $0x80000048  }
0x78: {  	[spmem:s14] =	stream.linear.scatter [tilespmem:s7], [sflag:$0x4], $0x800, $0x200038;
	[tilespmem:$0x1F080] =	vst v63  }
0x79: {  	_ = 	snop  }
0x7a: {  	[spmem:s13] =	stream.linear.scatter [tilespmem:s7], [sflag:$0x4], $0x800, $0x200038;
	[tilespmem:$0x1F080] =	vst v63  }
0x7b: {  	s12 =	rddreg [dreg:$0x11]  }
0x7c: {  	[spmem:s15] =	stream.linear.scatter [tilespmem:s7], [sflag:$0x4], $0x800, $0x200038;
	[tilespmem:$0x1F080] =	vst v63  }
0x7d: {  	s14 =	rddreg [dreg:$0x15]  }
0x7e: {  	[spmem:s12] =	stream.linear.scatter [tilespmem:s7], [sflag:$0x4], $0x800, $0x200038;
	[tilespmem:$0x1F080] =	vst v63  }
0x7f: {  	s13 =	rddreg [dreg:$0x12]  }
0x80: {  	[spmem:s13] =	stream.linear.scatter [tilespmem:s7], [sflag:$0x4], $0x800, $0x200038;
	[tilespmem:$0x1F080] =	vst v63  }
0x81: {  	s16 =	rddreg [dreg:$0x18]  }
0x82: {  	[spmem:s14] =	stream.linear.scatter [tilespmem:s7], [sflag:$0x4], $0x800, $0x200038;
	[tilespmem:$0x1F080] =	vst v63  }
0x83: {  	s15 =	rddreg [dreg:$0x16]  }
0x84: {  	[spmem:s15] =	stream.linear.scatter [tilespmem:s7], [sflag:$0x4], $0x800, $0x200038;
	[tilespmem:$0x1F080] =	vst v63  }
0x85: {  	s17 =	rddreg [dreg:$0x19]  }
0x86: {  	[spmem:s16] =	stream.linear.scatter [tilespmem:s7], [sflag:$0x4], $0x800, $0x200038;
	[tilespmem:$0x1F080] =	vst v63  }
0x87: {  	s18 =	rddreg [dreg:$0x1a]  }
0x88: {  	[spmem:s17] =	stream.linear.scatter [tilespmem:s7], [sflag:$0x4], $0x800, $0x200038;
	[tilespmem:$0x1F080] =	vst v63  }
0x89: {  	s23 =	rddreg [dreg:$0x1b]  }
0x8a: {  	[spmem:s18] =	stream.linear.scatter [tilespmem:s7], [sflag:$0x4], $0x800, $0x200038;
	[tilespmem:$0x1F080] =	vst v63  }
0x8b: {  	s24 =	rddreg [dreg:$0x1c]  }
0x8c: {  	[spmem:s23] =	stream.linear.scatter [tilespmem:s7], [sflag:$0x4], $0x800, $0x200038;
	[tilespmem:$0x1F080] =	vst v63  }
0x8d: {  	s26 =	rddreg [dreg:$0x1d]  }
0x8e: {  	[spmem:s24] =	stream.linear.scatter [tilespmem:s7], [sflag:$0x4], $0x800, $0x200038;
	[tilespmem:$0x1F080] =	vst v63  }
0x8f: {  	s29 =	rddreg [dreg:$0x1e]  }
0x90: {  	[spmem:s26] =	stream.linear.scatter [tilespmem:s7], [sflag:$0x4], $0x800, $0x200038;
	[tilespmem:$0x1F080] =	vst v63  }
0x91: {  	s8 =	rddreg [dreg:$0x1f]  }
0x92: {  	[spmem:s29] =	stream.linear.scatter [tilespmem:s7], [sflag:$0x4], $0x800, $0x200038;
	[tilespmem:$0x1F080] =	vst v63  }
0x93: {  	s9 =	sld [smem:$0x7E4]  }
0x94: {  	[spmem:s8] =	stream.linear.scatter [tilespmem:s7], [sflag:$0x4], $0x800, $0x200038;
	[tilespmem:$0x1F080] =	vst v63  }
0x95: {  	s10 =	sld [smem:$0x7E5]  }
0x96: {  	[spmem:s9] =	stream.linear.scatter [tilespmem:s7], [sflag:$0x4], $0x800, $0x200038;
	[tilespmem:$0x1F080] =	vst v63  }
0x97: {  	s12 =	sld [smem:$0x7E6]  }
0x98: {  	[spmem:s10] =	stream.linear.scatter [tilespmem:s7], [sflag:$0x4], $0x800, $0x200038;
	[tilespmem:$0x1F080] =	vst v63  }
0x99: {  	s13 =	sld [smem:$0x7E7]  }
0x9a: {  	[spmem:s12] =	stream.linear.scatter [tilespmem:s7], [sflag:$0x4], $0x800, $0x200038;
	[tilespmem:$0x1F080] =	vst v63  }
0x9b: {  	s14 =	sld [smem:$0x7E8]  }
0x9c: {  	[spmem:s13] =	stream.linear.scatter [tilespmem:s7], [sflag:$0x4], $0x800, $0x200038;
	[tilespmem:$0x1F080] =	vst v63  }
0x9d: {  	s15 =	sld [smem:$0x7E9]  }
0x9e: {  	[spmem:s14] =	stream.linear.scatter [tilespmem:s7], [sflag:$0x4], $0x800, $0x200038;
	[tilespmem:$0x1F080] =	vst v63  }
0x9f: {  	s16 =	sld [smem:$0x7EA]  }
0xa0: {  	[spmem:s15] =	stream.linear.scatter [tilespmem:s7], [sflag:$0x4], $0x800, $0x200038;
	[tilespmem:$0x1F080] =	vst v63  }
0xa1: {  	s17 =	sld [smem:$0x7EB]  }
0xa2: {  	[spmem:s16] =	stream.linear.scatter [tilespmem:s7], [sflag:$0x4], $0x800, $0x200038;
	[tilespmem:$0x1F080] =	vst v63  }
0xa3: {  	s18 =	sld [smem:$0x7EC]  }
0xa4: {  	[spmem:s17] =	stream.linear.scatter [tilespmem:s7], [sflag:$0x4], $0x800, $0x200038;
	[tilespmem:$0x1F080] =	vst v63  }
0xa5: {  	s23 =	sld [smem:$0x7ED]  }
0xa6: {  	[spmem:s18] =	stream.linear.scatter [tilespmem:s7], [sflag:$0x4], $0x800, $0x200038;
	[tilespmem:$0x1F080] =	vst v63  }
0xa7: {  	s24 =	sld [smem:$0x7EE]  }
0xa8: {  	[spmem:s23] =	stream.linear.scatter [tilespmem:s7], [sflag:$0x4], $0x800, $0x200038;
	[tilespmem:$0x1F080] =	vst v63  }
0xa9: {  	s26 =	sld [smem:$0x7EF]  }
0xaa: {  	[spmem:s24] =	stream.linear.scatter [tilespmem:s7], [sflag:$0x4], $0x800, $0x200038;
	[tilespmem:$0x1F080] =	vst v63  }
0xab: {  	s29 =	sld [smem:$0x7F0]  }
0xac: {  	[spmem:s26] =	stream.linear.scatter [tilespmem:s7], [sflag:$0x4], $0x800, $0x200038;
	[tilespmem:$0x1F080] =	vst v63  }
0xad: {  	s8 =	sld [smem:$0x7F1]  }
0xae: {  	[spmem:s29] =	stream.linear.scatter [tilespmem:s7], [sflag:$0x4], $0x800, $0x200038;
	[tilespmem:$0x1F080] =	vst v63  }
0xaf: {  	s9 =	sld [smem:$0x7F2]  }
0xb0: {  	[spmem:s8] =	stream.linear.scatter [tilespmem:s7], [sflag:$0x4], $0x800, $0x200038;
	[tilespmem:$0x1F080] =	vst v63  }
0xb1: {  	s10 =	sld [smem:$0x7F3]  }
0xb2: {  	[spmem:s9] =	stream.linear.scatter [tilespmem:s7], [sflag:$0x4], $0x800, $0x200038;
	[tilespmem:$0x1F080] =	vst v63  }
0xb3: {  	s12 =	sld [smem:$0x7F4]  }
0xb4: {  	[spmem:s10] =	stream.linear.scatter [tilespmem:s7], [sflag:$0x4], $0x800, $0x200038;
	[tilespmem:$0x1F080] =	vst v63  }
0xb5: {  	s13 =	sld [smem:$0x7F5]  }
0xb6: {  	[spmem:s12] =	stream.linear.scatter [tilespmem:s7], [sflag:$0x4], $0x800, $0x200038;
	[tilespmem:$0x1F080] =	vst v63  }
0xb7: {  	s14 =	sld [smem:$0x7F6]  }
0xb8: {  	[spmem:s13] =	stream.linear.scatter [tilespmem:s7], [sflag:$0x4], $0x800, $0x200038;
	[tilespmem:$0x1F080] =	vst v63  }
0xb9: {  	s15 =	sld [smem:$0x7F7]  }
0xba: {  	[spmem:s14] =	stream.linear.scatter [tilespmem:s7], [sflag:$0x4], $0x800, $0x200038;
	[tilespmem:$0x1F080] =	vst v63  }
0xbb: {  	s16 =	sld [smem:$0x7F8]  }
0xbc: {  	[spmem:s15] =	stream.linear.scatter [tilespmem:s7], [sflag:$0x4], $0x800, $0x200038;
	[tilespmem:$0x1F080] =	vst v63  }
0xbd: {  	s17 =	sld [smem:$0x7F9]  }
0xbe: {  	[spmem:s16] =	stream.linear.scatter [tilespmem:s7], [sflag:$0x4], $0x800, $0x200038;
	[tilespmem:$0x1F080] =	vst v63  }
0xbf: {  	s18 =	sld [smem:$0x7FA]  }
0xc0: {  	[spmem:s17] =	stream.linear.scatter [tilespmem:s7], [sflag:$0x4], $0x800, $0x200038;
	[tilespmem:$0x1F080] =	vst v63  }
0xc1: {  	s23 =	sld [smem:$0x7FB]  }
0xc2: {  	[spmem:s18] =	stream.linear.scatter [tilespmem:s7], [sflag:$0x4], $0x800, $0x200038;
	[tilespmem:$0x1F080] =	vst v63  }
0xc3: {  	s24 =	sld [smem:$0x7FC]  }
0xc4: {  	[spmem:s23] =	stream.linear.scatter [tilespmem:s7], [sflag:$0x4], $0x800, $0x200038;
	[tilespmem:$0x1F080] =	vst v63  }
0xc5: {  	_ = 	snop  }
0xc6: {  	[spmem:s24] =	stream.linear.scatter [tilespmem:s7], [sflag:$0x4], $0x800, $0x200038;
	[tilespmem:$0x1F080] =	vst v63  }
0xc7: {  	s26 =	rddreg [dreg:$0xd];
	s29 =	simm.s32 $0x9700  }
0xc8: {  	[spmem:s26] =	stream.linear.scatter [tilespmem:s29], [sflag:$0x4], $0x280, $0x200038;
	[tilespmem:$0x1F080] =	vst v63  }
0xc9: {  	_ =	swait.ge [sflag:s11], $0x800  }
0xca: {  	s2 =	simm.s32 $0x27;
	[sflag:s11] =	ssyncset.done $0x0  }
.LBB2_4:
0xcb: {  	p0 =	sne.s32 s2, $0x1;
	s2 =	sadd.s32 $0xFFFFFFFF, s2;
	[sflag:s11] =	ssyncadd.s32 $0xFFFFF800  }
.Ltmp1:
0xcc: {  	(pc) =	sbr.rel @p0 .LBB2_4-.Ltmp1, $3  }
0xcd: {  	_ =	sdelay $0x1  }
0xce: {  	_ =	swait.ge [sflag:s11], $0x800  }
0xcf: {  	[sflag:s11] =	ssyncset.done $0x0  }
0xd0: {  	[sflag:s11] =	ssyncadd.s32 $0xFFFFF800  }
0xd1: {  	_ =	swait.ge [sflag:s11], $0x280  }
0xd2: {  	[sflag:s11] =	ssyncset.done $0x0  }
0xd3: {  	[sflag:s11] =	ssyncadd.s32 $0xFFFFFD80  }
0xd4: {  	_ =	strace $0x90000048  }
0xd5: {  	[bflag:$0x0] =	sbarrier.arrive $0xFFFF  }
0xd6: {  	s2 =	simm.s32 $0x0;
	s16 =	rddreg [dreg:$0x17]  }
.LBB2_6:
0xd7: {  	[smem:$0x7DF] =	sst s16  }
0xd8: {  	[smem:$0x7E0] =	sst s2  }
0xd9: {  	s26 =	sshll.u32 s2, $0x1;
	s7 =	rddreg [dreg:$0x6]  }
.Ltmp2:
0xda: {  	s15 =	sld [smem:$0x7FD];
	s2 =	sor.u32 s7, s26;
	(pc) =	sbr.rel .LBB2_7-.Ltmp2, $4  }
0xdb: {  	s12 =	rddreg [dreg:$0x14];
	s2 =	smul.u32 $0x2800, s2  }
0xdc: {  	s16 =	rddreg [dreg:$0x13]  }
0xdd: {  	s29 =	sadd.s32 $0x2800, s2;
	[smem:$0x7E1] =	sst s2  }
0xde: {  	s17 =	simm.s32 $0x0;
	v4 =	vmov s2;
	[smem:$0x7E2] =	sst s29;
	v5 =	vmov s29  }
.LBB2_16:
0xdf: {  	_ =	strace $0x8000004B  }
.LBB2_21:
0xe0: {  	p0 =	slt.s32 s18, $0x1  }
0xe1: {  	_ =	strace $0x9000004B;
	s2 =	simm.s32 @!p0 $0x3  }
0xe2: {  	_ =	swait.ge @!p0 [sflag:s2], $0x1000  }
0xe3: {  	[sflag:s2] =	ssyncset.done @!p0 $0x0  }
0xe4: {  	[sflag:s2] =	ssyncadd.s32 @!p0 $0xFFFFF000  }
0xe5: {  	_ =	swait.ge @!p0 [sflag:s2], $0x20  }
0xe6: {  	[sflag:s2] =	ssyncset.done @!p0 $0x0  }
0xe7: {  	[sflag:s2] =	ssyncadd.s32 @!p0 $0xFFFFFFE0  }
0xe8: {  	_ =	swait.ge @!p0 [sflag:s2], $0x1000  }
0xe9: {  	[sflag:s2] =	ssyncset.done @!p0 $0x0  }
0xea: {  	[sflag:s2] =	ssyncadd.s32 @!p0 $0xFFFFF000  }
0xeb: {  	_ =	swait.ge @!p0 [sflag:s2], $0x20  }
0xec: {  	[sflag:s2] =	ssyncset.done @!p0 $0x0  }
0xed: {  	[sflag:s2] =	ssyncadd.s32 @!p0 $0xFFFFFFE0  }
0xee: {  	_ =	swait.ge @!p0 [sflag:s2], $0x1000  }
0xef: {  	[sflag:s2] =	ssyncset.done @!p0 $0x0  }
0xf0: {  	[sflag:s2] =	ssyncadd.s32 @!p0 $0xFFFFF000  }
0xf1: {  	_ =	swait.ge @!p0 [sflag:s2], $0x20  }
0xf2: {  	[sflag:s2] =	ssyncset.done @!p0 $0x0  }
0xf3: {  	[sflag:s2] =	ssyncadd.s32 @!p0 $0xFFFFFFE0  }
0xf4: {  	_ =	swait.ge @!p0 [sflag:s2], $0x1000  }
0xf5: {  	[sflag:s2] =	ssyncset.done @!p0 $0x0  }
0xf6: {  	[sflag:s2] =	ssyncadd.s32 @!p0 $0xFFFFF000  }
0xf7: {  	_ =	swait.ge @!p0 [sflag:s2], $0x20  }
0xf8: {  	[sflag:s2] =	ssyncset.done @!p0 $0x0  }
0xf9: {  	[sflag:s2] =	ssyncadd.s32 @!p0 $0xFFFFFFE0  }
.LBB2_22:
0xfa: {  	s17 =	sadd.s32 $0x1, s17  }
0xfb: {  	p0 =	sne.s32 s17, $0xE  }
.Ltmp3:
0xfc: {  	_ = 	snop;
	(pc) =	sbr.rel @!p0 .LBB2_23-.Ltmp3, $2  }
0xfd: {  	_ =	sdelay $0x2  }
0xfe: {  	s16 =	sadd.s32 $0x1C00, s16;
	s12 =	sadd.s32 $0x1C00, s12;
	s15 =	sadd.s32 $0x3800, s15  }
.LBB2_7:
0xff: {  	s2 =	sshll.u32 s17, $0x4;
	s7 =	stileid.u32  }
0x100: {  	s2 =	sor.u32 s7, s2  }
0x101: {  	s7 =	smulhi.u32 $0x92492493, s2;
	_ =	sdelay $0x1  }
0x102: {  	s7 =	sshrl.u32 s7, $0x2  }
0x103: {  	s7 =	sand.u32 $0x1FFFFFF8, s7  }
0x104: {  	s2 =	sadd.s32 s2, s7  }
0x105: {  	v6 =	vmov s2;
	_ =	sdelay $0x3  }
0x106: {  	s24 =	simm.s32 $0xAC00  }
0x107: {  	s26 =	simm.s32 $0xAD00;
	v7 =	vld.idx.msk [tilespmem:v6+s24+$0x0], $0xffff  }
0x108: {  	v6 =	vld.idx.msk [tilespmem:v6+s26+$0x0], $0xffff;
	_ =	sdelay $0x3  }
0x109: {  	(v2sf) =	vpush v7, $0x0  }
0x10a: {  	(v2sf) =	vpush v6, $0x0;
	_ =	sdelay $0xb  }
0x10b: {  	s8 =	sld [smem:$0x7E2]  }
0x10c: {  	s2 =	sld [smem:$0x7E1]  }
0x10d: {  	s29 =	spop (v2sf)  }
0x10e: {  	s7 =	spop (v2sf);
	p0 =	sge.s32 s29, s8  }
0x10f: {  	p1 =	slt.s32 @!p0 s7, s2  }
0x110: {  	p0 =	por p0, p1  }
.Ltmp4:
0x111: {  	_ = 	snop;
	(pc) =	sbr.rel @p0 .LBB2_22-.Ltmp4, $1  }
0x112: {  	_ =	sdelay $0x3  }
0x113: {  	_ =	strace $0x80000049;
	s2 =	simm.s32 $0x0  }
0x114: {  	[tilespmem:s2], [sflag:$0x1] =	stream.linear.gather [hbm4b:s12+s4], $0x80, $0x200038;
	[tilespmem:$0x1F080] =	vst v63  }
0x115: {  	s29 =	sadd.s32 $0x40, s12;
	s7 =	simm.s32 $0x200  }
0x116: {  	[tilespmem:s7], [sflag:$0x1] =	stream.linear.gather [hbm4b:s29+s4], $0x80, $0x200038;
	[tilespmem:$0x1F080] =	vst v63  }
0x117: {  	s8 =	sadd.s32 $0x80, s12;
	s9 =	simm.s32 $0x400  }
0x118: {  	[tilespmem:s9], [sflag:$0x1] =	stream.linear.gather [hbm4b:s8+s4], $0x80, $0x200038;
	[tilespmem:$0x1F080] =	vst v63  }
0x119: {  	s10 =	sadd.s32 $0xC0, s12;
	s13 =	simm.s32 $0x600  }
0x11a: {  	[tilespmem:s13], [sflag:$0x1] =	stream.linear.gather [hbm4b:s10+s4], $0x80, $0x200038;
	[tilespmem:$0x1F080] =	vst v63  }
0x11b: {  	s14 =	sadd.s32 $0x100, s12;
	s18 =	simm.s32 $0x800  }
0x11c: {  	[tilespmem:s18], [sflag:$0x1] =	stream.linear.gather [hbm4b:s14+s4], $0x80, $0x200038;
	[tilespmem:$0x1F080] =	vst v63  }
0x11d: {  	s23 =	sadd.s32 $0x140, s12;
	s24 =	simm.s32 $0xA00  }
0x11e: {  	[tilespmem:s24], [sflag:$0x1] =	stream.linear.gather [hbm4b:s23+s4], $0x80, $0x200038;
	[tilespmem:$0x1F080] =	vst v63  }
0x11f: {  	s26 =	sadd.s32 $0x180, s12;
	s29 =	simm.s32 $0xC00  }
0x120: {  	[tilespmem:s29], [sflag:$0x1] =	stream.linear.gather [hbm4b:s26+s4], $0x80, $0x200038;
	[tilespmem:$0x1F080] =	vst v63  }
0x121: {  	s7 =	simm.s32 $0xE00  }
0x122: {  	[tilespmem:s7], [sflag:$0x1] =	stream.linear.gather [hbm4b:s16+s4], $0x80, $0x200038;
	[tilespmem:$0x1F080] =	vst v63  }
0x123: {  	s2 =	simm.s32 $0x200;
	s8 =	sadd.s32 $0x40, s16;
	s9 =	simm.s32 $0x1000  }
0x124: {  	[tilespmem:s9], [sflag:$0x1] =	stream.linear.gather [hbm4b:s8+s4], $0x80, $0x200038;
	[tilespmem:$0x1F080] =	vst v63  }
0x125: {  	s10 =	sadd.s32 $0x80, s16;
	s13 =	simm.s32 $0x1200;
	s14 =	sadd.s32 $0xC0, s16  }
0x126: {  	[tilespmem:s13], [sflag:$0x1] =	stream.linear.gather [hbm4b:s10+s4], $0x80, $0x200038;
	[tilespmem:$0x1F080] =	vst v63  }
0x127: {  	s18 =	simm.s32 $0x1400;
	s23 =	sadd.s32 $0x100, s16;
	s24 =	simm.s32 $0x1600  }
0x128: {  	[tilespmem:s18], [sflag:$0x1] =	stream.linear.gather [hbm4b:s14+s4], $0x80, $0x200038;
	[tilespmem:$0x1F080] =	vst v63  }
0x129: {  	s26 =	sadd.s32 $0x140, s16;
	s29 =	simm.s32 $0x1800;
	s7 =	sadd.s32 $0x10, s12  }
0x12a: {  	[tilespmem:s24], [sflag:$0x1] =	stream.linear.gather [hbm4b:s23+s4], $0x80, $0x200038;
	[tilespmem:$0x1F080] =	vst v63  }
0x12b: {  	s9 =	simm.s32 $0x1A00;
	s8 =	sadd.s32 $0x10, s16;
	s10 =	sadd.s32 $0x180, s16  }
0x12c: {  	[tilespmem:s29], [sflag:$0x1] =	stream.linear.gather [hbm4b:s26+s4], $0x80, $0x200038;
	[tilespmem:$0x1F080] =	vst v63  }
.LBB2_9:
0x12d: {  	[tilespmem:s9], [sflag:$0x1] =	stream.linear.gather [hbm4b:s10+s4], $0x80, $0x200038;
	[tilespmem:$0x1F080] =	vst v63  }
0x12e: {  	s9 =	sshra.s32 s2, $0x2;
	p0 =	sne.s32 s2, $0x600;
	s2 =	sadd.s32 $0x200, s2  }
0x12f: {  	[tilespmem:s9], [sflag:$0x1] =	stream.linear.gather [hbm4b:s7+s4], $0x80, $0x200038;
	[tilespmem:$0x1F080] =	vst v63  }
0x130: {  	s10 =	sadd.s32 $0x40, s7;
	s13 =	sadd.s32 $0x200, s9  }
0x131: {  	[tilespmem:s13], [sflag:$0x1] =	stream.linear.gather [hbm4b:s10+s4], $0x80, $0x200038;
	[tilespmem:$0x1F080] =	vst v63  }
0x132: {  	s10 =	sadd.s32 $0x80, s7;
	s13 =	sadd.s32 $0x400, s9  }
0x133: {  	[tilespmem:s13], [sflag:$0x1] =	stream.linear.gather [hbm4b:s10+s4], $0x80, $0x200038;
	[tilespmem:$0x1F080] =	vst v63  }
0x134: {  	s10 =	sadd.s32 $0xC0, s7;
	s13 =	sadd.s32 $0x600, s9  }
0x135: {  	[tilespmem:s13], [sflag:$0x1] =	stream.linear.gather [hbm4b:s10+s4], $0x80, $0x200038;
	[tilespmem:$0x1F080] =	vst v63  }
0x136: {  	s10 =	sadd.s32 $0x100, s7;
	s13 =	sadd.s32 $0x800, s9  }
0x137: {  	[tilespmem:s13], [sflag:$0x1] =	stream.linear.gather [hbm4b:s10+s4], $0x80, $0x200038;
	[tilespmem:$0x1F080] =	vst v63  }
0x138: {  	s10 =	sadd.s32 $0x140, s7;
	s13 =	sadd.s32 $0xA00, s9  }
0x139: {  	[tilespmem:s13], [sflag:$0x1] =	stream.linear.gather [hbm4b:s10+s4], $0x80, $0x200038;
	[tilespmem:$0x1F080] =	vst v63  }
0x13a: {  	s10 =	sadd.s32 $0x180, s7;
	s13 =	sadd.s32 $0xC00, s9  }
0x13b: {  	[tilespmem:s13], [sflag:$0x1] =	stream.linear.gather [hbm4b:s10+s4], $0x80, $0x200038;
	[tilespmem:$0x1F080] =	vst v63  }
0x13c: {  	s10 =	sadd.s32 $0xE00, s9  }
0x13d: {  	[tilespmem:s10], [sflag:$0x1] =	stream.linear.gather [hbm4b:s8+s4], $0x80, $0x200038;
	[tilespmem:$0x1F080] =	vst v63  }
0x13e: {  	s13 =	sadd.s32 $0x1000, s9;
	s10 =	sadd.s32 $0x40, s8  }
0x13f: {  	[tilespmem:s13], [sflag:$0x1] =	stream.linear.gather [hbm4b:s10+s4], $0x80, $0x200038;
	[tilespmem:$0x1F080] =	vst v63  }
0x140: {  	s10 =	sadd.s32 $0x80, s8;
	s13 =	sadd.s32 $0x1200, s9  }
0x141: {  	[tilespmem:s13], [sflag:$0x1] =	stream.linear.gather [hbm4b:s10+s4], $0x80, $0x200038;
	[tilespmem:$0x1F080] =	vst v63  }
0x142: {  	s10 =	sadd.s32 $0xC0, s8;
	s13 =	sadd.s32 $0x1400, s9  }
0x143: {  	[tilespmem:s13], [sflag:$0x1] =	stream.linear.gather [hbm4b:s10+s4], $0x80, $0x200038;
	[tilespmem:$0x1F080] =	vst v63  }
.Ltmp5:
0x144: {  	s10 =	sadd.s32 $0x100, s8;
	s13 =	sadd.s32 $0x1600, s9;
	(pc) =	sbr.rel @p0 .LBB2_9-.Ltmp5, $4  }
0x145: {  	[tilespmem:s13], [sflag:$0x1] =	stream.linear.gather [hbm4b:s10+s4], $0x80, $0x200038;
	[tilespmem:$0x1F080] =	vst v63  }
0x146: {  	s7 =	sadd.s32 $0x10, s7;
	s10 =	sadd.s32 $0x140, s8;
	s13 =	sadd.s32 $0x1800, s9  }
0x147: {  	[tilespmem:s13], [sflag:$0x1] =	stream.linear.gather [hbm4b:s10+s4], $0x80, $0x200038;
	[tilespmem:$0x1F080] =	vst v63  }
0x148: {  	s9 =	sadd.s32 $0x1A00, s9;
	s10 =	sadd.s32 $0x180, s8;
	s8 =	sadd.s32 $0x10, s8  }
0x149: {  	[tilespmem:s9], [sflag:$0x1] =	stream.linear.gather [hbm4b:s10+s4], $0x80, $0x200038;
	[tilespmem:$0x1F080] =	vst v63  }
0x14a: {  	_ =	swait.ge [sflag:s19], $0x380  }
0x14b: {  	[sflag:s19] =	ssyncset.done $0x0  }
0x14c: {  	[sflag:s19] =	ssyncadd.s32 $0xFFFFFC80  }
0x14d: {  	_ =	swait.ge [sflag:s19], $0x380  }
0x14e: {  	[sflag:s19] =	ssyncset.done $0x0  }
0x14f: {  	[sflag:s19] =	ssyncadd.s32 $0xFFFFFC80  }
0x150: {  	_ =	swait.ge [sflag:s19], $0x380  }
0x151: {  	[sflag:s19] =	ssyncset.done $0x0  }
0x152: {  	[sflag:s19] =	ssyncadd.s32 $0xFFFFFC80  }
0x153: {  	_ =	swait.ge [sflag:s19], $0x380  }
0x154: {  	[sflag:s19] =	ssyncset.done $0x0  }
0x155: {  	[sflag:s19] =	ssyncadd.s32 $0xFFFFFC80  }
0x156: {  	_ =	swait.ge [sflag:s19], $0x380  }
0x157: {  	[sflag:s19] =	ssyncset.done $0x0  }
0x158: {  	[sflag:s19] =	ssyncadd.s32 $0xFFFFFC80  }
0x159: {  	_ =	swait.ge [sflag:s19], $0x380  }
0x15a: {  	[sflag:s19] =	ssyncset.done $0x0  }
0x15b: {  	[sflag:s19] =	ssyncadd.s32 $0xFFFFFC80  }
0x15c: {  	_ =	swait.ge [sflag:s19], $0x380  }
0x15d: {  	[sflag:s19] =	ssyncset.done $0x0  }
0x15e: {  	[sflag:s19] =	ssyncadd.s32 $0xFFFFFC80  }
0x15f: {  	_ =	swait.ge [sflag:s19], $0x380  }
0x160: {  	[sflag:s19] =	ssyncset.done $0x0  }
0x161: {  	s2 =	simm.s32 $0x0;
	[sflag:s19] =	ssyncadd.s32 $0xFFFFFC80  }
0x162: {  	s7 =	sand.u32 $0x70, s2;
	s8 =	sand.u32 $0xE00, s2;
	_ =	strace $0x90000049  }
0x163: {  	s7 =	sor.u32 s7, s8;
	_ =	strace $0x8000004A  }
0x164: {  	v6 =	vld [tilespmem:s7+$0x80]  }
0x165: {  	v7 =	vld [tilespmem:s7+$0x100]  }
0x166: {  	v8 =	vld [tilespmem:s7+$0x0];
	_ =	sdelay $0x1  }
0x167: {  	v9 =	vld [tilespmem:s7+$0x180];
	_ =	sdelay $0x1  }
0x168: {  	vm0 =	vge.s32 v6, v4;
	vm1 =	vlt.s32 v6, v5;
	vm2 =	vge.s32 v7, v4  }
0x169: {  	vm3 =	vlt.s32 v7, v5;
	vm4 =	vge.s32 v8, v4;
	vm5 =	vlt.s32 v8, v5  }
0x16a: {  	vm4 =	vmand vm4, vm5;
	vm15 =	vmand vm0, vm1;
	vm2 =	vmand vm2, vm3  }
0x16b: {  	vm0 =	vge.s32 v9, v4;
	vm1 =	vlt.s32 v9, v5;
	vm3 =	vmor vm4, vm15  }
0x16c: {  	s26 =	sadd.s32 $0x0, s15;
	vm0 =	vmand vm0, vm1;
	vm1 =	vmor vm3, vm2  }
0x16d: {  	v10 =	vor.u32 s26, v0;
	vm1 =	vmor vm1, vm0  }
0x16e: {  	[tilespmem:s2+$0x1C00] =	vst.msk vm1, v10  }
0x16f: {  	v10 =	vld [tilespmem:s7+$0xE00]  }
0x170: {  	v8 =	vsub.s32 v8, v4  }
0x171: {  	vm3 =	vgt.s32 v8, $0x0  }
0x172: {  	v8 =	vnsel vm3, $0x0, v8  }
0x173: {  	v11 =	vmpcnt.ones.xlane vm1;
	v8 =	vmin.u32 v8, $0x27FF  }
0x174: {  	[tilespmem:s2+$0x2000] =	vst.msk vm1, v8;
	v10 =	vnsel vm4, $0x0, v10  }
0x175: {  	(v2sf) =	vpush v11, $0x0;
	[tilespmem:s2+$0x2E80] =	vst.msk vm1, v10  }
0x176: {  	v8 =	vld [tilespmem:s7+$0xE80]  }
0x177: {  	v6 =	vsub.s32 v6, v4  }
0x178: {  	vm3 =	vgt.s32 v6, $0x0  }
0x179: {  	v6 =	vnsel vm3, $0x0, v6  }
0x17a: {  	v6 =	vmin.u32 v6, $0x27FF  }
0x17b: {  	[tilespmem:s2+$0x23A0] =	vst.msk vm1, v6;
	v6 =	vnsel vm15, $0x0, v8  }
0x17c: {  	[tilespmem:s2+$0x3220] =	vst.msk vm1, v6  }
0x17d: {  	v6 =	vld [tilespmem:s7+$0xF00]  }
0x17e: {  	v7 =	vsub.s32 v7, v4  }
0x17f: {  	vm3 =	vgt.s32 v7, $0x0  }
0x180: {  	v7 =	vnsel vm3, $0x0, v7  }
0x181: {  	v7 =	vmin.u32 v7, $0x27FF;
	v8 =	vsub.s32 v9, v4  }
0x182: {  	vm3 =	vgt.s32 v8, $0x0;
	[tilespmem:s2+$0x2740] =	vst.msk vm1, v7;
	v6 =	vnsel vm2, $0x0, v6  }
0x183: {  	v7 =	vnsel vm3, $0x0, v8;
	[tilespmem:s2+$0x35C0] =	vst.msk vm1, v6  }
0x184: {  	v7 =	vmin.u32 v7, $0x27FF;
	s29 =	spop (v2sf);
	v6 =	vld [tilespmem:s7+$0xF80]  }
0x185: {  	s10 =	simm.s32 $0x10;
	s8 =	simm.s32 $0x0;
	s9 =	sadd.s32 $0x0, s29;
	[tilespmem:s2+$0x2AE0] =	vst.msk vm1, v7  }
.LBB2_11:
0x186: {  	_ = 	snop  }
0x187: {  	s7 =	smov.u32 s9;
	p0 =	sne.s32 s10, $0x370  }
0x188: {  	s2 =	sadd.s32 $0x40, s2;
	s14 =	smov.u32 s10;
	s10 =	sadd.s32 $0x10, s10  }
0x189: {  	s13 =	sand.u32 $0x70, s14;
	s18 =	sand.u32 $0xE00, s2;
	v6 =	vnsel vm0, $0x0, v6  }
0x18a: {  	s13 =	sor.u32 s13, s18;
	[tilespmem:s8+$0x3960] =	vst.msk vm1, v6;
	s8 =	smov.u32 s9  }
0x18b: {  	v6 =	vld [tilespmem:s13+$0x80]  }
0x18c: {  	v7 =	vld [tilespmem:s13+$0x100]  }
0x18d: {  	v8 =	vld [tilespmem:s13+$0x0]  }
0x18e: {  	v9 =	vld [tilespmem:s13+$0x180];
	_ =	sdelay $0x1  }
0x18f: {  	vm0 =	vge.s32 v6, v4;
	vm1 =	vlt.s32 v6, v5;
	v6 =	vsub.s32 v6, v4  }
0x190: {  	vm2 =	vge.s32 v7, v4;
	vm5 =	vlt.s32 v7, v5;
	vm6 =	vgt.s32 v6, $0x0  }
0x191: {  	vm3 =	vge.s32 v8, v4;
	vm4 =	vlt.s32 v8, v5;
	v8 =	vsub.s32 v8, v4  }
0x192: {  	vm2 =	vmand vm2, vm5;
	vm4 =	vmand vm3, vm4;
	vm3 =	vmand vm0, vm1  }
0x193: {  	vm0 =	vge.s32 v9, v4;
	vm1 =	vlt.s32 v9, v5;
	vm5 =	vmor vm4, vm3  }
0x194: {  	s14 =	sadd.s32 s14, s15;
	vm0 =	vmand vm0, vm1;
	vm1 =	vmor vm5, vm2;
	vm5 =	vgt.s32 v8, $0x0  }
0x195: {  	v10 =	vor.u32 s14, v0;
	vm1 =	vmor vm1, vm0;
	v8 =	vnsel vm5, $0x0, v8  }
0x196: {  	v7 =	vsub.s32 v7, v4;
	v6 =	vnsel vm6, $0x0, v6;
	v11 =	vmpcnt.ones.xlane vm1;
	[tilespmem:s9+$0x1C00] =	vst.msk vm1, v10  }
0x197: {  	v9 =	vsub.s32 v9, v4;
	vm5 =	vgt.s32 v7, $0x0;
	v10 =	vld [tilespmem:s13+$0xE00]  }
0x198: {  	v7 =	vnsel vm5, $0x0, v7;
	vm5 =	vgt.s32 v9, $0x0;
	(v2sf) =	vpush v11, $0x0  }
0x199: {  	v9 =	vnsel vm5, $0x0, v9;
	_ =	sdelay $0x1  }
0x19a: {  	v8 =	vmin.u32 v8, $0x27FF  }
0x19b: {  	v10 =	vnsel vm4, $0x0, v10;
	[tilespmem:s9+$0x2000] =	vst.msk vm1, v8  }
0x19c: {  	[tilespmem:s9+$0x2E80] =	vst.msk vm1, v10  }
0x19d: {  	v6 =	vmin.u32 v6, $0x27FF;
	v8 =	vld [tilespmem:s13+$0xE80]  }
0x19e: {  	[tilespmem:s9+$0x23A0] =	vst.msk vm1, v6;
	_ =	sdelay $0x3  }
0x19f: {  	v6 =	vnsel vm3, $0x0, v8  }
0x1a0: {  	[tilespmem:s9+$0x3220] =	vst.msk vm1, v6  }
0x1a1: {  	v6 =	vmin.u32 v7, $0x27FF;
	v7 =	vld [tilespmem:s13+$0xF00]  }
0x1a2: {  	[tilespmem:s9+$0x2740] =	vst.msk vm1, v6  }
0x1a3: {  	s14 =	spop (v2sf)  }
0x1a4: {  	s9 =	sadd.s32 s9, s14  }
.Ltmp6:
0x1a5: {  	(pc) =	sbr.rel @p0 .LBB2_11-.Ltmp6, $4  }
0x1a6: {  	v6 =	vnsel vm2, $0x0, v7  }
0x1a7: {  	[tilespmem:s8+$0x35C0] =	vst.msk vm1, v6  }
0x1a8: {  	v7 =	vmin.u32 v9, $0x27FF;
	v6 =	vld [tilespmem:s13+$0xF80]  }
0x1a9: {  	[tilespmem:s8+$0x2AE0] =	vst.msk vm1, v7  }
0x1aa: {  	s2 =	sadd.s32 $0x1F, s9  }
0x1ab: {  	s10 =	sand.u32 $0x1F, s2  }
0x1ac: {  	s24 =	sshra.s32 s2, $0x1F;
	p1 =	slt.s32 s2, $0x1;
	p0 =	sne.s32 s10, $0x0  }
0x1ad: {  	s10 =	sshrl.u32 s24, $0x1B;
	p0 =	por !p1, !p0  }
0x1ae: {  	s2 =	sadd.s32 s10, s2;
	s10 =	simm.s32 $0x1;
	p0 =	por !p0, !p0  }
0x1af: {  	s2 =	sshrl.u32 s2, $0x5;
	s10 =	simm.s32 @!p0 $0x0  }
0x1b0: {  	s2 =	ssub.s32 s2, s10  }
0x1b1: {  	s18 =	sshll.u32 s2, $0x5  }
0x1b2: {  	s2 =	ssub.s32 s18, s9  }
0x1b3: {  	s2 =	sadd.s32 $0xF, s2  }
0x1b4: {  	s26 =	sand.u32 $0xF, s2  }
0x1b5: {  	s29 =	sshra.s32 s2, $0x1F;
	p6 =	slt.s32 s2, $0x1;
	p5 =	sne.s32 s26, $0x0  }
0x1b6: {  	s9 =	sshrl.u32 s29, $0x1C;
	p0 =	por !p6, !p5  }
0x1b7: {  	s2 =	sadd.s32 s9, s2;
	s9 =	simm.s32 $0x1;
	p0 =	por !p0, !p0  }
0x1b8: {  	s2 =	sshra.s32 s2, $0x4;
	s9 =	simm.s32 @!p0 $0x0  }
0x1b9: {  	s9 =	ssub.s32 s2, s9  }
0x1ba: {  	p0 =	slt.s32 s9, $0x1  }
.Ltmp7:
0x1bb: {  	_ = 	snop;
	(pc) =	sbr.rel @p0 .LBB2_15-.Ltmp7, $4  }
0x1bc: {  	_ = 	snop  }
0x1bd: {  	v6 =	vnsel vm0, $0x0, v6  }
0x1be: {  	[tilespmem:s8+$0x3960] =	vst.msk vm1, v6  }
0x1bf: {  	_ =	strace $0x9000004A  }
0x1c0: {  	s2 =	sadd.s32 s7, s14  }
0x1c1: {  	s2 =	sshll.u32 s2, $0x2  }
0x1c2: {  	s29 =	sshra.s32 s2, $0x2  }
0x1c3: {  	s8 =	sadd.s32 $0x1C00, s29  }
0x1c4: {  	s2 =	sadd.s32 $0x2740, s29;
	[tilespmem:s8+$0x0] =	vst v1  }
0x1c5: {  	s7 =	sadd.s32 $0x35C0, s29;
	[tilespmem:s2+$0xFFFFF8C0] =	vst v2  }
0x1c6: {  	[tilespmem:s7+$0xFFFFF8C0] =	vst v3  }
0x1c7: {  	p0 =	sne.s32 s9, $0x1;
	[tilespmem:s2+$0xFFFFFC60] =	vst v2  }
.Ltmp8:
0x1c8: {  	[tilespmem:s7+$0xFFFFFC60] =	vst v3;
	(pc) =	sbr.rel @!p0 .LBB2_15-.Ltmp8, $4  }
0x1c9: {  	[tilespmem:s2+$0x0] =	vst v2  }
0x1ca: {  	[tilespmem:s7+$0x0] =	vst v3  }
0x1cb: {  	[tilespmem:s2+$0x3A0] =	vst v2  }
0x1cc: {  	s9 =	sadd.s32 $0xFFFFFFFF, s9;
	s8 =	sadd.s32 $0x10, s8;
	[tilespmem:s7+$0x3A0] =	vst v3  }
.LBB2_14:
0x1cd: {  	[tilespmem:s8+$0x0] =	vst v1;
	p0 =	sne.s32 s9, $0x1;
	s2 =	sadd.s32 $0x10, s2  }
0x1ce: {  	s7 =	sadd.s32 $0x10, s7;
	[tilespmem:s2+$0xFFFFF8C0] =	vst v2  }
0x1cf: {  	[tilespmem:s7+$0xFFFFF8C0] =	vst v3  }
0x1d0: {  	[tilespmem:s2+$0xFFFFFC60] =	vst v2  }
.Ltmp9:
0x1d1: {  	[tilespmem:s7+$0xFFFFFC60] =	vst v3;
	(pc) =	sbr.rel @p0 .LBB2_14-.Ltmp9, $4  }
0x1d2: {  	[tilespmem:s2+$0x0] =	vst v2  }
0x1d3: {  	[tilespmem:s7+$0x0] =	vst v3  }
0x1d4: {  	[tilespmem:s2+$0x3A0] =	vst v2  }
0x1d5: {  	s8 =	sadd.s32 $0x10, s8;
	s9 =	sadd.s32 $0xFFFFFFFF, s9;
	[tilespmem:s7+$0x3A0] =	vst v3  }
.LBB2_15:
0x1d6: {  	s7 =	sshra.s32 s18, $0x5  }
0x1d7: {  	p0 =	sgt.s32 s7, $0x0  }
.Ltmp10:
0x1d8: {  	_ = 	snop;
	(pc) =	sbr.rel @!p0 .LBB2_16-.Ltmp10, $1  }
0x1d9: {  	_ =	sdelay $0x3  }
0x1da: {  	s2 =	simm.s32 $0x1C00;
	s8 =	simm.s32 $0x3D00  }
0x1db: {  	[tilespmem:s8], [sflag:$0x2] =	stream.indirect.gather [hbm4b:s6+s20], $0x80, s2, s20, $0xb8;
	[tilespmem:$0x1F080] =	vst v63  }
0x1dc: {  	s8 =	simm.s32 $0x0;
	s2 =	simm.s32 $0x0;
	_ =	strace $0x8000004B  }
.LBB2_18:
0x1dd: {  	p0 =	seq.s32 s2, $0x0  }
0x1de: {  	s9 =	simm.s32 @!p0 $0x3  }
0x1df: {  	_ =	swait.ge @!p0 [sflag:s9], $0x1000  }
0x1e0: {  	[sflag:s9] =	ssyncset.done @!p0 $0x0  }
0x1e1: {  	[sflag:s9] =	ssyncadd.s32 @!p0 $0xFFFFF000  }
0x1e2: {  	_ =	swait.ge @!p0 [sflag:s9], $0x20  }
0x1e3: {  	[sflag:s9] =	ssyncset.done @!p0 $0x0  }
0x1e4: {  	[sflag:s9] =	ssyncadd.s32 @!p0 $0xFFFFFFE0  }
0x1e5: {  	_ =	swait.ge @!p0 [sflag:s9], $0x1000  }
0x1e6: {  	[sflag:s9] =	ssyncset.done @!p0 $0x0  }
0x1e7: {  	[sflag:s9] =	ssyncadd.s32 @!p0 $0xFFFFF000  }
0x1e8: {  	_ =	swait.ge @!p0 [sflag:s9], $0x20  }
0x1e9: {  	[sflag:s9] =	ssyncset.done @!p0 $0x0  }
0x1ea: {  	[sflag:s9] =	ssyncadd.s32 @!p0 $0xFFFFFFE0  }
0x1eb: {  	_ =	swait.ge @!p0 [sflag:s9], $0x1000  }
0x1ec: {  	[sflag:s9] =	ssyncset.done @!p0 $0x0  }
0x1ed: {  	[sflag:s9] =	ssyncadd.s32 @!p0 $0xFFFFF000  }
0x1ee: {  	_ =	swait.ge @!p0 [sflag:s9], $0x20  }
0x1ef: {  	[sflag:s9] =	ssyncset.done @!p0 $0x0  }
0x1f0: {  	[sflag:s9] =	ssyncadd.s32 @!p0 $0xFFFFFFE0  }
0x1f1: {  	_ =	swait.ge @!p0 [sflag:s9], $0x1000  }
0x1f2: {  	[sflag:s9] =	ssyncset.done @!p0 $0x0  }
0x1f3: {  	[sflag:s9] =	ssyncadd.s32 @!p0 $0xFFFFF000  }
0x1f4: {  	_ =	swait.ge @!p0 [sflag:s9], $0x20  }
0x1f5: {  	[sflag:s9] =	ssyncset.done @!p0 $0x0  }
0x1f6: {  	s23 =	sshll.u32 s2, $0x5;
	[sflag:s9] =	ssyncadd.s32 @!p0 $0xFFFFFFE0  }
0x1f7: {  	v6 =	vld [tilespmem:s23+$0x2000];
	_ =	sdelay $0x4  }
0x1f8: {  	[tilespmem:$0x8D00] =	vst v6  }
0x1f9: {  	v6 =	vld [tilespmem:s23+$0x2010];
	_ =	sdelay $0x4  }
0x1fa: {  	[tilespmem:$0x8D10] =	vst v6  }
0x1fb: {  	v6 =	vld [tilespmem:s23+$0x23A0];
	_ =	sdelay $0x4  }
0x1fc: {  	[tilespmem:$0x8D80] =	vst v6  }
0x1fd: {  	v6 =	vld [tilespmem:s23+$0x23B0];
	_ =	sdelay $0x4  }
0x1fe: {  	[tilespmem:$0x8D90] =	vst v6  }
0x1ff: {  	v6 =	vld [tilespmem:s23+$0x2740];
	_ =	sdelay $0x4  }
0x200: {  	[tilespmem:$0x8E00] =	vst v6  }
0x201: {  	v6 =	vld [tilespmem:s23+$0x2750];
	_ =	sdelay $0x4  }
0x202: {  	[tilespmem:$0x8E10] =	vst v6  }
0x203: {  	v6 =	vld [tilespmem:s23+$0x2AE0];
	_ =	sdelay $0x4  }
0x204: {  	[tilespmem:$0x8E80] =	vst v6  }
0x205: {  	v6 =	vld [tilespmem:s23+$0x2AF0];
	_ =	sdelay $0x2  }
0x206: {  	s13 =	sadd.s32 $0x0, s8  }
0x207: {  	v7 =	vmov s13  }
0x208: {  	[tilespmem:$0x8E90] =	vst v6  }
0x209: {  	_ =	swait.ge [sflag:s5], $0x1000  }
0x20a: {  	[sflag:s5] =	ssyncset.done $0x0  }
0x20b: {  	[sflag:s5] =	ssyncadd.s32 $0xFFFFF000  }
0x20c: {  	s9 =	simm.s32 $0x3D40;
	v14 =	vld.idx.msk [tilespmem:v7+s21+$0x0], $0xffff  }
0x20d: {  	v8 =	vld [tilespmem:s9+$0x30]  }
0x20e: {  	v12 =	vld [tilespmem:s9+$0xFFFFFFC0]  }
0x20f: {  	v10 =	vld [tilespmem:s9+$0xFFFFFFE0]  }
0x210: {  	v9 =	vld [tilespmem:s9+$0xFFFFFFF0]  }
0x211: {  	v6 =	vld [tilespmem:s9+$0x10]  }
0x212: {  	v13 =	vld [tilespmem:s9+$0xFFFFFFD0];
	v15 =	vmul.f32 v14, v8  }
0x213: {  	s10 =	simm.s32 $0x6D00;
	v7 =	vld [tilespmem:s9+$0x20];
	v16 =	vmul.f32 v14, v12  }
0x214: {  	v11 =	vld [tilespmem:s9+$0x0];
	v17 =	vmul.f32 v14, v10;
	[tilespmem:s10+$0xFFFFE070] =	vst v15  }
0x215: {  	v15 =	vmul.f32 v14, v9;
	[tilespmem:s10+$0xFFFFE000] =	vst v16  }
0x216: {  	s14 =	sadd.s32 $0x3A0, s13;
	v57 =	vmul.f32 v14, v6;
	[tilespmem:s10+$0xFFFFE020] =	vst v17  }
0x217: {  	v58 =	vmul.f32 v14, v13;
	[tilespmem:s10+$0xFFFFE030] =	vst v15;
	v15 =	vmov s14  }
0x218: {  	v18 =	vmul.f32 v14, v7;
	[tilespmem:s10+$0xFFFFE050] =	vst v57  }
0x219: {  	v14 =	vmul.f32 v14, v11;
	[tilespmem:s10+$0xFFFFE010] =	vst v58  }
0x21a: {  	[tilespmem:s10+$0xFFFFE060] =	vst v18  }
0x21b: {  	[tilespmem:s10+$0xFFFFE040] =	vst v14  }
0x21c: {  	v14 =	vld.idx.msk [tilespmem:v15+s21+$0x0], $0xffff;
	_ =	sdelay $0x4  }
0x21d: {  	v15 =	vmul.f32 v14, v12  }
0x21e: {  	v59 =	vmul.f32 v14, v13  }
0x21f: {  	v60 =	vmul.f32 v14, v11;
	[tilespmem:s10+$0xFFFFF000] =	vst v15  }
0x220: {  	v15 =	vmul.f32 v14, v9;
	[tilespmem:s10+$0xFFFFF010] =	vst v59  }
0x221: {  	s29 =	sadd.s32 $0x740, s13;
	v61 =	vmul.f32 v14, v8;
	[tilespmem:s10+$0xFFFFF040] =	vst v60  }
0x222: {  	v62 =	vmul.f32 v14, v6;
	[tilespmem:s10+$0xFFFFF030] =	vst v15;
	v15 =	vmov s29  }
0x223: {  	v63 =	vmul.f32 v14, v10;
	[tilespmem:s10+$0xFFFFF070] =	vst v61  }
0x224: {  	v14 =	vmul.f32 v14, v7;
	[tilespmem:s10+$0xFFFFF050] =	vst v62  }
0x225: {  	[tilespmem:s10+$0xFFFFF020] =	vst v63  }
0x226: {  	[tilespmem:s10+$0xFFFFF060] =	vst v14  }
0x227: {  	s24 =	sadd.s32 $0xAE0, s13;
	s13 =	simm.s32 $0x6D00;
	s14 =	simm.s32 $0x1;
	v14 =	vld.idx.msk [tilespmem:v15+s21+$0x0], $0xffff  }
.LBB2_19:
0x228: {  	_ = 	snop  }
0x229: {  	p0 =	sne.s32 s14, $0x1F;
	s10 =	sadd.s32 $0x80, s10;
	s9 =	sadd.s32 $0x80, s9  }
0x22a: {  	s26 =	smov.u32 s14;
	s14 =	sadd.s32 $0x1, s14;
	_ =	sdelay $0x1  }
0x22b: {  	v15 =	vmul.f32 v14, v12;
	v16 =	vmul.f32 v14, v7  }
0x22c: {  	v17 =	vmul.f32 v14, v10;
	v18 =	vmul.f32 v14, v9  }
0x22d: {  	v19 =	vmul.f32 v14, v6;
	[tilespmem:s13+$0x0] =	vst v15;
	v15 =	vmul.f32 v14, v11  }
0x22e: {  	v20 =	vmul.f32 v14, v13;
	v14 =	vmul.f32 v14, v8;
	[tilespmem:s13+$0x60] =	vst v16  }
0x22f: {  	[tilespmem:s13+$0x20] =	vst v17  }
0x230: {  	v16 =	vmov s24;
	[tilespmem:s13+$0x30] =	vst v18  }
0x231: {  	[tilespmem:s13+$0x70] =	vst v14  }
0x232: {  	[tilespmem:s13+$0x50] =	vst v19  }
0x233: {  	[tilespmem:s13+$0x10] =	vst v20  }
0x234: {  	[tilespmem:s13+$0x40] =	vst v15  }
0x235: {  	v14 =	vld.idx.msk [tilespmem:v16+s21+$0x0], $0xffff;
	_ =	sdelay $0x5  }
0x236: {  	v12 =	vmul.f32 v14, v12;
	v13 =	vmul.f32 v14, v13  }
0x237: {  	v10 =	vmul.f32 v14, v10;
	v9 =	vmul.f32 v14, v9  }
0x238: {  	v11 =	vmul.f32 v14, v11;
	v6 =	vmul.f32 v14, v6;
	[tilespmem:s13+$0x1000] =	vst v12  }
0x239: {  	v7 =	vmul.f32 v14, v7;
	v8 =	vmul.f32 v14, v8;
	[tilespmem:s13+$0x1030] =	vst v9  }
0x23a: {  	[tilespmem:s13+$0x1010] =	vst v13  }
0x23b: {  	[tilespmem:s13+$0x1050] =	vst v6  }
0x23c: {  	[tilespmem:s13+$0x1070] =	vst v8  }
0x23d: {  	[tilespmem:s13+$0x1060] =	vst v7  }
0x23e: {  	s24 =	sadd.s32 s26, s8;
	[tilespmem:s13+$0x1020] =	vst v10  }
0x23f: {  	s29 =	sadd.s32 $0x3A0, s24;
	s26 =	sadd.s32 $0x740, s24;
	v8 =	vmov s24;
	s24 =	sadd.s32 $0xAE0, s24;
	[tilespmem:s13+$0x1040] =	vst v11  }
0x240: {  	s13 =	smov.u32 s10;
	v6 =	vld [tilespmem:s9+$0x10]  }
0x241: {  	v9 =	vld [tilespmem:s9+$0xFFFFFFF0]  }
0x242: {  	v7 =	vld [tilespmem:s9+$0x20]  }
0x243: {  	v12 =	vld [tilespmem:s9+$0xFFFFFFC0]  }
0x244: {  	v14 =	vld.idx.msk [tilespmem:v8+s21+$0x0], $0xffff  }
0x245: {  	v8 =	vld [tilespmem:s9+$0x30]  }
0x246: {  	v10 =	vld [tilespmem:s9+$0xFFFFFFE0]  }
0x247: {  	v13 =	vld [tilespmem:s9+$0xFFFFFFD0]  }
0x248: {  	v11 =	vld [tilespmem:s9+$0x0];
	_ =	sdelay $0x1  }
0x249: {  	v15 =	vmul.f32 v14, v12;
	v16 =	vmul.f32 v14, v8  }
0x24a: {  	v18 =	vmul.f32 v14, v7;
	v17 =	vmul.f32 v14, v10  }
0x24b: {  	v20 =	vmul.f32 v14, v9;
	v19 =	vmul.f32 v14, v13;
	[tilespmem:s10+$0xFFFFE070] =	vst v16  }
0x24c: {  	[tilespmem:s10+$0xFFFFE000] =	vst v15;
	v15 =	vmul.f32 v14, v11;
	v14 =	vmul.f32 v14, v6  }
0x24d: {  	[tilespmem:s10+$0xFFFFE020] =	vst v17  }
0x24e: {  	v16 =	vmov s29;
	[tilespmem:s10+$0xFFFFE030] =	vst v20  }
0x24f: {  	[tilespmem:s10+$0xFFFFE050] =	vst v14  }
0x250: {  	[tilespmem:s10+$0xFFFFE010] =	vst v19  }
0x251: {  	[tilespmem:s10+$0xFFFFE060] =	vst v18  }
0x252: {  	[tilespmem:s10+$0xFFFFE040] =	vst v15  }
0x253: {  	v14 =	vld.idx.msk [tilespmem:v16+s21+$0x0], $0xffff;
	_ =	sdelay $0x5  }
0x254: {  	v15 =	vmul.f32 v14, v12;
	v16 =	vmul.f32 v14, v11  }
0x255: {  	v17 =	vmul.f32 v14, v13;
	v18 =	vmul.f32 v14, v6  }
0x256: {  	v19 =	vmul.f32 v14, v9;
	[tilespmem:s10+$0xFFFFF000] =	vst v15;
	v15 =	vmul.f32 v14, v10  }
0x257: {  	[tilespmem:s10+$0xFFFFF010] =	vst v17;
	v17 =	vmul.f32 v14, v7;
	v14 =	vmul.f32 v14, v8  }
0x258: {  	[tilespmem:s10+$0xFFFFF040] =	vst v16  }
0x259: {  	v16 =	vmov s26;
	[tilespmem:s10+$0xFFFFF030] =	vst v19  }
.Ltmp11:
0x25a: {  	[tilespmem:s10+$0xFFFFF070] =	vst v14;
	(pc) =	sbr.rel @p0 .LBB2_19-.Ltmp11, $4  }
0x25b: {  	[tilespmem:s10+$0xFFFFF050] =	vst v18  }
0x25c: {  	[tilespmem:s10+$0xFFFFF020] =	vst v15  }
0x25d: {  	[tilespmem:s10+$0xFFFFF060] =	vst v17  }
0x25e: {  	v14 =	vld.idx.msk [tilespmem:v16+s21+$0x0], $0xffff  }
0x25f: {  	_ =	sdelay $0x3  }
0x260: {  	v15 =	vmul.f32 v14, v12  }
0x261: {  	v16 =	vmul.f32 v14, v7  }
0x262: {  	v17 =	vmul.f32 v14, v10;
	[tilespmem:s13+$0x0] =	vst v15  }
0x263: {  	v54 =	vmul.f32 v14, v9;
	[tilespmem:s13+$0x60] =	vst v16  }
0x264: {  	v55 =	vmul.f32 v14, v8;
	[tilespmem:s13+$0x20] =	vst v17  }
0x265: {  	v57 =	vmov s24;
	v56 =	vmul.f32 v14, v6;
	[tilespmem:s13+$0x30] =	vst v54  }
0x266: {  	v18 =	vmul.f32 v14, v13;
	[tilespmem:s13+$0x70] =	vst v55  }
0x267: {  	v58 =	vmul.f32 v14, v11;
	[tilespmem:s13+$0x50] =	vst v56  }
0x268: {  	[tilespmem:s13+$0x10] =	vst v18  }
0x269: {  	[tilespmem:s13+$0x40] =	vst v58  }
0x26a: {  	v14 =	vld.idx.msk [tilespmem:v57+s21+$0x0], $0xffff;
	_ =	sdelay $0x4  }
0x26b: {  	v59 =	vmul.f32 v14, v12  }
0x26c: {  	v60 =	vmul.f32 v14, v9  }
0x26d: {  	v61 =	vmul.f32 v14, v13;
	[tilespmem:s13+$0x1000] =	vst v59  }
0x26e: {  	v6 =	vmul.f32 v14, v6;
	[tilespmem:s13+$0x1030] =	vst v60  }
0x26f: {  	v62 =	vmul.f32 v14, v8;
	[tilespmem:s13+$0x1010] =	vst v61  }
0x270: {  	v7 =	vmul.f32 v14, v7;
	[tilespmem:s13+$0x1050] =	vst v6  }
0x271: {  	v63 =	vmul.f32 v14, v11;
	[tilespmem:s13+$0x1070] =	vst v62  }
0x272: {  	s2 =	sadd.s32 $0x1, s2;
	v6 =	vmul.f32 v14, v10;
	[tilespmem:s13+$0x1060] =	vst v7  }
0x273: {  	p0 =	sge.s32 s2, s7;
	[tilespmem:s13+$0x1040] =	vst v63  }
0x274: {  	s9 =	sadd.s32 @!p0 $0x1C20, s23;
	s10 =	simm.s32 @!p0 $0x20;
	[tilespmem:s13+$0x1020] =	vst v6;
	s13 =	simm.s32 @!p0 $0x3D00  }
0x275: {  	[tilespmem:s13], [sflag:$0x2] =	stream.indirect.gather @!p0 [hbm4b:s6+s10], $0x80, s9, s10, $0x2000b8;
	[tilespmem:$0x1F080] =	vst v63  }
0x276: {  	s29 =	simm.s32 $0x4D00  }
0x277: {  	[spmem:s1] =	stream.indirect.scatter.add.f32 [tilespmem:s29], [sflag:$0x3], $0x80, s22, s20, $0x2000b8;
	[tilespmem:$0x1F080] =	vst v63  }
0x278: {  	s10 =	sadd.s32 $0x2E80, s23  }
0x279: {  	[spmem:s3] =	stream.indirect.scatter.add.f32 [tilespmem:s10], [sflag:$0x3], $0x1, s22, s20, $0x2000b8;
	[tilespmem:$0x1F080] =	vst v63  }
0x27a: {  	s13 =	simm.s32 $0x5D00  }
0x27b: {  	[spmem:s1] =	stream.indirect.scatter.add.f32 [tilespmem:s13], [sflag:$0x3], $0x80, s25, s20, $0x2000b8;
	[tilespmem:$0x1F080] =	vst v63  }
0x27c: {  	s14 =	sadd.s32 $0x3220, s23  }
0x27d: {  	[spmem:s3] =	stream.indirect.scatter.add.f32 [tilespmem:s14], [sflag:$0x3], $0x1, s25, s20, $0x2000b8;
	[tilespmem:$0x1F080] =	vst v63  }
0x27e: {  	s24 =	simm.s32 $0x6D00  }
0x27f: {  	[spmem:s1] =	stream.indirect.scatter.add.f32 [tilespmem:s24], [sflag:$0x3], $0x80, s28, s20, $0x2000b8;
	[tilespmem:$0x1F080] =	vst v63  }
0x280: {  	s26 =	sadd.s32 $0x35C0, s23;
	p0 =	sne.s32 s2, s7  }
0x281: {  	[spmem:s3] =	stream.indirect.scatter.add.f32 [tilespmem:s26], [sflag:$0x3], $0x1, s28, s20, $0x2000b8;
	[tilespmem:$0x1F080] =	vst v63  }
.Ltmp12:
0x282: {  	_ = 	snop;
	(pc) =	sbr.rel @p0 .LBB2_18-.Ltmp12, $4  }
.Ltmp13:
0x283: {  	_ = 	snop;
	(pc) =	sbr.rel @!p0 .LBB2_21-.Ltmp13, $4  }
0x284: {  	[spmem:s1] =	stream.indirect.scatter.add.f32 [tilespmem:s31], [sflag:$0x3], $0x80, s30, s20, $0x2000b8;
	[tilespmem:$0x1F080] =	vst v63  }
0x285: {  	s8 =	sadd.s32 $0x20, s8;
	s29 =	sadd.s32 $0x3960, s23  }
0x286: {  	[spmem:s3] =	stream.indirect.scatter.add.f32 [tilespmem:s29], [sflag:$0x3], $0x1, s30, s20, $0x2000b8;
	[tilespmem:$0x1F080] =	vst v63  }
0x287: {  	_ = 	snop  }
.LBB2_23:
0x288: {  	[bflag:$0x0] =	sbarrier.arrive $0xFFFF  }
0x289: {  	_ =	strace $0x8000004C  }
0x28a: {  	s14 =	rddreg [dreg:$0xc]  }
0x28b: {  	s7 =	sld [smem:$0x7E1]  }
0x28c: {  	s9 =	simm.s32 $0x9980;
	s2 =	rddreg [dreg:$0xb]  }
0x28d: {  	[tilespmem:s9], [sflag:$0x2] =	stream.linear.gather [spmem:s14], $0x800, $0x200038;
	[tilespmem:$0x1F080] =	vst v63  }
0x28e: {  	_ =	swait.ge [sflag:s5], $0x800;
	s2 =	sadd.s32 s2, s7  }
0x28f: {  	[sflag:s5] =	ssyncset.done $0x0;
	s8 =	rddreg [dreg:$0x9];
	s7 =	sshll.u32 s2, $0x4  }
0x290: {  	[sflag:s5] =	ssyncadd.s32 $0xFFFFF800;
	s7 =	sadd.s32 s8, s7  }
0x291: {  	[hbm4b:s7+s4] =	stream.linear.scatter [tilespmem:s9], [sflag:$0x5], $0x800, $0x200038;
	[tilespmem:$0x1F080] =	vst v63  }
0x292: {  	s26 =	simm.s32 $0xA180;
	s13 =	rddreg [dreg:$0xf]  }
0x293: {  	[tilespmem:s26], [sflag:$0x2] =	stream.linear.gather [spmem:s13], $0x800, $0x200038;
	[tilespmem:$0x1F080] =	vst v63  }
0x294: {  	_ =	swait.ge [sflag:s5], $0x800  }
0x295: {  	[sflag:s5] =	ssyncset.done $0x0  }
0x296: {  	s7 =	sadd.s32 $0x100, s7;
	[sflag:s5] =	ssyncadd.s32 $0xFFFFF800  }
0x297: {  	[hbm4b:s7+s4] =	stream.linear.scatter [tilespmem:s26], [sflag:$0x5], $0x800, $0x200038;
	[tilespmem:$0x1F080] =	vst v63  }
0x298: {  	s29 =	simm.s32 $0x1000;
	_ =	swait.ge [sflag:s0], $0x800  }
0x299: {  	s7 =	sand.u32 $0x800, s29;
	[sflag:s0] =	ssyncset.done $0x0  }
0x29a: {  	s12 =	sadd.s32 $0x9980, s7;
	s15 =	rddreg [dreg:$0x10];
	[sflag:s0] =	ssyncadd.s32 $0xFFFFF800  }
0x29b: {  	[tilespmem:s12], [sflag:$0x2] =	stream.linear.gather [spmem:s15], $0x800, $0x200038;
	[tilespmem:$0x1F080] =	vst v63  }
0x29c: {  	_ =	swait.ge [sflag:s5], $0x800  }
0x29d: {  	s16 =	sld [smem:$0x7DF];
	_ =	sdelay $0x1  }
0x29e: {  	s7 =	simm.s32 $0x1800;
	s8 =	sadd.s32 $0x800, s15;
	[sflag:s5] =	ssyncset.done $0x0  }
0x29f: {  	[sflag:s5] =	ssyncadd.s32 $0xFFFFF800;
	s9 =	sadd.s32 $0x100, s16;
	s10 =	smov.u32 s16  }
.LBB2_24:
0x2a0: {  	[hbm4b:s10+s4] =	stream.linear.scatter [tilespmem:s12], [sflag:$0x5], $0x800, $0x200038;
	[tilespmem:$0x1F080] =	vst v63  }
0x2a1: {  	s12 =	smov.u32 s7;
	s10 =	smov.u32 s9  }
0x2a2: {  	p0 =	sne.s32 s7, $0x13800;
	s7 =	sadd.s32 $0x800, s7;
	_ =	swait.ge [sflag:s0], $0x800  }
0x2a3: {  	s12 =	sand.u32 $0x800, s12;
	[sflag:s0] =	ssyncset.done $0x0  }
.Ltmp14:
0x2a4: {  	s12 =	sadd.s32 $0x9980, s12;
	[sflag:s0] =	ssyncadd.s32 $0xFFFFF800;
	(pc) =	sbr.rel @p0 .LBB2_24-.Ltmp14, $4  }
0x2a5: {  	[tilespmem:s12], [sflag:$0x2] =	stream.linear.gather [spmem:s8], $0x800, $0x200038;
	[tilespmem:$0x1F080] =	vst v63  }
0x2a6: {  	_ =	swait.ge [sflag:s5], $0x800  }
0x2a7: {  	[sflag:s5] =	ssyncset.done $0x0  }
0x2a8: {  	s9 =	sadd.s32 $0x100, s9;
	s8 =	sadd.s32 $0x800, s8;
	[sflag:s5] =	ssyncadd.s32 $0xFFFFF800  }
0x2a9: {  	[hbm4b:s10+s4] =	stream.linear.scatter [tilespmem:s12], [sflag:$0x5], $0x800, $0x200038;
	[tilespmem:$0x1F080] =	vst v63  }
0x2aa: {  	_ =	strace $0x9000004C  }
0x2ab: {  	_ =	swait.ge [sflag:s0], $0x800  }
0x2ac: {  	[sflag:s0] =	ssyncset.done $0x0  }
0x2ad: {  	[sflag:s0] =	ssyncadd.s32 $0xFFFFF800  }
0x2ae: {  	_ =	swait.ge [sflag:s0], $0x800  }
0x2af: {  	[sflag:s0] =	ssyncset.done $0x0  }
0x2b0: {  	s9 =	simm.s32 $0xA980;
	s8 =	rddreg [dreg:$0xd];
	[sflag:s0] =	ssyncadd.s32 $0xFFFFF800  }
0x2b1: {  	[tilespmem:s9], [sflag:$0x2] =	stream.linear.gather [spmem:s8], $0x280, $0x38;
	[tilespmem:$0x1F080] =	vst v63  }
0x2b2: {  	_ =	swait.ge [sflag:s5], $0x280  }
0x2b3: {  	s2 =	sshrl.u32 s2, $0x3;
	[sflag:s5] =	ssyncset.done $0x0;
	s7 =	rddreg [dreg:$0xa]  }
0x2b4: {  	[sflag:s5] =	ssyncadd.s32 $0xFFFFFD80;
	s2 =	sadd.s32 s7, s2  }
0x2b5: {  	[hbm4b:s2+s4] =	stream.linear.scatter [tilespmem:s9], [sflag:$0x2], $0x280, $0x38;
	[tilespmem:$0x1F080] =	vst v63  }
0x2b6: {  	_ =	swait.ge [sflag:s5], $0x280  }
0x2b7: {  	[sflag:s5] =	ssyncset.done $0x0  }
0x2b8: {  	[sflag:s5] =	ssyncadd.s32 $0xFFFFFD80  }
0x2b9: {  	s7 =	simm.s32 $0x8F00;
	_ =	strace $0x8000004D  }
0x2ba: {  	[spmem:s14] =	stream.linear.scatter [tilespmem:s7], [sflag:$0x4], $0x800, $0x200038;
	[tilespmem:$0x1F080] =	vst v63  }
0x2bb: {  	_ = 	snop  }
0x2bc: {  	[spmem:s13] =	stream.linear.scatter [tilespmem:s7], [sflag:$0x4], $0x800, $0x200038;
	[tilespmem:$0x1F080] =	vst v63  }
0x2bd: {  	s26 =	rddreg [dreg:$0x11]  }
0x2be: {  	[spmem:s15] =	stream.linear.scatter [tilespmem:s7], [sflag:$0x4], $0x800, $0x200038;
	[tilespmem:$0x1F080] =	vst v63  }
0x2bf: {  	s29 =	rddreg [dreg:$0x12]  }
0x2c0: {  	[spmem:s26] =	stream.linear.scatter [tilespmem:s7], [sflag:$0x4], $0x800, $0x200038;
	[tilespmem:$0x1F080] =	vst v63  }
0x2c1: {  	s9 =	rddreg [dreg:$0x15]  }
0x2c2: {  	[spmem:s29] =	stream.linear.scatter [tilespmem:s7], [sflag:$0x4], $0x800, $0x200038;
	[tilespmem:$0x1F080] =	vst v63  }
0x2c3: {  	s10 =	rddreg [dreg:$0x16]  }
0x2c4: {  	[spmem:s9] =	stream.linear.scatter [tilespmem:s7], [sflag:$0x4], $0x800, $0x200038;
	[tilespmem:$0x1F080] =	vst v63  }
0x2c5: {  	s12 =	rddreg [dreg:$0x18]  }
0x2c6: {  	[spmem:s10] =	stream.linear.scatter [tilespmem:s7], [sflag:$0x4], $0x800, $0x200038;
	[tilespmem:$0x1F080] =	vst v63  }
0x2c7: {  	s17 =	rddreg [dreg:$0x19]  }
0x2c8: {  	[spmem:s12] =	stream.linear.scatter [tilespmem:s7], [sflag:$0x4], $0x800, $0x200038;
	[tilespmem:$0x1F080] =	vst v63  }
0x2c9: {  	s18 =	rddreg [dreg:$0x1a]  }
0x2ca: {  	[spmem:s17] =	stream.linear.scatter [tilespmem:s7], [sflag:$0x4], $0x800, $0x200038;
	[tilespmem:$0x1F080] =	vst v63  }
0x2cb: {  	s23 =	rddreg [dreg:$0x1b]  }
0x2cc: {  	[spmem:s18] =	stream.linear.scatter [tilespmem:s7], [sflag:$0x4], $0x800, $0x200038;
	[tilespmem:$0x1F080] =	vst v63  }
0x2cd: {  	s24 =	rddreg [dreg:$0x1c]  }
0x2ce: {  	[spmem:s23] =	stream.linear.scatter [tilespmem:s7], [sflag:$0x4], $0x800, $0x200038;
	[tilespmem:$0x1F080] =	vst v63  }
0x2cf: {  	s26 =	rddreg [dreg:$0x1d]  }
0x2d0: {  	[spmem:s24] =	stream.linear.scatter [tilespmem:s7], [sflag:$0x4], $0x800, $0x200038;
	[tilespmem:$0x1F080] =	vst v63  }
0x2d1: {  	s29 =	rddreg [dreg:$0x1e]  }
0x2d2: {  	[spmem:s26] =	stream.linear.scatter [tilespmem:s7], [sflag:$0x4], $0x800, $0x200038;
	[tilespmem:$0x1F080] =	vst v63  }
0x2d3: {  	s9 =	rddreg [dreg:$0x1f]  }
0x2d4: {  	[spmem:s29] =	stream.linear.scatter [tilespmem:s7], [sflag:$0x4], $0x800, $0x200038;
	[tilespmem:$0x1F080] =	vst v63  }
0x2d5: {  	s10 =	sld [smem:$0x7E4]  }
0x2d6: {  	[spmem:s9] =	stream.linear.scatter [tilespmem:s7], [sflag:$0x4], $0x800, $0x200038;
	[tilespmem:$0x1F080] =	vst v63  }
0x2d7: {  	s12 =	sld [smem:$0x7E5]  }
0x2d8: {  	[spmem:s10] =	stream.linear.scatter [tilespmem:s7], [sflag:$0x4], $0x800, $0x200038;
	[tilespmem:$0x1F080] =	vst v63  }
0x2d9: {  	s17 =	sld [smem:$0x7E6]  }
0x2da: {  	[spmem:s12] =	stream.linear.scatter [tilespmem:s7], [sflag:$0x4], $0x800, $0x200038;
	[tilespmem:$0x1F080] =	vst v63  }
0x2db: {  	s18 =	sld [smem:$0x7E7]  }
0x2dc: {  	[spmem:s17] =	stream.linear.scatter [tilespmem:s7], [sflag:$0x4], $0x800, $0x200038;
	[tilespmem:$0x1F080] =	vst v63  }
0x2dd: {  	s23 =	sld [smem:$0x7E8]  }
0x2de: {  	[spmem:s18] =	stream.linear.scatter [tilespmem:s7], [sflag:$0x4], $0x800, $0x200038;
	[tilespmem:$0x1F080] =	vst v63  }
0x2df: {  	s24 =	sld [smem:$0x7E9]  }
0x2e0: {  	[spmem:s23] =	stream.linear.scatter [tilespmem:s7], [sflag:$0x4], $0x800, $0x200038;
	[tilespmem:$0x1F080] =	vst v63  }
0x2e1: {  	s26 =	sld [smem:$0x7EA]  }
0x2e2: {  	[spmem:s24] =	stream.linear.scatter [tilespmem:s7], [sflag:$0x4], $0x800, $0x200038;
	[tilespmem:$0x1F080] =	vst v63  }
0x2e3: {  	s29 =	sld [smem:$0x7EB]  }
0x2e4: {  	[spmem:s26] =	stream.linear.scatter [tilespmem:s7], [sflag:$0x4], $0x800, $0x200038;
	[tilespmem:$0x1F080] =	vst v63  }
0x2e5: {  	s9 =	sld [smem:$0x7EC]  }
0x2e6: {  	[spmem:s29] =	stream.linear.scatter [tilespmem:s7], [sflag:$0x4], $0x800, $0x200038;
	[tilespmem:$0x1F080] =	vst v63  }
0x2e7: {  	s10 =	sld [smem:$0x7ED]  }
0x2e8: {  	[spmem:s9] =	stream.linear.scatter [tilespmem:s7], [sflag:$0x4], $0x800, $0x200038;
	[tilespmem:$0x1F080] =	vst v63  }
0x2e9: {  	s12 =	sld [smem:$0x7EE]  }
0x2ea: {  	[spmem:s10] =	stream.linear.scatter [tilespmem:s7], [sflag:$0x4], $0x800, $0x200038;
	[tilespmem:$0x1F080] =	vst v63  }
0x2eb: {  	s17 =	sld [smem:$0x7EF]  }
0x2ec: {  	[spmem:s12] =	stream.linear.scatter [tilespmem:s7], [sflag:$0x4], $0x800, $0x200038;
	[tilespmem:$0x1F080] =	vst v63  }
0x2ed: {  	s18 =	sld [smem:$0x7F0]  }
0x2ee: {  	[spmem:s17] =	stream.linear.scatter [tilespmem:s7], [sflag:$0x4], $0x800, $0x200038;
	[tilespmem:$0x1F080] =	vst v63  }
0x2ef: {  	s23 =	sld [smem:$0x7F1]  }
0x2f0: {  	[spmem:s18] =	stream.linear.scatter [tilespmem:s7], [sflag:$0x4], $0x800, $0x200038;
	[tilespmem:$0x1F080] =	vst v63  }
0x2f1: {  	s24 =	sld [smem:$0x7F2]  }
0x2f2: {  	[spmem:s23] =	stream.linear.scatter [tilespmem:s7], [sflag:$0x4], $0x800, $0x200038;
	[tilespmem:$0x1F080] =	vst v63  }
0x2f3: {  	s26 =	sld [smem:$0x7F3]  }
0x2f4: {  	[spmem:s24] =	stream.linear.scatter [tilespmem:s7], [sflag:$0x4], $0x800, $0x200038;
	[tilespmem:$0x1F080] =	vst v63  }
0x2f5: {  	s29 =	sld [smem:$0x7F4]  }
0x2f6: {  	[spmem:s26] =	stream.linear.scatter [tilespmem:s7], [sflag:$0x4], $0x800, $0x200038;
	[tilespmem:$0x1F080] =	vst v63  }
0x2f7: {  	s9 =	sld [smem:$0x7F5]  }
0x2f8: {  	[spmem:s29] =	stream.linear.scatter [tilespmem:s7], [sflag:$0x4], $0x800, $0x200038;
	[tilespmem:$0x1F080] =	vst v63  }
0x2f9: {  	s10 =	sld [smem:$0x7F6]  }
0x2fa: {  	[spmem:s9] =	stream.linear.scatter [tilespmem:s7], [sflag:$0x4], $0x800, $0x200038;
	[tilespmem:$0x1F080] =	vst v63  }
0x2fb: {  	s12 =	sld [smem:$0x7F7]  }
0x2fc: {  	[spmem:s10] =	stream.linear.scatter [tilespmem:s7], [sflag:$0x4], $0x800, $0x200038;
	[tilespmem:$0x1F080] =	vst v63  }
0x2fd: {  	s17 =	sld [smem:$0x7F8]  }
0x2fe: {  	[spmem:s12] =	stream.linear.scatter [tilespmem:s7], [sflag:$0x4], $0x800, $0x200038;
	[tilespmem:$0x1F080] =	vst v63  }
0x2ff: {  	s18 =	sld [smem:$0x7F9]  }
0x300: {  	[spmem:s17] =	stream.linear.scatter [tilespmem:s7], [sflag:$0x4], $0x800, $0x200038;
	[tilespmem:$0x1F080] =	vst v63  }
0x301: {  	s23 =	sld [smem:$0x7FA]  }
0x302: {  	[spmem:s18] =	stream.linear.scatter [tilespmem:s7], [sflag:$0x4], $0x800, $0x200038;
	[tilespmem:$0x1F080] =	vst v63  }
0x303: {  	s24 =	sld [smem:$0x7FB]  }
0x304: {  	[spmem:s23] =	stream.linear.scatter [tilespmem:s7], [sflag:$0x4], $0x800, $0x200038;
	[tilespmem:$0x1F080] =	vst v63  }
0x305: {  	s26 =	sld [smem:$0x7FC]  }
0x306: {  	[spmem:s24] =	stream.linear.scatter [tilespmem:s7], [sflag:$0x4], $0x800, $0x200038;
	[tilespmem:$0x1F080] =	vst v63  }
0x307: {  	_ = 	snop  }
0x308: {  	[spmem:s26] =	stream.linear.scatter [tilespmem:s7], [sflag:$0x4], $0x800, $0x200038;
	[tilespmem:$0x1F080] =	vst v63  }
0x309: {  	s29 =	simm.s32 $0x9700  }
0x30a: {  	[spmem:s8] =	stream.linear.scatter [tilespmem:s29], [sflag:$0x4], $0x280, $0x200038;
	[tilespmem:$0x1F080] =	vst v63  }
0x30b: {  	_ =	swait.ge [sflag:s11], $0x800  }
0x30c: {  	s2 =	simm.s32 $0x27;
	[sflag:s11] =	ssyncset.done $0x0  }
.LBB2_26:
0x30d: {  	p0 =	sne.s32 s2, $0x1;
	s2 =	sadd.s32 $0xFFFFFFFF, s2;
	[sflag:s11] =	ssyncadd.s32 $0xFFFFF800  }
.Ltmp15:
0x30e: {  	(pc) =	sbr.rel @p0 .LBB2_26-.Ltmp15, $3  }
0x30f: {  	_ =	sdelay $0x1  }
0x310: {  	_ =	swait.ge [sflag:s11], $0x800  }
0x311: {  	[sflag:s11] =	ssyncset.done $0x0  }
0x312: {  	[sflag:s11] =	ssyncadd.s32 $0xFFFFF800  }
0x313: {  	_ =	swait.ge [sflag:s11], $0x280  }
0x314: {  	s2 =	sld [smem:$0x7E0];
	_ =	sdelay $0x2  }
0x315: {  	s2 =	sadd.s32 $0x1, s2  }
0x316: {  	p0 =	sne.s32 s2, $0xA  }
.Ltmp16:
0x317: {  	[sflag:s11] =	ssyncset.done $0x0;
	(pc) =	sbr.rel @p0 .LBB2_6-.Ltmp16, $4  }
0x318: {  	[sflag:s11] =	ssyncadd.s32 $0xFFFFFD80  }
0x319: {  	_ =	strace $0x9000004D  }
0x31a: {  	[bflag:$0x0] =	sbarrier.arrive $0xFFFF  }
0x31b: {  	s16 =	sadd.s32 $0x50000, s16  }
0x31c: {  	s7 =	sld [smem:$0x7E3];
	_ =	sdelay $0x2  }
0x31d: {  	s2 =	rddreg [dreg:$0xe];
	s7 =	sadd.s32 $0x1, s7  }
0x31e: {  	p0 =	sne.s32 s7, s2  }
.Ltmp17:
0x31f: {  	_ = 	snop;
	(pc) =	sbr.rel @p0 .LBB2_1-.Ltmp17, $1  }
0x320: {  	_ =	sdelay $0x3  }
0x321: {  	_ =	sfence.sel $0x180000  }
0x322: {  	[bflag:$0x0] =	sbarrier.arrive $0xFFFF  }
0x323: {  	_ =	strace $0x90000047  }
0x324: {  	s0 =	stileid.u32;
	[bflag:$0x2] =	sbarrier.arrive $0xFFFF  }
0x325: {  	p0 =	sne.s32 s0, $0x0;
	s0 =	rddreg [dreg:$0x5]  }
0x326: {  	s0 =	sadd.s32 @!p0 $0x100000, s0  }
0x327: {  	[sflag:s0] =	ssyncadd.tile.s32 @!p0 $0x1;
	_ =	shalt  }
.Lfunc_end2:
_tile_overlayer_lowered:
.L_overlay_start_2:
0x328: {  	(tag) =	ssettag $0x2  }
0x329: {  	s0 =	rddreg [dreg:$0x0];
	s2 =	stileid.u32  }
0x32a: {  	s1 =	rddreg [dreg:$0x1];
	p0 =	sne.s32 s2, $0x0  }
0x32b: {  	s3 =	rddreg [dreg:$0x2];
	[bflag:$0x3] =	sbarrier.arrive $0xFFFF;
	s2 =	simm.s32 @!p0 $0x1C06  }
0x32c: {  	[timem:s3], [sflag:s2] =	dma.local @!p0 [hbm:s0], s1  }
0x32d: {  	s0 =	simm.s32 @!p0 $0x6  }
0x32e: {  	_ =	swait.ge @!p0 [sflag:s0], s1  }
0x32f: {  	s1 =	ssub.s32 @!p0 $0x0, s1;
	[sflag:s0] =	ssyncset.done @!p0 $0x0  }
0x330: {  	[sflag:s0] =	ssyncadd.s32 @!p0 s1  }
0x331: {  	[bflag:$0x3] =	sbarrier.arrive $0xFFFF  }
0x332: {  	_ =	shalt  }

</sc_bundles>
